<compile_context>
chip_gen: v7x
topology: tpu7x:2x2x1
jax: 0.10.2.dev20260603
libtpu: 0.0.44.dev20260713+nightly
codegen_flags: <defaults>
</compile_context>

<pallas_src>
import functools

import jax
import jax.numpy as jnp
from jax import lax
from jax.experimental import pallas as pl
from jax.experimental.pallas import tpu as pltpu
from jax.experimental.pallas import tpu_sc as plsc

BATCH = 64
HIDDEN = 4096
VOCAB = 32000



@functools.cache
def _make_sc_gather():
    mesh = plsc.ScalarSubcoreMesh(axis_name="c", num_cores=1)

    @functools.partial(
        pl.kernel,
        mesh=mesh,
        out_type=jax.ShapeDtypeStruct((BATCH, HIDDEN), jnp.float32),
        scratch_types=[
            pltpu.SMEM((BATCH,), jnp.int32),
            pltpu.SemaphoreType.DMA,
        ],
    )
    def _sc_gather(idx_hbm, table_hbm, out_hbm, idx_s, sem):
        pltpu.sync_copy(idx_hbm, idx_s)
        for i in range(BATCH):
            pltpu.make_async_copy(
                table_hbm.at[pl.ds(idx_s[i], 1)],
                out_hbm.at[pl.ds(i, 1)],
                sem,
            ).start()
        for i in range(BATCH):
            pltpu.make_async_copy(
                table_hbm.at[pl.ds(idx_s[i], 1)],
                out_hbm.at[pl.ds(i, 1)],
                sem,
            ).wait()

    return _sc_gather



_VB = 640


def _proj_body(ids_ref, table_ref, w_ref, b_ref, out_ref, emb_vmem, sem):
    @pl.when(pl.program_id(0) == 0)
    def _():
        for i in range(BATCH):
            pltpu.make_async_copy(
                table_ref.at[pl.ds(ids_ref[i], 1)],
                emb_vmem.at[pl.ds(i, 1)],
                sem,
            ).start()
        for i in range(BATCH):
            pltpu.make_async_copy(
                table_ref.at[pl.ds(ids_ref[i], 1)],
                emb_vmem.at[pl.ds(i, 1)],
                sem,
            ).wait()

    acc = lax.dot_general(
        emb_vmem[...].astype(jnp.bfloat16),
        w_ref[...].astype(jnp.bfloat16),
        dimension_numbers=(((1,), (1,)), ((), ())),
        preferred_element_type=jnp.float32,
    )
    out_ref[:, 0, :] = acc + b_ref[...]


def _projection(ids, table, w_out, b_out):
    return pl.pallas_call(
        _proj_body,
        grid=(VOCAB // _VB,),
        in_specs=[
            pl.BlockSpec(memory_space=pltpu.SMEM),
            pl.BlockSpec(memory_space=pltpu.MemorySpace.HBM),
            pl.BlockSpec((_VB, HIDDEN), lambda j: (j, 0)),
            pl.BlockSpec((1, _VB), lambda j: (0, j)),
        ],
        out_specs=pl.BlockSpec((BATCH, 1, _VB), lambda j: (0, 0, j)),
        out_shape=jax.ShapeDtypeStruct((BATCH, 1, VOCAB), jnp.float32),
        scratch_shapes=[
            pltpu.VMEM((BATCH, HIDDEN), jnp.float32),
            pltpu.SemaphoreType.DMA,
        ],
        compiler_params=pltpu.CompilerParams(
            dimension_semantics=("arbitrary",),
        ),
    )(ids, table, w_out, b_out)


def kernel(input_ids, embed_table, W_out, b_out):
    ids = input_ids.reshape(BATCH).astype(jnp.int32)
    emb = _make_sc_gather()(ids, embed_table)
    logits = _projection(ids, embed_table, W_out, b_out.reshape(1, VOCAB))
    return (logits, emb.reshape(BATCH, 1, HIDDEN))

# --- scband reference (transcript-rebuilt; emitter-appended) ---
"""Pipeline reference for scband-mock-llama-model-3289944949000 (READ-ONLY COPY).

The authoritative reference and input builder live on the scoring server;
editing this copy changes nothing except your own understanding.
"""

import jax, jax.numpy as jnp
import numpy as np

HIDDEN = 4096
VOCAB = 32000
BATCH = 64
QLEN = 1

def setup_inputs(seed: int = 0) -> dict:
    key = jax.random.key(seed)
    k1, k2, k3 = jax.random.split(key, 3)
    input_ids = jax.random.randint(k1, (BATCH, QLEN), 0, VOCAB, dtype=jnp.int64 if jax.config.jax_enable_x64 else jnp.int32)
    embed_table = jax.random.normal(k2, (VOCAB, HIDDEN), dtype=jnp.float32) * 0.02
    W_out = jax.random.normal(k3, (VOCAB, HIDDEN), dtype=jnp.float32) * 0.02
    b_out = jnp.zeros((VOCAB,), dtype=jnp.float32)
    return {"input_ids": input_ids, "embed_table": embed_table, "W_out": W_out, "b_out": b_out}

def reference(input_ids, embed_table, W_out, b_out):
    # nn.Embedding lookup -> gather rows of the table
    embeddings = jnp.take(embed_table, input_ids, axis=0)  # [B, L, H]
    # nn.Linear(hidden_size, vocab_size): y = x @ W^T + b
    logits = jnp.einsum('blh,vh->blv', embeddings, W_out) + b_out  # [B, L, V]
    # Mock output object exposes logits and last_hidden_state; return both
    return (logits, embeddings)

if __name__ == "__main__":
    import jax
    _d = setup_inputs()
    print(jax.jit(kernel)(*tuple(_d.values())))

</pallas_src>

<mosaic_0001>
#map = affine_map<(d0) -> (0)>
#map1 = affine_map<(d0) -> (0, 0)>
module attributes {stable_mosaic.version = 14 : i64} {
  func.func @_sc_gather(%arg0: i32, %arg1: memref<64xi32, #tpu.memory_space<hbm>>, %arg2: memref<32000x4096xf32, #tpu.memory_space<hbm>>, %arg3: memref<64x4096xf32, #tpu.memory_space<hbm>>, %arg4: memref<64xi32, #tpu.memory_space<smem>>, %arg5: memref<!tpu.dma_semaphore, #tpu.memory_space<semaphore_mem>>) attributes {dimension_semantics = [#tpu.dimension_semantics<core_parallel>], iteration_bounds = array<i64: 1>, scalar_prefetch = 0 : i64, scratch_operands = 2 : i64, tpu.core_type = #tpu.core_type<sc_scalar_subcore>, window_params = [{transform_indices = #map}, {transform_indices = #map1}, {transform_indices = #map1}]} {
    "tpu.region"() ({
      %run_scoped3A = tpu.sem_alloc : memref<!tpu.dma_semaphore, #tpu.memory_space<semaphore_mem>>
      tpu.enqueue_dma source(%arg1 : memref<64xi32, #tpu.memory_space<hbm>>) target(%arg4 : memref<64xi32, #tpu.memory_space<smem>>) target_semaphore(%run_scoped3A : memref<!tpu.dma_semaphore, #tpu.memory_space<semaphore_mem>>)
      tpu.wait_dma2 semaphore(%run_scoped3A : memref<!tpu.dma_semaphore, #tpu.memory_space<semaphore_mem>>) src(%arg1 : memref<64xi32, #tpu.memory_space<hbm>>) dst(%arg4 : memref<64xi32, #tpu.memory_space<smem>>)
      tpu.yield
    }) : () -> ()
    %get3A = arith.constant 0 : i32
    %get3A_0 = arith.index_cast %get3A : i32 to index
    %get3A_1 = memref.load %arg4[%get3A_0] : memref<64xi32, #tpu.memory_space<smem>>
    %dma_start3A = arith.constant 0 : i32
    %dma_start3A_2 = arith.constant 0 : i32
    %dma_start3A_3 = tpu.memref_slice %arg3[%dma_start3A, %dma_start3A_2] : memref<64x4096xf32, #tpu.memory_space<hbm>> -> memref<1x4096xf32, #tpu.memory_space<hbm>>
    %dma_start3A_4 = arith.constant 0 : i32
    %dma_start3A_5 = tpu.memref_slice %arg2[%get3A_1, %dma_start3A_4] : memref<32000x4096xf32, #tpu.memory_space<hbm>> -> memref<1x4096xf32, #tpu.memory_space<hbm>>
    tpu.enqueue_dma source(%dma_start3A_5 : memref<1x4096xf32, #tpu.memory_space<hbm>>) target(%dma_start3A_3 : memref<1x4096xf32, #tpu.memory_space<hbm>>) target_semaphore(%arg5 : memref<!tpu.dma_semaphore, #tpu.memory_space<semaphore_mem>>)
    %get3A_6 = arith.constant 1 : i32
    %get3A_7 = arith.index_cast %get3A_6 : i32 to index
    %get3A_8 = memref.load %arg4[%get3A_7] : memref<64xi32, #tpu.memory_space<smem>>
    %dma_start3A_9 = arith.constant 1 : i32
    %dma_start3A_10 = arith.constant 0 : i32
    %dma_start3A_11 = tpu.memref_slice %arg3[%dma_start3A_9, %dma_start3A_10] : memref<64x4096xf32, #tpu.memory_space<hbm>> -> memref<1x4096xf32, #tpu.memory_space<hbm>>
    %dma_start3A_12 = arith.constant 0 : i32
    %dma_start3A_13 = tpu.memref_slice %arg2[%get3A_8, %dma_start3A_12] : memref<32000x4096xf32, #tpu.memory_space<hbm>> -> memref<1x4096xf32, #tpu.memory_space<hbm>>
    tpu.enqueue_dma source(%dma_start3A_13 : memref<1x4096xf32, #tpu.memory_space<hbm>>) target(%dma_start3A_11 : memref<1x4096xf32, #tpu.memory_space<hbm>>) target_semaphore(%arg5 : memref<!tpu.dma_semaphore, #tpu.memory_space<semaphore_mem>>)
    %get3A_14 = arith.constant 2 : i32
    %get3A_15 = arith.index_cast %get3A_14 : i32 to index
    %get3A_16 = memref.load %arg4[%get3A_15] : memref<64xi32, #tpu.memory_space<smem>>
    %dma_start3A_17 = arith.constant 2 : i32
    %dma_start3A_18 = arith.constant 0 : i32
    %dma_start3A_19 = tpu.memref_slice %arg3[%dma_start3A_17, %dma_start3A_18] : memref<64x4096xf32, #tpu.memory_space<hbm>> -> memref<1x4096xf32, #tpu.memory_space<hbm>>
    %dma_start3A_20 = arith.constant 0 : i32
    %dma_start3A_21 = tpu.memref_slice %arg2[%get3A_16, %dma_start3A_20] : memref<32000x4096xf32, #tpu.memory_space<hbm>> -> memref<1x4096xf32, #tpu.memory_space<hbm>>
    tpu.enqueue_dma source(%dma_start3A_21 : memref<1x4096xf32, #tpu.memory_space<hbm>>) target(%dma_start3A_19 : memref<1x4096xf32, #tpu.memory_space<hbm>>) target_semaphore(%arg5 : memref<!tpu.dma_semaphore, #tpu.memory_space<semaphore_mem>>)
    %get3A_22 = arith.constant 3 : i32
    %get3A_23 = arith.index_cast %get3A_22 : i32 to index
    %get3A_24 = memref.load %arg4[%get3A_23] : memref<64xi32, #tpu.memory_space<smem>>
    %dma_start3A_25 = arith.constant 3 : i32
    %dma_start3A_26 = arith.constant 0 : i32
    %dma_start3A_27 = tpu.memref_slice %arg3[%dma_start3A_25, %dma_start3A_26] : memref<64x4096xf32, #tpu.memory_space<hbm>> -> memref<1x4096xf32, #tpu.memory_space<hbm>>
    %dma_start3A_28 = arith.constant 0 : i32
    %dma_start3A_29 = tpu.memref_slice %arg2[%get3A_24, %dma_start3A_28] : memref<32000x4096xf32, #tpu.memory_space<hbm>> -> memref<1x4096xf32, #tpu.memory_space<hbm>>
    tpu.enqueue_dma source(%dma_start3A_29 : memref<1x4096xf32, #tpu.memory_space<hbm>>) target(%dma_start3A_27 : memref<1x4096xf32, #tpu.memory_space<hbm>>) target_semaphore(%arg5 : memref<!tpu.dma_semaphore, #tpu.memory_space<semaphore_mem>>)
    %get3A_30 = arith.constant 4 : i32
    %get3A_31 = arith.index_cast %get3A_30 : i32 to index
    %get3A_32 = memref.load %arg4[%get3A_31] : memref<64xi32, #tpu.memory_space<smem>>
    %dma_start3A_33 = arith.constant 4 : i32
    %dma_start3A_34 = arith.constant 0 : i32
    %dma_start3A_35 = tpu.memref_slice %arg3[%dma_start3A_33, %dma_start3A_34] : memref<64x4096xf32, #tpu.memory_space<hbm>> -> memref<1x4096xf32, #tpu.memory_space<hbm>>
    %dma_start3A_36 = arith.constant 0 : i32
    %dma_start3A_37 = tpu.memref_slice %arg2[%get3A_32, %dma_start3A_36] : memref<32000x4096xf32, #tpu.memory_space<hbm>> -> memref<1x4096xf32, #tpu.memory_space<hbm>>
    tpu.enqueue_dma source(%dma_start3A_37 : memref<1x4096xf32, #tpu.memory_space<hbm>>) target(%dma_start3A_35 : memref<1x4096xf32, #tpu.memory_space<hbm>>) target_semaphore(%arg5 : memref<!tpu.dma_semaphore, #tpu.memory_space<semaphore_mem>>)
    %get3A_38 = arith.constant 5 : i32
    %get3A_39 = arith.index_cast %get3A_38 : i32 to index
    %get3A_40 = memref.load %arg4[%get3A_39] : memref<64xi32, #tpu.memory_space<smem>>
    %dma_start3A_41 = arith.constant 5 : i32
    %dma_start3A_42 = arith.constant 0 : i32
    %dma_start3A_43 = tpu.memref_slice %arg3[%dma_start3A_41, %dma_start3A_42] : memref<64x4096xf32, #tpu.memory_space<hbm>> -> memref<1x4096xf32, #tpu.memory_space<hbm>>
    %dma_start3A_44 = arith.constant 0 : i32
    %dma_start3A_45 = tpu.memref_slice %arg2[%get3A_40, %dma_start3A_44] : memref<32000x4096xf32, #tpu.memory_space<hbm>> -> memref<1x4096xf32, #tpu.memory_space<hbm>>
    tpu.enqueue_dma source(%dma_start3A_45 : memref<1x4096xf32, #tpu.memory_space<hbm>>) target(%dma_start3A_43 : memref<1x4096xf32, #tpu.memory_space<hbm>>) target_semaphore(%arg5 : memref<!tpu.dma_semaphore, #tpu.memory_space<semaphore_mem>>)
    %get3A_46 = arith.constant 6 : i32
    %get3A_47 = arith.index_cast %get3A_46 : i32 to index
    %get3A_48 = memref.load %arg4[%get3A_47] : memref<64xi32, #tpu.memory_space<smem>>
    %dma_start3A_49 = arith.constant 6 : i32
    %dma_start3A_50 = arith.constant 0 : i32
    %dma_start3A_51 = tpu.memref_slice %arg3[%dma_start3A_49, %dma_start3A_50] : memref<64x4096xf32, #tpu.memory_space<hbm>> -> memref<1x4096xf32, #tpu.memory_space<hbm>>
    %dma_start3A_52 = arith.constant 0 : i32
    %dma_start3A_53 = tpu.memref_slice %arg2[%get3A_48, %dma_start3A_52] : memref<32000x4096xf32, #tpu.memory_space<hbm>> -> memref<1x4096xf32, #tpu.memory_space<hbm>>
    tpu.enqueue_dma source(%dma_start3A_53 : memref<1x4096xf32, #tpu.memory_space<hbm>>) target(%dma_start3A_51 : memref<1x4096xf32, #tpu.memory_space<hbm>>) target_semaphore(%arg5 : memref<!tpu.dma_semaphore, #tpu.memory_space<semaphore_mem>>)
    %get3A_54 = arith.constant 7 : i32
    %get3A_55 = arith.index_cast %get3A_54 : i32 to index
    %get3A_56 = memref.load %arg4[%get3A_55] : memref<64xi32, #tpu.memory_space<smem>>
    %dma_start3A_57 = arith.constant 7 : i32
    %dma_start3A_58 = arith.constant 0 : i32
    %dma_start3A_59 = tpu.memref_slice %arg3[%dma_start3A_57, %dma_start3A_58] : memref<64x4096xf32, #tpu.memory_space<hbm>> -> memref<1x4096xf32, #tpu.memory_space<hbm>>
    %dma_start3A_60 = arith.constant 0 : i32
    %dma_start3A_61 = tpu.memref_slice %arg2[%get3A_56, %dma_start3A_60] : memref<32000x4096xf32, #tpu.memory_space<hbm>> -> memref<1x4096xf32, #tpu.memory_space<hbm>>
    tpu.enqueue_dma source(%dma_start3A_61 : memref<1x4096xf32, #tpu.memory_space<hbm>>) target(%dma_start3A_59 : memref<1x4096xf32, #tpu.memory_space<hbm>>) target_semaphore(%arg5 : memref<!tpu.dma_semaphore, #tpu.memory_space<semaphore_mem>>)
    %get3A_62 = arith.constant 8 : i32
    %get3A_63 = arith.index_cast %get3A_62 : i32 to index
    %get3A_64 = memref.load %arg4[%get3A_63] : memref<64xi32, #tpu.memory_space<smem>>
    %dma_start3A_65 = arith.constant 8 : i32
    %dma_start3A_66 = arith.constant 0 : i32
    %dma_start3A_67 = tpu.memref_slice %arg3[%dma_start3A_65, %dma_start3A_66] : memref<64x4096xf32, #tpu.memory_space<hbm>> -> memref<1x4096xf32, #tpu.memory_space<hbm>>
    %dma_start3A_68 = arith.constant 0 : i32
    %dma_start3A_69 = tpu.memref_slice %arg2[%get3A_64, %dma_start3A_68] : memref<32000x4096xf32, #tpu.memory_space<hbm>> -> memref<1x4096xf32, #tpu.memory_space<hbm>>
    tpu.enqueue_dma source(%dma_start3A_69 : memref<1x4096xf32, #tpu.memory_space<hbm>>) target(%dma_start3A_67 : memref<1x4096xf32, #tpu.memory_space<hbm>>) target_semaphore(%arg5 : memref<!tpu.dma_semaphore, #tpu.memory_space<semaphore_mem>>)
    %get3A_70 = arith.constant 9 : i32
    %get3A_71 = arith.index_cast %get3A_70 : i32 to index
    %get3A_72 = memref.load %arg4[%get3A_71] : memref<64xi32, #tpu.memory_space<smem>>
    %dma_start3A_73 = arith.constant 9 : i32
    %dma_start3A_74 = arith.constant 0 : i32
    %dma_start3A_75 = tpu.memref_slice %arg3[%dma_start3A_73, %dma_start3A_74] : memref<64x4096xf32, #tpu.memory_space<hbm>> -> memref<1x4096xf32, #tpu.memory_space<hbm>>
    %dma_start3A_76 = arith.constant 0 : i32
    %dma_start3A_77 = tpu.memref_slice %arg2[%get3A_72, %dma_start3A_76] : memref<32000x4096xf32, #tpu.memory_space<hbm>> -> memref<1x4096xf32, #tpu.memory_space<hbm>>
    tpu.enqueue_dma source(%dma_start3A_77 : memref<1x4096xf32, #tpu.memory_space<hbm>>) target(%dma_start3A_75 : memref<1x4096xf32, #tpu.memory_space<hbm>>) target_semaphore(%arg5 : memref<!tpu.dma_semaphore, #tpu.memory_space<semaphore_mem>>)
    %get3A_78 = arith.constant 10 : i32
    %get3A_79 = arith.index_cast %get3A_78 : i32 to index
    %get3A_80 = memref.load %arg4[%get3A_79] : memref<64xi32, #tpu.memory_space<smem>>
    %dma_start3A_81 = arith.constant 10 : i32
    %dma_start3A_82 = arith.constant 0 : i32
    %dma_start3A_83 = tpu.memref_slice %arg3[%dma_start3A_81, %dma_start3A_82] : memref<64x4096xf32, #tpu.memory_space<hbm>> -> memref<1x4096xf32, #tpu.memory_space<hbm>>
    %dma_start3A_84 = arith.constant 0 : i32
    %dma_start3A_85 = tpu.memref_slice %arg2[%get3A_80, %dma_start3A_84] : memref<32000x4096xf32, #tpu.memory_space<hbm>> -> memref<1x4096xf32, #tpu.memory_space<hbm>>
    tpu.enqueue_dma source(%dma_start3A_85 : memref<1x4096xf32, #tpu.memory_space<hbm>>) target(%dma_start3A_83 : memref<1x4096xf32, #tpu.memory_space<hbm>>) target_semaphore(%arg5 : memref<!tpu.dma_semaphore, #tpu.memory_space<semaphore_mem>>)
    %get3A_86 = arith.constant 11 : i32
    %get3A_87 = arith.index_cast %get3A_86 : i32 to index
    %get3A_88 = memref.load %arg4[%get3A_87] : memref<64xi32, #tpu.memory_space<smem>>
    %dma_start3A_89 = arith.constant 11 : i32
    %dma_start3A_90 = arith.constant 0 : i32
    %dma_start3A_91 = tpu.memref_slice %arg3[%dma_start3A_89, %dma_start3A_90] : memref<64x4096xf32, #tpu.memory_space<hbm>> -> memref<1x4096xf32, #tpu.memory_space<hbm>>
    %dma_start3A_92 = arith.constant 0 : i32
    %dma_start3A_93 = tpu.memref_slice %arg2[%get3A_88, %dma_start3A_92] : memref<32000x4096xf32, #tpu.memory_space<hbm>> -> memref<1x4096xf32, #tpu.memory_space<hbm>>
    tpu.enqueue_dma source(%dma_start3A_93 : memref<1x4096xf32, #tpu.memory_space<hbm>>) target(%dma_start3A_91 : memref<1x4096xf32, #tpu.memory_space<hbm>>) target_semaphore(%arg5 : memref<!tpu.dma_semaphore, #tpu.memory_space<semaphore_mem>>)
    %get3A_94 = arith.constant 12 : i32
    %get3A_95 = arith.index_cast %get3A_94 : i32 to index
    %get3A_96 = memref.load %arg4[%get3A_95] : memref<64xi32, #tpu.memory_space<smem>>
    %dma_start3A_97 = arith.constant 12 : i32
    %dma_start3A_98 = arith.constant 0 : i32
    %dma_start3A_99 = tpu.memref_slice %arg3[%dma_start3A_97, %dma_start3A_98] : memref<64x4096xf32, #tpu.memory_space<hbm>> -> memref<1x4096xf32, #tpu.memory_space<hbm>>
    %dma_start3A_100 = arith.constant 0 : i32
    %dma_start3A_101 = tpu.memref_slice %arg2[%get3A_96, %dma_start3A_100] : memref<32000x4096xf32, #tpu.memory_space<hbm>> -> memref<1x4096xf32, #tpu.memory_space<hbm>>
    tpu.enqueue_dma source(%dma_start3A_101 : memref<1x4096xf32, #tpu.memory_space<hbm>>) target(%dma_start3A_99 : memref<1x4096xf32, #tpu.memory_space<hbm>>) target_semaphore(%arg5 : memref<!tpu.dma_semaphore, #tpu.memory_space<semaphore_mem>>)
    %get3A_102 = arith.constant 13 : i32
    %get3A_103 = arith.index_cast %get3A_102 : i32 to index
    %get3A_104 = memref.load %arg4[%get3A_103] : memref<64xi32, #tpu.memory_space<smem>>
    %dma_start3A_105 = arith.constant 13 : i32
    %dma_start3A_106 = arith.constant 0 : i32
    %dma_start3A_107 = tpu.memref_slice %arg3[%dma_start3A_105, %dma_start3A_106] : memref<64x4096xf32, #tpu.memory_space<hbm>> -> memref<1x4096xf32, #tpu.memory_space<hbm>>
    %dma_start3A_108 = arith.constant 0 : i32
    %dma_start3A_109 = tpu.memref_slice %arg2[%get3A_104, %dma_start3A_108] : memref<32000x4096xf32, #tpu.memory_space<hbm>> -> memref<1x4096xf32, #tpu.memory_space<hbm>>
    tpu.enqueue_dma source(%dma_start3A_109 : memref<1x4096xf32, #tpu.memory_space<hbm>>) target(%dma_start3A_107 : memref<1x4096xf32, #tpu.memory_space<hbm>>) target_semaphore(%arg5 : memref<!tpu.dma_semaphore, #tpu.memory_space<semaphore_mem>>)
    %get3A_110 = arith.constant 14 : i32
    %get3A_111 = arith.index_cast %get3A_110 : i32 to index
    %get3A_112 = memref.load %arg4[%get3A_111] : memref<64xi32, #tpu.memory_space<smem>>
    %dma_start3A_113 = arith.constant 14 : i32
    %dma_start3A_114 = arith.constant 0 : i32
    %dma_start3A_115 = tpu.memref_slice %arg3[%dma_start3A_113, %dma_start3A_114] : memref<64x4096xf32, #tpu.memory_space<hbm>> -> memref<1x4096xf32, #tpu.memory_space<hbm>>
    %dma_start3A_116 = arith.constant 0 : i32
    %dma_start3A_117 = tpu.memref_slice %arg2[%get3A_112, %dma_start3A_116] : memref<32000x4096xf32, #tpu.memory_space<hbm>> -> memref<1x4096xf32, #tpu.memory_space<hbm>>
    tpu.enqueue_dma source(%dma_start3A_117 : memref<1x4096xf32, #tpu.memory_space<hbm>>) target(%dma_start3A_115 : memref<1x4096xf32, #tpu.memory_space<hbm>>) target_semaphore(%arg5 : memref<!tpu.dma_semaphore, #tpu.memory_space<semaphore_mem>>)
    %get3A_118 = arith.constant 15 : i32
    %get3A_119 = arith.index_cast %get3A_118 : i32 to index
    %get3A_120 = memref.load %arg4[%get3A_119] : memref<64xi32, #tpu.memory_space<smem>>
    %dma_start3A_121 = arith.constant 15 : i32
    %dma_start3A_122 = arith.constant 0 : i32
    %dma_start3A_123 = tpu.memref_slice %arg3[%dma_start3A_121, %dma_start3A_122] : memref<64x4096xf32, #tpu.memory_space<hbm>> -> memref<1x4096xf32, #tpu.memory_space<hbm>>
    %dma_start3A_124 = arith.constant 0 : i32
    %dma_start3A_125 = tpu.memref_slice %arg2[%get3A_120, %dma_start3A_124] : memref<32000x4096xf32, #tpu.memory_space<hbm>> -> memref<1x4096xf32, #tpu.memory_space<hbm>>
    tpu.enqueue_dma source(%dma_start3A_125 : memref<1x4096xf32, #tpu.memory_space<hbm>>) target(%dma_start3A_123 : memref<1x4096xf32, #tpu.memory_space<hbm>>) target_semaphore(%arg5 : memref<!tpu.dma_semaphore, #tpu.memory_space<semaphore_mem>>)
    %get3A_126 = arith.constant 16 : i32
    %get3A_127 = arith.index_cast %get3A_126 : i32 to index
    %get3A_128 = memref.load %arg4[%get3A_127] : memref<64xi32, #tpu.memory_space<smem>>
    %dma_start3A_129 = arith.constant 16 : i32
    %dma_start3A_130 = arith.constant 0 : i32
    %dma_start3A_131 = tpu.memref_slice %arg3[%dma_start3A_129, %dma_start3A_130] : memref<64x4096xf32, #tpu.memory_space<hbm>> -> memref<1x4096xf32, #tpu.memory_space<hbm>>
    %dma_start3A_132 = arith.constant 0 : i32
    %dma_start3A_133 = tpu.memref_slice %arg2[%get3A_128, %dma_start3A_132] : memref<32000x4096xf32, #tpu.memory_space<hbm>> -> memref<1x4096xf32, #tpu.memory_space<hbm>>
    tpu.enqueue_dma source(%dma_start3A_133 : memref<1x4096xf32, #tpu.memory_space<hbm>>) target(%dma_start3A_131 : memref<1x4096xf32, #tpu.memory_space<hbm>>) target_semaphore(%arg5 : memref<!tpu.dma_semaphore, #tpu.memory_space<semaphore_mem>>)
    %get3A_134 = arith.constant 17 : i32
    %get3A_135 = arith.index_cast %get3A_134 : i32 to index
    %get3A_136 = memref.load %arg4[%get3A_135] : memref<64xi32, #tpu.memory_space<smem>>
    %dma_start3A_137 = arith.constant 17 : i32
    %dma_start3A_138 = arith.constant 0 : i32
    %dma_start3A_139 = tpu.memref_slice %arg3[%dma_start3A_137, %dma_start3A_138] : memref<64x4096xf32, #tpu.memory_space<hbm>> -> memref<1x4096xf32, #tpu.memory_space<hbm>>
    %dma_start3A_140 = arith.constant 0 : i32
    %dma_start3A_141 = tpu.memref_slice %arg2[%get3A_136, %dma_start3A_140] : memref<32000x4096xf32, #tpu.memory_space<hbm>> -> memref<1x4096xf32, #tpu.memory_space<hbm>>
    tpu.enqueue_dma source(%dma_start3A_141 : memref<1x4096xf32, #tpu.memory_space<hbm>>) target(%dma_start3A_139 : memref<1x4096xf32, #tpu.memory_space<hbm>>) target_semaphore(%arg5 : memref<!tpu.dma_semaphore, #tpu.memory_space<semaphore_mem>>)
    %get3A_142 = arith.constant 18 : i32
    %get3A_143 = arith.index_cast %get3A_142 : i32 to index
    %get3A_144 = memref.load %arg4[%get3A_143] : memref<64xi32, #tpu.memory_space<smem>>
    %dma_start3A_145 = arith.constant 18 : i32
    %dma_start3A_146 = arith.constant 0 : i32
    %dma_start3A_147 = tpu.memref_slice %arg3[%dma_start3A_145, %dma_start3A_146] : memref<64x4096xf32, #tpu.memory_space<hbm>> -> memref<1x4096xf32, #tpu.memory_space<hbm>>
    %dma_start3A_148 = arith.constant 0 : i32
    %dma_start3A_149 = tpu.memref_slice %arg2[%get3A_144, %dma_start3A_148] : memref<32000x4096xf32, #tpu.memory_space<hbm>> -> memref<1x4096xf32, #tpu.memory_space<hbm>>
    tpu.enqueue_dma source(%dma_start3A_149 : memref<1x4096xf32, #tpu.memory_space<hbm>>) target(%dma_start3A_147 : memref<1x4096xf32, #tpu.memory_space<hbm>>) target_semaphore(%arg5 : memref<!tpu.dma_semaphore, #tpu.memory_space<semaphore_mem>>)
    %get3A_150 = arith.constant 19 : i32
    %get3A_151 = arith.index_cast %get3A_150 : i32 to index
    %get3A_152 = memref.load %arg4[%get3A_151] : memref<64xi32, #tpu.memory_space<smem>>
    %dma_start3A_153 = arith.constant 19 : i32
    %dma_start3A_154 = arith.constant 0 : i32
    %dma_start3A_155 = tpu.memref_slice %arg3[%dma_start3A_153, %dma_start3A_154] : memref<64x4096xf32, #tpu.memory_space<hbm>> -> memref<1x4096xf32, #tpu.memory_space<hbm>>
    %dma_start3A_156 = arith.constant 0 : i32
    %dma_start3A_157 = tpu.memref_slice %arg2[%get3A_152, %dma_start3A_156] : memref<32000x4096xf32, #tpu.memory_space<hbm>> -> memref<1x4096xf32, #tpu.memory_space<hbm>>
    tpu.enqueue_dma source(%dma_start3A_157 : memref<1x4096xf32, #tpu.memory_space<hbm>>) target(%dma_start3A_155 : memref<1x4096xf32, #tpu.memory_space<hbm>>) target_semaphore(%arg5 : memref<!tpu.dma_semaphore, #tpu.memory_space<semaphore_mem>>)
    %get3A_158 = arith.constant 20 : i32
    %get3A_159 = arith.index_cast %get3A_158 : i32 to index
    %get3A_160 = memref.load %arg4[%get3A_159] : memref<64xi32, #tpu.memory_space<smem>>
    %dma_start3A_161 = arith.constant 20 : i32
    %dma_start3A_162 = arith.constant 0 : i32
    %dma_start3A_163 = tpu.memref_slice %arg3[%dma_start3A_161, %dma_start3A_162] : memref<64x4096xf32, #tpu.memory_space<hbm>> -> memref<1x4096xf32, #tpu.memory_space<hbm>>
    %dma_start3A_164 = arith.constant 0 : i32
    %dma_start3A_165 = tpu.memref_slice %arg2[%get3A_160, %dma_start3A_164] : memref<32000x4096xf32, #tpu.memory_space<hbm>> -> memref<1x4096xf32, #tpu.memory_space<hbm>>
    tpu.enqueue_dma source(%dma_start3A_165 : memref<1x4096xf32, #tpu.memory_space<hbm>>) target(%dma_start3A_163 : memref<1x4096xf32, #tpu.memory_space<hbm>>) target_semaphore(%arg5 : memref<!tpu.dma_semaphore, #tpu.memory_space<semaphore_mem>>)
    %get3A_166 = arith.constant 21 : i32
    %get3A_167 = arith.index_cast %get3A_166 : i32 to index
    %get3A_168 = memref.load %arg4[%get3A_167] : memref<64xi32, #tpu.memory_space<smem>>
    %dma_start3A_169 = arith.constant 21 : i32
    %dma_start3A_170 = arith.constant 0 : i32
    %dma_start3A_171 = tpu.memref_slice %arg3[%dma_start3A_169, %dma_start3A_170] : memref<64x4096xf32, #tpu.memory_space<hbm>> -> memref<1x4096xf32, #tpu.memory_space<hbm>>
    %dma_start3A_172 = arith.constant 0 : i32
    %dma_start3A_173 = tpu.memref_slice %arg2[%get3A_168, %dma_start3A_172] : memref<32000x4096xf32, #tpu.memory_space<hbm>> -> memref<1x4096xf32, #tpu.memory_space<hbm>>
    tpu.enqueue_dma source(%dma_start3A_173 : memref<1x4096xf32, #tpu.memory_space<hbm>>) target(%dma_start3A_171 : memref<1x4096xf32, #tpu.memory_space<hbm>>) target_semaphore(%arg5 : memref<!tpu.dma_semaphore, #tpu.memory_space<semaphore_mem>>)
    %get3A_174 = arith.constant 22 : i32
    %get3A_175 = arith.index_cast %get3A_174 : i32 to index
    %get3A_176 = memref.load %arg4[%get3A_175] : memref<64xi32, #tpu.memory_space<smem>>
    %dma_start3A_177 = arith.constant 22 : i32
    %dma_start3A_178 = arith.constant 0 : i32
    %dma_start3A_179 = tpu.memref_slice %arg3[%dma_start3A_177, %dma_start3A_178] : memref<64x4096xf32, #tpu.memory_space<hbm>> -> memref<1x4096xf32, #tpu.memory_space<hbm>>
    %dma_start3A_180 = arith.constant 0 : i32
    %dma_start3A_181 = tpu.memref_slice %arg2[%get3A_176, %dma_start3A_180] : memref<32000x4096xf32, #tpu.memory_space<hbm>> -> memref<1x4096xf32, #tpu.memory_space<hbm>>
    tpu.enqueue_dma source(%dma_start3A_181 : memref<1x4096xf32, #tpu.memory_space<hbm>>) target(%dma_start3A_179 : memref<1x4096xf32, #tpu.memory_space<hbm>>) target_semaphore(%arg5 : memref<!tpu.dma_semaphore, #tpu.memory_space<semaphore_mem>>)
    %get3A_182 = arith.constant 23 : i32
    %get3A_183 = arith.index_cast %get3A_182 : i32 to index
    %get3A_184 = memref.load %arg4[%get3A_183] : memref<64xi32, #tpu.memory_space<smem>>
    %dma_start3A_185 = arith.constant 23 : i32
    %dma_start3A_186 = arith.constant 0 : i32
    %dma_start3A_187 = tpu.memref_slice %arg3[%dma_start3A_185, %dma_start3A_186] : memref<64x4096xf32, #tpu.memory_space<hbm>> -> memref<1x4096xf32, #tpu.memory_space<hbm>>
    %dma_start3A_188 = arith.constant 0 : i32
    %dma_start3A_189 = tpu.memref_slice %arg2[%get3A_184, %dma_start3A_188] : memref<32000x4096xf32, #tpu.memory_space<hbm>> -> memref<1x4096xf32, #tpu.memory_space<hbm>>
    tpu.enqueue_dma source(%dma_start3A_189 : memref<1x4096xf32, #tpu.memory_space<hbm>>) target(%dma_start3A_187 : memref<1x4096xf32, #tpu.memory_space<hbm>>) target_semaphore(%arg5 : memref<!tpu.dma_semaphore, #tpu.memory_space<semaphore_mem>>)
    %get3A_190 = arith.constant 24 : i32
    %get3A_191 = arith.index_cast %get3A_190 : i32 to index
    %get3A_192 = memref.load %arg4[%get3A_191] : memref<64xi32, #tpu.memory_space<smem>>
    %dma_start3A_193 = arith.constant 24 : i32
    %dma_start3A_194 = arith.constant 0 : i32
    %dma_start3A_195 = tpu.memref_slice %arg3[%dma_start3A_193, %dma_start3A_194] : memref<64x4096xf32, #tpu.memory_space<hbm>> -> memref<1x4096xf32, #tpu.memory_space<hbm>>
    %dma_start3A_196 = arith.constant 0 : i32
    %dma_start3A_197 = tpu.memref_slice %arg2[%get3A_192, %dma_start3A_196] : memref<32000x4096xf32, #tpu.memory_space<hbm>> -> memref<1x4096xf32, #tpu.memory_space<hbm>>
    tpu.enqueue_dma source(%dma_start3A_197 : memref<1x4096xf32, #tpu.memory_space<hbm>>) target(%dma_start3A_195 : memref<1x4096xf32, #tpu.memory_space<hbm>>) target_semaphore(%arg5 : memref<!tpu.dma_semaphore, #tpu.memory_space<semaphore_mem>>)
    %get3A_198 = arith.constant 25 : i32
    %get3A_199 = arith.index_cast %get3A_198 : i32 to index
    %get3A_200 = memref.load %arg4[%get3A_199] : memref<64xi32, #tpu.memory_space<smem>>
    %dma_start3A_201 = arith.constant 25 : i32
    %dma_start3A_202 = arith.constant 0 : i32
    %dma_start3A_203 = tpu.memref_slice %arg3[%dma_start3A_201, %dma_start3A_202] : memref<64x4096xf32, #tpu.memory_space<hbm>> -> memref<1x4096xf32, #tpu.memory_space<hbm>>
    %dma_start3A_204 = arith.constant 0 : i32
    %dma_start3A_205 = tpu.memref_slice %arg2[%get3A_200, %dma_start3A_204] : memref<32000x4096xf32, #tpu.memory_space<hbm>> -> memref<1x4096xf32, #tpu.memory_space<hbm>>
    tpu.enqueue_dma source(%dma_start3A_205 : memref<1x4096xf32, #tpu.memory_space<hbm>>) target(%dma_start3A_203 : memref<1x4096xf32, #tpu.memory_space<hbm>>) target_semaphore(%arg5 : memref<!tpu.dma_semaphore, #tpu.memory_space<semaphore_mem>>)
    %get3A_206 = arith.constant 26 : i32
    %get3A_207 = arith.index_cast %get3A_206 : i32 to index
    %get3A_208 = memref.load %arg4[%get3A_207] : memref<64xi32, #tpu.memory_space<smem>>
    %dma_start3A_209 = arith.constant 26 : i32
    %dma_start3A_210 = arith.constant 0 : i32
    %dma_start3A_211 = tpu.memref_slice %arg3[%dma_start3A_209, %dma_start3A_210] : memref<64x4096xf32, #tpu.memory_space<hbm>> -> memref<1x4096xf32, #tpu.memory_space<hbm>>
    %dma_start3A_212 = arith.constant 0 : i32
    %dma_start3A_213 = tpu.memref_slice %arg2[%get3A_208, %dma_start3A_212] : memref<32000x4096xf32, #tpu.memory_space<hbm>> -> memref<1x4096xf32, #tpu.memory_space<hbm>>
    tpu.enqueue_dma source(%dma_start3A_213 : memref<1x4096xf32, #tpu.memory_space<hbm>>) target(%dma_start3A_211 : memref<1x4096xf32, #tpu.memory_space<hbm>>) target_semaphore(%arg5 : memref<!tpu.dma_semaphore, #tpu.memory_space<semaphore_mem>>)
    %get3A_214 = arith.constant 27 : i32
    %get3A_215 = arith.index_cast %get3A_214 : i32 to index
    %get3A_216 = memref.load %arg4[%get3A_215] : memref<64xi32, #tpu.memory_space<smem>>
    %dma_start3A_217 = arith.constant 27 : i32
    %dma_start3A_218 = arith.constant 0 : i32
    %dma_start3A_219 = tpu.memref_slice %arg3[%dma_start3A_217, %dma_start3A_218] : memref<64x4096xf32, #tpu.memory_space<hbm>> -> memref<1x4096xf32, #tpu.memory_space<hbm>>
    %dma_start3A_220 = arith.constant 0 : i32
    %dma_start3A_221 = tpu.memref_slice %arg2[%get3A_216, %dma_start3A_220] : memref<32000x4096xf32, #tpu.memory_space<hbm>> -> memref<1x4096xf32, #tpu.memory_space<hbm>>
    tpu.enqueue_dma source(%dma_start3A_221 : memref<1x4096xf32, #tpu.memory_space<hbm>>) target(%dma_start3A_219 : memref<1x4096xf32, #tpu.memory_space<hbm>>) target_semaphore(%arg5 : memref<!tpu.dma_semaphore, #tpu.memory_space<semaphore_mem>>)
    %get3A_222 = arith.constant 28 : i32
    %get3A_223 = arith.index_cast %get3A_222 : i32 to index
    %get3A_224 = memref.load %arg4[%get3A_223] : memref<64xi32, #tpu.memory_space<smem>>
    %dma_start3A_225 = arith.constant 28 : i32
    %dma_start3A_226 = arith.constant 0 : i32
    %dma_start3A_227 = tpu.memref_slice %arg3[%dma_start3A_225, %dma_start3A_226] : memref<64x4096xf32, #tpu.memory_space<hbm>> -> memref<1x4096xf32, #tpu.memory_space<hbm>>
    %dma_start3A_228 = arith.constant 0 : i32
    %dma_start3A_229 = tpu.memref_slice %arg2[%get3A_224, %dma_start3A_228] : memref<32000x4096xf32, #tpu.memory_space<hbm>> -> memref<1x4096xf32, #tpu.memory_space<hbm>>
    tpu.enqueue_dma source(%dma_start3A_229 : memref<1x4096xf32, #tpu.memory_space<hbm>>) target(%dma_start3A_227 : memref<1x4096xf32, #tpu.memory_space<hbm>>) target_semaphore(%arg5 : memref<!tpu.dma_semaphore, #tpu.memory_space<semaphore_mem>>)
    %get3A_230 = arith.constant 29 : i32
    %get3A_231 = arith.index_cast %get3A_230 : i32 to index
    %get3A_232 = memref.load %arg4[%get3A_231] : memref<64xi32, #tpu.memory_space<smem>>
    %dma_start3A_233 = arith.constant 29 : i32
    %dma_start3A_234 = arith.constant 0 : i32
    %dma_start3A_235 = tpu.memref_slice %arg3[%dma_start3A_233, %dma_start3A_234] : memref<64x4096xf32, #tpu.memory_space<hbm>> -> memref<1x4096xf32, #tpu.memory_space<hbm>>
    %dma_start3A_236 = arith.constant 0 : i32
    %dma_start3A_237 = tpu.memref_slice %arg2[%get3A_232, %dma_start3A_236] : memref<32000x4096xf32, #tpu.memory_space<hbm>> -> memref<1x4096xf32, #tpu.memory_space<hbm>>
    tpu.enqueue_dma source(%dma_start3A_237 : memref<1x4096xf32, #tpu.memory_space<hbm>>) target(%dma_start3A_235 : memref<1x4096xf32, #tpu.memory_space<hbm>>) target_semaphore(%arg5 : memref<!tpu.dma_semaphore, #tpu.memory_space<semaphore_mem>>)
    %get3A_238 = arith.constant 30 : i32
    %get3A_239 = arith.index_cast %get3A_238 : i32 to index
    %get3A_240 = memref.load %arg4[%get3A_239] : memref<64xi32, #tpu.memory_space<smem>>
    %dma_start3A_241 = arith.constant 30 : i32
    %dma_start3A_242 = arith.constant 0 : i32
    %dma_start3A_243 = tpu.memref_slice %arg3[%dma_start3A_241, %dma_start3A_242] : memref<64x4096xf32, #tpu.memory_space<hbm>> -> memref<1x4096xf32, #tpu.memory_space<hbm>>
    %dma_start3A_244 = arith.constant 0 : i32
    %dma_start3A_245 = tpu.memref_slice %arg2[%get3A_240, %dma_start3A_244] : memref<32000x4096xf32, #tpu.memory_space<hbm>> -> memref<1x4096xf32, #tpu.memory_space<hbm>>
    tpu.enqueue_dma source(%dma_start3A_245 : memref<1x4096xf32, #tpu.memory_space<hbm>>) target(%dma_start3A_243 : memref<1x4096xf32, #tpu.memory_space<hbm>>) target_semaphore(%arg5 : memref<!tpu.dma_semaphore, #tpu.memory_space<semaphore_mem>>)
    %get3A_246 = arith.constant 31 : i32
    %get3A_247 = arith.index_cast %get3A_246 : i32 to index
    %get3A_248 = memref.load %arg4[%get3A_247] : memref<64xi32, #tpu.memory_space<smem>>
    %dma_start3A_249 = arith.constant 31 : i32
    %dma_start3A_250 = arith.constant 0 : i32
    %dma_start3A_251 = tpu.memref_slice %arg3[%dma_start3A_249, %dma_start3A_250] : memref<64x4096xf32, #tpu.memory_space<hbm>> -> memref<1x4096xf32, #tpu.memory_space<hbm>>
    %dma_start3A_252 = arith.constant 0 : i32
    %dma_start3A_253 = tpu.memref_slice %arg2[%get3A_248, %dma_start3A_252] : memref<32000x4096xf32, #tpu.memory_space<hbm>> -> memref<1x4096xf32, #tpu.memory_space<hbm>>
    tpu.enqueue_dma source(%dma_start3A_253 : memref<1x4096xf32, #tpu.memory_space<hbm>>) target(%dma_start3A_251 : memref<1x4096xf32, #tpu.memory_space<hbm>>) target_semaphore(%arg5 : memref<!tpu.dma_semaphore, #tpu.memory_space<semaphore_mem>>)
    %get3A_254 = arith.constant 32 : i32
    %get3A_255 = arith.index_cast %get3A_254 : i32 to index
    %get3A_256 = memref.load %arg4[%get3A_255] : memref<64xi32, #tpu.memory_space<smem>>
    %dma_start3A_257 = arith.constant 32 : i32
    %dma_start3A_258 = arith.constant 0 : i32
    %dma_start3A_259 = tpu.memref_slice %arg3[%dma_start3A_257, %dma_start3A_258] : memref<64x4096xf32, #tpu.memory_space<hbm>> -> memref<1x4096xf32, #tpu.memory_space<hbm>>
    %dma_start3A_260 = arith.constant 0 : i32
    %dma_start3A_261 = tpu.memref_slice %arg2[%get3A_256, %dma_start3A_260] : memref<32000x4096xf32, #tpu.memory_space<hbm>> -> memref<1x4096xf32, #tpu.memory_space<hbm>>
    tpu.enqueue_dma source(%dma_start3A_261 : memref<1x4096xf32, #tpu.memory_space<hbm>>) target(%dma_start3A_259 : memref<1x4096xf32, #tpu.memory_space<hbm>>) target_semaphore(%arg5 : memref<!tpu.dma_semaphore, #tpu.memory_space<semaphore_mem>>)
    %get3A_262 = arith.constant 33 : i32
    %get3A_263 = arith.index_cast %get3A_262 : i32 to index
    %get3A_264 = memref.load %arg4[%get3A_263] : memref<64xi32, #tpu.memory_space<smem>>
    %dma_start3A_265 = arith.constant 33 : i32
    %dma_start3A_266 = arith.constant 0 : i32
    %dma_start3A_267 = tpu.memref_slice %arg3[%dma_start3A_265, %dma_start3A_266] : memref<64x4096xf32, #tpu.memory_space<hbm>> -> memref<1x4096xf32, #tpu.memory_space<hbm>>
    %dma_start3A_268 = arith.constant 0 : i32
    %dma_start3A_269 = tpu.memref_slice %arg2[%get3A_264, %dma_start3A_268] : memref<32000x4096xf32, #tpu.memory_space<hbm>> -> memref<1x4096xf32, #tpu.memory_space<hbm>>
    tpu.enqueue_dma source(%dma_start3A_269 : memref<1x4096xf32, #tpu.memory_space<hbm>>) target(%dma_start3A_267 : memref<1x4096xf32, #tpu.memory_space<hbm>>) target_semaphore(%arg5 : memref<!tpu.dma_semaphore, #tpu.memory_space<semaphore_mem>>)
    %get3A_270 = arith.constant 34 : i32
    %get3A_271 = arith.index_cast %get3A_270 : i32 to index
    %get3A_272 = memref.load %arg4[%get3A_271] : memref<64xi32, #tpu.memory_space<smem>>
    %dma_start3A_273 = arith.constant 34 : i32
    %dma_start3A_274 = arith.constant 0 : i32
    %dma_start3A_275 = tpu.memref_slice %arg3[%dma_start3A_273, %dma_start3A_274] : memref<64x4096xf32, #tpu.memory_space<hbm>> -> memref<1x4096xf32, #tpu.memory_space<hbm>>
    %dma_start3A_276 = arith.constant 0 : i32
    %dma_start3A_277 = tpu.memref_slice %arg2[%get3A_272, %dma_start3A_276] : memref<32000x4096xf32, #tpu.memory_space<hbm>> -> memref<1x4096xf32, #tpu.memory_space<hbm>>
    tpu.enqueue_dma source(%dma_start3A_277 : memref<1x4096xf32, #tpu.memory_space<hbm>>) target(%dma_start3A_275 : memref<1x4096xf32, #tpu.memory_space<hbm>>) target_semaphore(%arg5 : memref<!tpu.dma_semaphore, #tpu.memory_space<semaphore_mem>>)
    %get3A_278 = arith.constant 35 : i32
    %get3A_279 = arith.index_cast %get3A_278 : i32 to index
    %get3A_280 = memref.load %arg4[%get3A_279] : memref<64xi32, #tpu.memory_space<smem>>
    %dma_start3A_281 = arith.constant 35 : i32
    %dma_start3A_282 = arith.constant 0 : i32
    %dma_start3A_283 = tpu.memref_slice %arg3[%dma_start3A_281, %dma_start3A_282] : memref<64x4096xf32, #tpu.memory_space<hbm>> -> memref<1x4096xf32, #tpu.memory_space<hbm>>
    %dma_start3A_284 = arith.constant 0 : i32
    %dma_start3A_285 = tpu.memref_slice %arg2[%get3A_280, %dma_start3A_284] : memref<32000x4096xf32, #tpu.memory_space<hbm>> -> memref<1x4096xf32, #tpu.memory_space<hbm>>
    tpu.enqueue_dma source(%dma_start3A_285 : memref<1x4096xf32, #tpu.memory_space<hbm>>) target(%dma_start3A_283 : memref<1x4096xf32, #tpu.memory_space<hbm>>) target_semaphore(%arg5 : memref<!tpu.dma_semaphore, #tpu.memory_space<semaphore_mem>>)
    %get3A_286 = arith.constant 36 : i32
    %get3A_287 = arith.index_cast %get3A_286 : i32 to index
    %get3A_288 = memref.load %arg4[%get3A_287] : memref<64xi32, #tpu.memory_space<smem>>
    %dma_start3A_289 = arith.constant 36 : i32
    %dma_start3A_290 = arith.constant 0 : i32
    %dma_start3A_291 = tpu.memref_slice %arg3[%dma_start3A_289, %dma_start3A_290] : memref<64x4096xf32, #tpu.memory_space<hbm>> -> memref<1x4096xf32, #tpu.memory_space<hbm>>
    %dma_start3A_292 = arith.constant 0 : i32
    %dma_start3A_293 = tpu.memref_slice %arg2[%get3A_288, %dma_start3A_292] : memref<32000x4096xf32, #tpu.memory_space<hbm>> -> memref<1x4096xf32, #tpu.memory_space<hbm>>
    tpu.enqueue_dma source(%dma_start3A_293 : memref<1x4096xf32, #tpu.memory_space<hbm>>) target(%dma_start3A_291 : memref<1x4096xf32, #tpu.memory_space<hbm>>) target_semaphore(%arg5 : memref<!tpu.dma_semaphore, #tpu.memory_space<semaphore_mem>>)
    %get3A_294 = arith.constant 37 : i32
    %get3A_295 = arith.index_cast %get3A_294 : i32 to index
    %get3A_296 = memref.load %arg4[%get3A_295] : memref<64xi32, #tpu.memory_space<smem>>
    %dma_start3A_297 = arith.constant 37 : i32
    %dma_start3A_298 = arith.constant 0 : i32
    %dma_start3A_299 = tpu.memref_slice %arg3[%dma_start3A_297, %dma_start3A_298] : memref<64x4096xf32, #tpu.memory_space<hbm>> -> memref<1x4096xf32, #tpu.memory_space<hbm>>
    %dma_start3A_300 = arith.constant 0 : i32
    %dma_start3A_301 = tpu.memref_slice %arg2[%get3A_296, %dma_start3A_300] : memref<32000x4096xf32, #tpu.memory_space<hbm>> -> memref<1x4096xf32, #tpu.memory_space<hbm>>
    tpu.enqueue_dma source(%dma_start3A_301 : memref<1x4096xf32, #tpu.memory_space<hbm>>) target(%dma_start3A_299 : memref<1x4096xf32, #tpu.memory_space<hbm>>) target_semaphore(%arg5 : memref<!tpu.dma_semaphore, #tpu.memory_space<semaphore_mem>>)
    %get3A_302 = arith.constant 38 : i32
    %get3A_303 = arith.index_cast %get3A_302 : i32 to index
    %get3A_304 = memref.load %arg4[%get3A_303] : memref<64xi32, #tpu.memory_space<smem>>
    %dma_start3A_305 = arith.constant 38 : i32
    %dma_start3A_306 = arith.constant 0 : i32
    %dma_start3A_307 = tpu.memref_slice %arg3[%dma_start3A_305, %dma_start3A_306] : memref<64x4096xf32, #tpu.memory_space<hbm>> -> memref<1x4096xf32, #tpu.memory_space<hbm>>
    %dma_start3A_308 = arith.constant 0 : i32
    %dma_start3A_309 = tpu.memref_slice %arg2[%get3A_304, %dma_start3A_308] : memref<32000x4096xf32, #tpu.memory_space<hbm>> -> memref<1x4096xf32, #tpu.memory_space<hbm>>
    tpu.enqueue_dma source(%dma_start3A_309 : memref<1x4096xf32, #tpu.memory_space<hbm>>) target(%dma_start3A_307 : memref<1x4096xf32, #tpu.memory_space<hbm>>) target_semaphore(%arg5 : memref<!tpu.dma_semaphore, #tpu.memory_space<semaphore_mem>>)
    %get3A_310 = arith.constant 39 : i32
    %get3A_311 = arith.index_cast %get3A_310 : i32 to index
    %get3A_312 = memref.load %arg4[%get3A_311] : memref<64xi32, #tpu.memory_space<smem>>
    %dma_start3A_313 = arith.constant 39 : i32
    %dma_start3A_314 = arith.constant 0 : i32
    %dma_start3A_315 = tpu.memref_slice %arg3[%dma_start3A_313, %dma_start3A_314] : memref<64x4096xf32, #tpu.memory_space<hbm>> -> memref<1x4096xf32, #tpu.memory_space<hbm>>
    %dma_start3A_316 = arith.constant 0 : i32
    %dma_start3A_317 = tpu.memref_slice %arg2[%get3A_312, %dma_start3A_316] : memref<32000x4096xf32, #tpu.memory_space<hbm>> -> memref<1x4096xf32, #tpu.memory_space<hbm>>
    tpu.enqueue_dma source(%dma_start3A_317 : memref<1x4096xf32, #tpu.memory_space<hbm>>) target(%dma_start3A_315 : memref<1x4096xf32, #tpu.memory_space<hbm>>) target_semaphore(%arg5 : memref<!tpu.dma_semaphore, #tpu.memory_space<semaphore_mem>>)
    %get3A_318 = arith.constant 40 : i32
    %get3A_319 = arith.index_cast %get3A_318 : i32 to index
    %get3A_320 = memref.load %arg4[%get3A_319] : memref<64xi32, #tpu.memory_space<smem>>
    %dma_start3A_321 = arith.constant 40 : i32
    %dma_start3A_322 = arith.constant 0 : i32
    %dma_start3A_323 = tpu.memref_slice %arg3[%dma_start3A_321, %dma_start3A_322] : memref<64x4096xf32, #tpu.memory_space<hbm>> -> memref<1x4096xf32, #tpu.memory_space<hbm>>
    %dma_start3A_324 = arith.constant 0 : i32
    %dma_start3A_325 = tpu.memref_slice %arg2[%get3A_320, %dma_start3A_324] : memref<32000x4096xf32, #tpu.memory_space<hbm>> -> memref<1x4096xf32, #tpu.memory_space<hbm>>
    tpu.enqueue_dma source(%dma_start3A_325 : memref<1x4096xf32, #tpu.memory_space<hbm>>) target(%dma_start3A_323 : memref<1x4096xf32, #tpu.memory_space<hbm>>) target_semaphore(%arg5 : memref<!tpu.dma_semaphore, #tpu.memory_space<semaphore_mem>>)
    %get3A_326 = arith.constant 41 : i32
    %get3A_327 = arith.index_cast %get3A_326 : i32 to index
    %get3A_328 = memref.load %arg4[%get3A_327] : memref<64xi32, #tpu.memory_space<smem>>
    %dma_start3A_329 = arith.constant 41 : i32
    %dma_start3A_330 = arith.constant 0 : i32
    %dma_start3A_331 = tpu.memref_slice %arg3[%dma_start3A_329, %dma_start3A_330] : memref<64x4096xf32, #tpu.memory_space<hbm>> -> memref<1x4096xf32, #tpu.memory_space<hbm>>
    %dma_start3A_332 = arith.constant 0 : i32
    %dma_start3A_333 = tpu.memref_slice %arg2[%get3A_328, %dma_start3A_332] : memref<32000x4096xf32, #tpu.memory_space<hbm>> -> memref<1x4096xf32, #tpu.memory_space<hbm>>
    tpu.enqueue_dma source(%dma_start3A_333 : memref<1x4096xf32, #tpu.memory_space<hbm>>) target(%dma_start3A_331 : memref<1x4096xf32, #tpu.memory_space<hbm>>) target_semaphore(%arg5 : memref<!tpu.dma_semaphore, #tpu.memory_space<semaphore_mem>>)
    %get3A_334 = arith.constant 42 : i32
    %get3A_335 = arith.index_cast %get3A_334 : i32 to index
    %get3A_336 = memref.load %arg4[%get3A_335] : memref<64xi32, #tpu.memory_space<smem>>
    %dma_start3A_337 = arith.constant 42 : i32
    %dma_start3A_338 = arith.constant 0 : i32
    %dma_start3A_339 = tpu.memref_slice %arg3[%dma_start3A_337, %dma_start3A_338] : memref<64x4096xf32, #tpu.memory_space<hbm>> -> memref<1x4096xf32, #tpu.memory_space<hbm>>
    %dma_start3A_340 = arith.constant 0 : i32
    %dma_start3A_341 = tpu.memref_slice %arg2[%get3A_336, %dma_start3A_340] : memref<32000x4096xf32, #tpu.memory_space<hbm>> -> memref<1x4096xf32, #tpu.memory_space<hbm>>
    tpu.enqueue_dma source(%dma_start3A_341 : memref<1x4096xf32, #tpu.memory_space<hbm>>) target(%dma_start3A_339 : memref<1x4096xf32, #tpu.memory_space<hbm>>) target_semaphore(%arg5 : memref<!tpu.dma_semaphore, #tpu.memory_space<semaphore_mem>>)
    %get3A_342 = arith.constant 43 : i32
    %get3A_343 = arith.index_cast %get3A_342 : i32 to index
    %get3A_344 = memref.load %arg4[%get3A_343] : memref<64xi32, #tpu.memory_space<smem>>
    %dma_start3A_345 = arith.constant 43 : i32
    %dma_start3A_346 = arith.constant 0 : i32
    %dma_start3A_347 = tpu.memref_slice %arg3[%dma_start3A_345, %dma_start3A_346] : memref<64x4096xf32, #tpu.memory_space<hbm>> -> memref<1x4096xf32, #tpu.memory_space<hbm>>
    %dma_start3A_348 = arith.constant 0 : i32
    %dma_start3A_349 = tpu.memref_slice %arg2[%get3A_344, %dma_start3A_348] : memref<32000x4096xf32, #tpu.memory_space<hbm>> -> memref<1x4096xf32, #tpu.memory_space<hbm>>
    tpu.enqueue_dma source(%dma_start3A_349 : memref<1x4096xf32, #tpu.memory_space<hbm>>) target(%dma_start3A_347 : memref<1x4096xf32, #tpu.memory_space<hbm>>) target_semaphore(%arg5 : memref<!tpu.dma_semaphore, #tpu.memory_space<semaphore_mem>>)
    %get3A_350 = arith.constant 44 : i32
    %get3A_351 = arith.index_cast %get3A_350 : i32 to index
    %get3A_352 = memref.load %arg4[%get3A_351] : memref<64xi32, #tpu.memory_space<smem>>
    %dma_start3A_353 = arith.constant 44 : i32
    %dma_start3A_354 = arith.constant 0 : i32
    %dma_start3A_355 = tpu.memref_slice %arg3[%dma_start3A_353, %dma_start3A_354] : memref<64x4096xf32, #tpu.memory_space<hbm>> -> memref<1x4096xf32, #tpu.memory_space<hbm>>
    %dma_start3A_356 = arith.constant 0 : i32
    %dma_start3A_357 = tpu.memref_slice %arg2[%get3A_352, %dma_start3A_356] : memref<32000x4096xf32, #tpu.memory_space<hbm>> -> memref<1x4096xf32, #tpu.memory_space<hbm>>
    tpu.enqueue_dma source(%dma_start3A_357 : memref<1x4096xf32, #tpu.memory_space<hbm>>) target(%dma_start3A_355 : memref<1x4096xf32, #tpu.memory_space<hbm>>) target_semaphore(%arg5 : memref<!tpu.dma_semaphore, #tpu.memory_space<semaphore_mem>>)
    %get3A_358 = arith.constant 45 : i32
    %get3A_359 = arith.index_cast %get3A_358 : i32 to index
    %get3A_360 = memref.load %arg4[%get3A_359] : memref<64xi32, #tpu.memory_space<smem>>
    %dma_start3A_361 = arith.constant 45 : i32
    %dma_start3A_362 = arith.constant 0 : i32
    %dma_start3A_363 = tpu.memref_slice %arg3[%dma_start3A_361, %dma_start3A_362] : memref<64x4096xf32, #tpu.memory_space<hbm>> -> memref<1x4096xf32, #tpu.memory_space<hbm>>
    %dma_start3A_364 = arith.constant 0 : i32
    %dma_start3A_365 = tpu.memref_slice %arg2[%get3A_360, %dma_start3A_364] : memref<32000x4096xf32, #tpu.memory_space<hbm>> -> memref<1x4096xf32, #tpu.memory_space<hbm>>
    tpu.enqueue_dma source(%dma_start3A_365 : memref<1x4096xf32, #tpu.memory_space<hbm>>) target(%dma_start3A_363 : memref<1x4096xf32, #tpu.memory_space<hbm>>) target_semaphore(%arg5 : memref<!tpu.dma_semaphore, #tpu.memory_space<semaphore_mem>>)
    %get3A_366 = arith.constant 46 : i32
    %get3A_367 = arith.index_cast %get3A_366 : i32 to index
    %get3A_368 = memref.load %arg4[%get3A_367] : memref<64xi32, #tpu.memory_space<smem>>
    %dma_start3A_369 = arith.constant 46 : i32
    %dma_start3A_370 = arith.constant 0 : i32
    %dma_start3A_371 = tpu.memref_slice %arg3[%dma_start3A_369, %dma_start3A_370] : memref<64x4096xf32, #tpu.memory_space<hbm>> -> memref<1x4096xf32, #tpu.memory_space<hbm>>
    %dma_start3A_372 = arith.constant 0 : i32
    %dma_start3A_373 = tpu.memref_slice %arg2[%get3A_368, %dma_start3A_372] : memref<32000x4096xf32, #tpu.memory_space<hbm>> -> memref<1x4096xf32, #tpu.memory_space<hbm>>
    tpu.enqueue_dma source(%dma_start3A_373 : memref<1x4096xf32, #tpu.memory_space<hbm>>) target(%dma_start3A_371 : memref<1x4096xf32, #tpu.memory_space<hbm>>) target_semaphore(%arg5 : memref<!tpu.dma_semaphore, #tpu.memory_space<semaphore_mem>>)
    %get3A_374 = arith.constant 47 : i32
    %get3A_375 = arith.index_cast %get3A_374 : i32 to index
    %get3A_376 = memref.load %arg4[%get3A_375] : memref<64xi32, #tpu.memory_space<smem>>
    %dma_start3A_377 = arith.constant 47 : i32
    %dma_start3A_378 = arith.constant 0 : i32
    %dma_start3A_379 = tpu.memref_slice %arg3[%dma_start3A_377, %dma_start3A_378] : memref<64x4096xf32, #tpu.memory_space<hbm>> -> memref<1x4096xf32, #tpu.memory_space<hbm>>
    %dma_start3A_380 = arith.constant 0 : i32
    %dma_start3A_381 = tpu.memref_slice %arg2[%get3A_376, %dma_start3A_380] : memref<32000x4096xf32, #tpu.memory_space<hbm>> -> memref<1x4096xf32, #tpu.memory_space<hbm>>
    tpu.enqueue_dma source(%dma_start3A_381 : memref<1x4096xf32, #tpu.memory_space<hbm>>) target(%dma_start3A_379 : memref<1x4096xf32, #tpu.memory_space<hbm>>) target_semaphore(%arg5 : memref<!tpu.dma_semaphore, #tpu.memory_space<semaphore_mem>>)
    %get3A_382 = arith.constant 48 : i32
    %get3A_383 = arith.index_cast %get3A_382 : i32 to index
    %get3A_384 = memref.load %arg4[%get3A_383] : memref<64xi32, #tpu.memory_space<smem>>
    %dma_start3A_385 = arith.constant 48 : i32
    %dma_start3A_386 = arith.constant 0 : i32
    %dma_start3A_387 = tpu.memref_slice %arg3[%dma_start3A_385, %dma_start3A_386] : memref<64x4096xf32, #tpu.memory_space<hbm>> -> memref<1x4096xf32, #tpu.memory_space<hbm>>
    %dma_start3A_388 = arith.constant 0 : i32
    %dma_start3A_389 = tpu.memref_slice %arg2[%get3A_384, %dma_start3A_388] : memref<32000x4096xf32, #tpu.memory_space<hbm>> -> memref<1x4096xf32, #tpu.memory_space<hbm>>
    tpu.enqueue_dma source(%dma_start3A_389 : memref<1x4096xf32, #tpu.memory_space<hbm>>) target(%dma_start3A_387 : memref<1x4096xf32, #tpu.memory_space<hbm>>) target_semaphore(%arg5 : memref<!tpu.dma_semaphore, #tpu.memory_space<semaphore_mem>>)
    %get3A_390 = arith.constant 49 : i32
    %get3A_391 = arith.index_cast %get3A_390 : i32 to index
    %get3A_392 = memref.load %arg4[%get3A_391] : memref<64xi32, #tpu.memory_space<smem>>
    %dma_start3A_393 = arith.constant 49 : i32
    %dma_start3A_394 = arith.constant 0 : i32
    %dma_start3A_395 = tpu.memref_slice %arg3[%dma_start3A_393, %dma_start3A_394] : memref<64x4096xf32, #tpu.memory_space<hbm>> -> memref<1x4096xf32, #tpu.memory_space<hbm>>
    %dma_start3A_396 = arith.constant 0 : i32
    %dma_start3A_397 = tpu.memref_slice %arg2[%get3A_392, %dma_start3A_396] : memref<32000x4096xf32, #tpu.memory_space<hbm>> -> memref<1x4096xf32, #tpu.memory_space<hbm>>
    tpu.enqueue_dma source(%dma_start3A_397 : memref<1x4096xf32, #tpu.memory_space<hbm>>) target(%dma_start3A_395 : memref<1x4096xf32, #tpu.memory_space<hbm>>) target_semaphore(%arg5 : memref<!tpu.dma_semaphore, #tpu.memory_space<semaphore_mem>>)
    %get3A_398 = arith.constant 50 : i32
    %get3A_399 = arith.index_cast %get3A_398 : i32 to index
    %get3A_400 = memref.load %arg4[%get3A_399] : memref<64xi32, #tpu.memory_space<smem>>
    %dma_start3A_401 = arith.constant 50 : i32
    %dma_start3A_402 = arith.constant 0 : i32
    %dma_start3A_403 = tpu.memref_slice %arg3[%dma_start3A_401, %dma_start3A_402] : memref<64x4096xf32, #tpu.memory_space<hbm>> -> memref<1x4096xf32, #tpu.memory_space<hbm>>
    %dma_start3A_404 = arith.constant 0 : i32
    %dma_start3A_405 = tpu.memref_slice %arg2[%get3A_400, %dma_start3A_404] : memref<32000x4096xf32, #tpu.memory_space<hbm>> -> memref<1x4096xf32, #tpu.memory_space<hbm>>
    tpu.enqueue_dma source(%dma_start3A_405 : memref<1x4096xf32, #tpu.memory_space<hbm>>) target(%dma_start3A_403 : memref<1x4096xf32, #tpu.memory_space<hbm>>) target_semaphore(%arg5 : memref<!tpu.dma_semaphore, #tpu.memory_space<semaphore_mem>>)
    %get3A_406 = arith.constant 51 : i32
    %get3A_407 = arith.index_cast %get3A_406 : i32 to index
    %get3A_408 = memref.load %arg4[%get3A_407] : memref<64xi32, #tpu.memory_space<smem>>
    %dma_start3A_409 = arith.constant 51 : i32
    %dma_start3A_410 = arith.constant 0 : i32
    %dma_start3A_411 = tpu.memref_slice %arg3[%dma_start3A_409, %dma_start3A_410] : memref<64x4096xf32, #tpu.memory_space<hbm>> -> memref<1x4096xf32, #tpu.memory_space<hbm>>
    %dma_start3A_412 = arith.constant 0 : i32
    %dma_start3A_413 = tpu.memref_slice %arg2[%get3A_408, %dma_start3A_412] : memref<32000x4096xf32, #tpu.memory_space<hbm>> -> memref<1x4096xf32, #tpu.memory_space<hbm>>
    tpu.enqueue_dma source(%dma_start3A_413 : memref<1x4096xf32, #tpu.memory_space<hbm>>) target(%dma_start3A_411 : memref<1x4096xf32, #tpu.memory_space<hbm>>) target_semaphore(%arg5 : memref<!tpu.dma_semaphore, #tpu.memory_space<semaphore_mem>>)
    %get3A_414 = arith.constant 52 : i32
    %get3A_415 = arith.index_cast %get3A_414 : i32 to index
    %get3A_416 = memref.load %arg4[%get3A_415] : memref<64xi32, #tpu.memory_space<smem>>
    %dma_start3A_417 = arith.constant 52 : i32
    %dma_start3A_418 = arith.constant 0 : i32
    %dma_start3A_419 = tpu.memref_slice %arg3[%dma_start3A_417, %dma_start3A_418] : memref<64x4096xf32, #tpu.memory_space<hbm>> -> memref<1x4096xf32, #tpu.memory_space<hbm>>
    %dma_start3A_420 = arith.constant 0 : i32
    %dma_start3A_421 = tpu.memref_slice %arg2[%get3A_416, %dma_start3A_420] : memref<32000x4096xf32, #tpu.memory_space<hbm>> -> memref<1x4096xf32, #tpu.memory_space<hbm>>
    tpu.enqueue_dma source(%dma_start3A_421 : memref<1x4096xf32, #tpu.memory_space<hbm>>) target(%dma_start3A_419 : memref<1x4096xf32, #tpu.memory_space<hbm>>) target_semaphore(%arg5 : memref<!tpu.dma_semaphore, #tpu.memory_space<semaphore_mem>>)
    %get3A_422 = arith.constant 53 : i32
    %get3A_423 = arith.index_cast %get3A_422 : i32 to index
    %get3A_424 = memref.load %arg4[%get3A_423] : memref<64xi32, #tpu.memory_space<smem>>
    %dma_start3A_425 = arith.constant 53 : i32
    %dma_start3A_426 = arith.constant 0 : i32
    %dma_start3A_427 = tpu.memref_slice %arg3[%dma_start3A_425, %dma_start3A_426] : memref<64x4096xf32, #tpu.memory_space<hbm>> -> memref<1x4096xf32, #tpu.memory_space<hbm>>
    %dma_start3A_428 = arith.constant 0 : i32
    %dma_start3A_429 = tpu.memref_slice %arg2[%get3A_424, %dma_start3A_428] : memref<32000x4096xf32, #tpu.memory_space<hbm>> -> memref<1x4096xf32, #tpu.memory_space<hbm>>
    tpu.enqueue_dma source(%dma_start3A_429 : memref<1x4096xf32, #tpu.memory_space<hbm>>) target(%dma_start3A_427 : memref<1x4096xf32, #tpu.memory_space<hbm>>) target_semaphore(%arg5 : memref<!tpu.dma_semaphore, #tpu.memory_space<semaphore_mem>>)
    %get3A_430 = arith.constant 54 : i32
    %get3A_431 = arith.index_cast %get3A_430 : i32 to index
    %get3A_432 = memref.load %arg4[%get3A_431] : memref<64xi32, #tpu.memory_space<smem>>
    %dma_start3A_433 = arith.constant 54 : i32
    %dma_start3A_434 = arith.constant 0 : i32
    %dma_start3A_435 = tpu.memref_slice %arg3[%dma_start3A_433, %dma_start3A_434] : memref<64x4096xf32, #tpu.memory_space<hbm>> -> memref<1x4096xf32, #tpu.memory_space<hbm>>
    %dma_start3A_436 = arith.constant 0 : i32
    %dma_start3A_437 = tpu.memref_slice %arg2[%get3A_432, %dma_start3A_436] : memref<32000x4096xf32, #tpu.memory_space<hbm>> -> memref<1x4096xf32, #tpu.memory_space<hbm>>
    tpu.enqueue_dma source(%dma_start3A_437 : memref<1x4096xf32, #tpu.memory_space<hbm>>) target(%dma_start3A_435 : memref<1x4096xf32, #tpu.memory_space<hbm>>) target_semaphore(%arg5 : memref<!tpu.dma_semaphore, #tpu.memory_space<semaphore_mem>>)
    %get3A_438 = arith.constant 55 : i32
    %get3A_439 = arith.index_cast %get3A_438 : i32 to index
    %get3A_440 = memref.load %arg4[%get3A_439] : memref<64xi32, #tpu.memory_space<smem>>
    %dma_start3A_441 = arith.constant 55 : i32
    %dma_start3A_442 = arith.constant 0 : i32
    %dma_start3A_443 = tpu.memref_slice %arg3[%dma_start3A_441, %dma_start3A_442] : memref<64x4096xf32, #tpu.memory_space<hbm>> -> memref<1x4096xf32, #tpu.memory_space<hbm>>
    %dma_start3A_444 = arith.constant 0 : i32
    %dma_start3A_445 = tpu.memref_slice %arg2[%get3A_440, %dma_start3A_444] : memref<32000x4096xf32, #tpu.memory_space<hbm>> -> memref<1x4096xf32, #tpu.memory_space<hbm>>
    tpu.enqueue_dma source(%dma_start3A_445 : memref<1x4096xf32, #tpu.memory_space<hbm>>) target(%dma_start3A_443 : memref<1x4096xf32, #tpu.memory_space<hbm>>) target_semaphore(%arg5 : memref<!tpu.dma_semaphore, #tpu.memory_space<semaphore_mem>>)
    %get3A_446 = arith.constant 56 : i32
    %get3A_447 = arith.index_cast %get3A_446 : i32 to index
    %get3A_448 = memref.load %arg4[%get3A_447] : memref<64xi32, #tpu.memory_space<smem>>
    %dma_start3A_449 = arith.constant 56 : i32
    %dma_start3A_450 = arith.constant 0 : i32
    %dma_start3A_451 = tpu.memref_slice %arg3[%dma_start3A_449, %dma_start3A_450] : memref<64x4096xf32, #tpu.memory_space<hbm>> -> memref<1x4096xf32, #tpu.memory_space<hbm>>
    %dma_start3A_452 = arith.constant 0 : i32
    %dma_start3A_453 = tpu.memref_slice %arg2[%get3A_448, %dma_start3A_452] : memref<32000x4096xf32, #tpu.memory_space<hbm>> -> memref<1x4096xf32, #tpu.memory_space<hbm>>
    tpu.enqueue_dma source(%dma_start3A_453 : memref<1x4096xf32, #tpu.memory_space<hbm>>) target(%dma_start3A_451 : memref<1x4096xf32, #tpu.memory_space<hbm>>) target_semaphore(%arg5 : memref<!tpu.dma_semaphore, #tpu.memory_space<semaphore_mem>>)
    %get3A_454 = arith.constant 57 : i32
    %get3A_455 = arith.index_cast %get3A_454 : i32 to index
    %get3A_456 = memref.load %arg4[%get3A_455] : memref<64xi32, #tpu.memory_space<smem>>
    %dma_start3A_457 = arith.constant 57 : i32
    %dma_start3A_458 = arith.constant 0 : i32
    %dma_start3A_459 = tpu.memref_slice %arg3[%dma_start3A_457, %dma_start3A_458] : memref<64x4096xf32, #tpu.memory_space<hbm>> -> memref<1x4096xf32, #tpu.memory_space<hbm>>
    %dma_start3A_460 = arith.constant 0 : i32
    %dma_start3A_461 = tpu.memref_slice %arg2[%get3A_456, %dma_start3A_460] : memref<32000x4096xf32, #tpu.memory_space<hbm>> -> memref<1x4096xf32, #tpu.memory_space<hbm>>
    tpu.enqueue_dma source(%dma_start3A_461 : memref<1x4096xf32, #tpu.memory_space<hbm>>) target(%dma_start3A_459 : memref<1x4096xf32, #tpu.memory_space<hbm>>) target_semaphore(%arg5 : memref<!tpu.dma_semaphore, #tpu.memory_space<semaphore_mem>>)
    %get3A_462 = arith.constant 58 : i32
    %get3A_463 = arith.index_cast %get3A_462 : i32 to index
    %get3A_464 = memref.load %arg4[%get3A_463] : memref<64xi32, #tpu.memory_space<smem>>
    %dma_start3A_465 = arith.constant 58 : i32
    %dma_start3A_466 = arith.constant 0 : i32
    %dma_start3A_467 = tpu.memref_slice %arg3[%dma_start3A_465, %dma_start3A_466] : memref<64x4096xf32, #tpu.memory_space<hbm>> -> memref<1x4096xf32, #tpu.memory_space<hbm>>
    %dma_start3A_468 = arith.constant 0 : i32
    %dma_start3A_469 = tpu.memref_slice %arg2[%get3A_464, %dma_start3A_468] : memref<32000x4096xf32, #tpu.memory_space<hbm>> -> memref<1x4096xf32, #tpu.memory_space<hbm>>
    tpu.enqueue_dma source(%dma_start3A_469 : memref<1x4096xf32, #tpu.memory_space<hbm>>) target(%dma_start3A_467 : memref<1x4096xf32, #tpu.memory_space<hbm>>) target_semaphore(%arg5 : memref<!tpu.dma_semaphore, #tpu.memory_space<semaphore_mem>>)
    %get3A_470 = arith.constant 59 : i32
    %get3A_471 = arith.index_cast %get3A_470 : i32 to index
    %get3A_472 = memref.load %arg4[%get3A_471] : memref<64xi32, #tpu.memory_space<smem>>
    %dma_start3A_473 = arith.constant 59 : i32
    %dma_start3A_474 = arith.constant 0 : i32
    %dma_start3A_475 = tpu.memref_slice %arg3[%dma_start3A_473, %dma_start3A_474] : memref<64x4096xf32, #tpu.memory_space<hbm>> -> memref<1x4096xf32, #tpu.memory_space<hbm>>
    %dma_start3A_476 = arith.constant 0 : i32
    %dma_start3A_477 = tpu.memref_slice %arg2[%get3A_472, %dma_start3A_476] : memref<32000x4096xf32, #tpu.memory_space<hbm>> -> memref<1x4096xf32, #tpu.memory_space<hbm>>
    tpu.enqueue_dma source(%dma_start3A_477 : memref<1x4096xf32, #tpu.memory_space<hbm>>) target(%dma_start3A_475 : memref<1x4096xf32, #tpu.memory_space<hbm>>) target_semaphore(%arg5 : memref<!tpu.dma_semaphore, #tpu.memory_space<semaphore_mem>>)
    %get3A_478 = arith.constant 60 : i32
    %get3A_479 = arith.index_cast %get3A_478 : i32 to index
    %get3A_480 = memref.load %arg4[%get3A_479] : memref<64xi32, #tpu.memory_space<smem>>
    %dma_start3A_481 = arith.constant 60 : i32
    %dma_start3A_482 = arith.constant 0 : i32
    %dma_start3A_483 = tpu.memref_slice %arg3[%dma_start3A_481, %dma_start3A_482] : memref<64x4096xf32, #tpu.memory_space<hbm>> -> memref<1x4096xf32, #tpu.memory_space<hbm>>
    %dma_start3A_484 = arith.constant 0 : i32
    %dma_start3A_485 = tpu.memref_slice %arg2[%get3A_480, %dma_start3A_484] : memref<32000x4096xf32, #tpu.memory_space<hbm>> -> memref<1x4096xf32, #tpu.memory_space<hbm>>
    tpu.enqueue_dma source(%dma_start3A_485 : memref<1x4096xf32, #tpu.memory_space<hbm>>) target(%dma_start3A_483 : memref<1x4096xf32, #tpu.memory_space<hbm>>) target_semaphore(%arg5 : memref<!tpu.dma_semaphore, #tpu.memory_space<semaphore_mem>>)
    %get3A_486 = arith.constant 61 : i32
    %get3A_487 = arith.index_cast %get3A_486 : i32 to index
    %get3A_488 = memref.load %arg4[%get3A_487] : memref<64xi32, #tpu.memory_space<smem>>
    %dma_start3A_489 = arith.constant 61 : i32
    %dma_start3A_490 = arith.constant 0 : i32
    %dma_start3A_491 = tpu.memref_slice %arg3[%dma_start3A_489, %dma_start3A_490] : memref<64x4096xf32, #tpu.memory_space<hbm>> -> memref<1x4096xf32, #tpu.memory_space<hbm>>
    %dma_start3A_492 = arith.constant 0 : i32
    %dma_start3A_493 = tpu.memref_slice %arg2[%get3A_488, %dma_start3A_492] : memref<32000x4096xf32, #tpu.memory_space<hbm>> -> memref<1x4096xf32, #tpu.memory_space<hbm>>
    tpu.enqueue_dma source(%dma_start3A_493 : memref<1x4096xf32, #tpu.memory_space<hbm>>) target(%dma_start3A_491 : memref<1x4096xf32, #tpu.memory_space<hbm>>) target_semaphore(%arg5 : memref<!tpu.dma_semaphore, #tpu.memory_space<semaphore_mem>>)
    %get3A_494 = arith.constant 62 : i32
    %get3A_495 = arith.index_cast %get3A_494 : i32 to index
    %get3A_496 = memref.load %arg4[%get3A_495] : memref<64xi32, #tpu.memory_space<smem>>
    %dma_start3A_497 = arith.constant 62 : i32
    %dma_start3A_498 = arith.constant 0 : i32
    %dma_start3A_499 = tpu.memref_slice %arg3[%dma_start3A_497, %dma_start3A_498] : memref<64x4096xf32, #tpu.memory_space<hbm>> -> memref<1x4096xf32, #tpu.memory_space<hbm>>
    %dma_start3A_500 = arith.constant 0 : i32
    %dma_start3A_501 = tpu.memref_slice %arg2[%get3A_496, %dma_start3A_500] : memref<32000x4096xf32, #tpu.memory_space<hbm>> -> memref<1x4096xf32, #tpu.memory_space<hbm>>
    tpu.enqueue_dma source(%dma_start3A_501 : memref<1x4096xf32, #tpu.memory_space<hbm>>) target(%dma_start3A_499 : memref<1x4096xf32, #tpu.memory_space<hbm>>) target_semaphore(%arg5 : memref<!tpu.dma_semaphore, #tpu.memory_space<semaphore_mem>>)
    %get3A_502 = arith.constant 63 : i32
    %get3A_503 = arith.index_cast %get3A_502 : i32 to index
    %get3A_504 = memref.load %arg4[%get3A_503] : memref<64xi32, #tpu.memory_space<smem>>
    %dma_start3A_505 = arith.constant 63 : i32
    %dma_start3A_506 = arith.constant 0 : i32
    %dma_start3A_507 = tpu.memref_slice %arg3[%dma_start3A_505, %dma_start3A_506] : memref<64x4096xf32, #tpu.memory_space<hbm>> -> memref<1x4096xf32, #tpu.memory_space<hbm>>
    %dma_start3A_508 = arith.constant 0 : i32
    %dma_start3A_509 = tpu.memref_slice %arg2[%get3A_504, %dma_start3A_508] : memref<32000x4096xf32, #tpu.memory_space<hbm>> -> memref<1x4096xf32, #tpu.memory_space<hbm>>
    tpu.enqueue_dma source(%dma_start3A_509 : memref<1x4096xf32, #tpu.memory_space<hbm>>) target(%dma_start3A_507 : memref<1x4096xf32, #tpu.memory_space<hbm>>) target_semaphore(%arg5 : memref<!tpu.dma_semaphore, #tpu.memory_space<semaphore_mem>>)
    %get3A_510 = arith.constant 0 : i32
    %get3A_511 = arith.index_cast %get3A_510 : i32 to index
    %get3A_512 = memref.load %arg4[%get3A_511] : memref<64xi32, #tpu.memory_space<smem>>
    %dma_wait3A = arith.constant 0 : i32
    %dma_wait3A_513 = arith.constant 0 : i32
    %dma_wait3A_514 = tpu.memref_slice %arg3[%dma_wait3A, %dma_wait3A_513] : memref<64x4096xf32, #tpu.memory_space<hbm>> -> memref<1x4096xf32, #tpu.memory_space<hbm>>
    %dma_wait3A_515 = arith.constant 0 : i32
    %dma_wait3A_516 = tpu.memref_slice %arg2[%get3A_512, %dma_wait3A_515] : memref<32000x4096xf32, #tpu.memory_space<hbm>> -> memref<1x4096xf32, #tpu.memory_space<hbm>>
    tpu.wait_dma2 semaphore(%arg5 : memref<!tpu.dma_semaphore, #tpu.memory_space<semaphore_mem>>) src(%dma_wait3A_516 : memref<1x4096xf32, #tpu.memory_space<hbm>>) dst(%dma_wait3A_514 : memref<1x4096xf32, #tpu.memory_space<hbm>>)
    %get3A_517 = arith.constant 1 : i32
    %get3A_518 = arith.index_cast %get3A_517 : i32 to index
    %get3A_519 = memref.load %arg4[%get3A_518] : memref<64xi32, #tpu.memory_space<smem>>
    %dma_wait3A_520 = arith.constant 1 : i32
    %dma_wait3A_521 = arith.constant 0 : i32
    %dma_wait3A_522 = tpu.memref_slice %arg3[%dma_wait3A_520, %dma_wait3A_521] : memref<64x4096xf32, #tpu.memory_space<hbm>> -> memref<1x4096xf32, #tpu.memory_space<hbm>>
    %dma_wait3A_523 = arith.constant 0 : i32
    %dma_wait3A_524 = tpu.memref_slice %arg2[%get3A_519, %dma_wait3A_523] : memref<32000x4096xf32, #tpu.memory_space<hbm>> -> memref<1x4096xf32, #tpu.memory_space<hbm>>
    tpu.wait_dma2 semaphore(%arg5 : memref<!tpu.dma_semaphore, #tpu.memory_space<semaphore_mem>>) src(%dma_wait3A_524 : memref<1x4096xf32, #tpu.memory_space<hbm>>) dst(%dma_wait3A_522 : memref<1x4096xf32, #tpu.memory_space<hbm>>)
    %get3A_525 = arith.constant 2 : i32
    %get3A_526 = arith.index_cast %get3A_525 : i32 to index
    %get3A_527 = memref.load %arg4[%get3A_526] : memref<64xi32, #tpu.memory_space<smem>>
    %dma_wait3A_528 = arith.constant 2 : i32
    %dma_wait3A_529 = arith.constant 0 : i32
    %dma_wait3A_530 = tpu.memref_slice %arg3[%dma_wait3A_528, %dma_wait3A_529] : memref<64x4096xf32, #tpu.memory_space<hbm>> -> memref<1x4096xf32, #tpu.memory_space<hbm>>
    %dma_wait3A_531 = arith.constant 0 : i32
    %dma_wait3A_532 = tpu.memref_slice %arg2[%get3A_527, %dma_wait3A_531] : memref<32000x4096xf32, #tpu.memory_space<hbm>> -> memref<1x4096xf32, #tpu.memory_space<hbm>>
    tpu.wait_dma2 semaphore(%arg5 : memref<!tpu.dma_semaphore, #tpu.memory_space<semaphore_mem>>) src(%dma_wait3A_532 : memref<1x4096xf32, #tpu.memory_space<hbm>>) dst(%dma_wait3A_530 : memref<1x4096xf32, #tpu.memory_space<hbm>>)
    %get3A_533 = arith.constant 3 : i32
    %get3A_534 = arith.index_cast %get3A_533 : i32 to index
    %get3A_535 = memref.load %arg4[%get3A_534] : memref<64xi32, #tpu.memory_space<smem>>
    %dma_wait3A_536 = arith.constant 3 : i32
    %dma_wait3A_537 = arith.constant 0 : i32
    %dma_wait3A_538 = tpu.memref_slice %arg3[%dma_wait3A_536, %dma_wait3A_537] : memref<64x4096xf32, #tpu.memory_space<hbm>> -> memref<1x4096xf32, #tpu.memory_space<hbm>>
    %dma_wait3A_539 = arith.constant 0 : i32
    %dma_wait3A_540 = tpu.memref_slice %arg2[%get3A_535, %dma_wait3A_539] : memref<32000x4096xf32, #tpu.memory_space<hbm>> -> memref<1x4096xf32, #tpu.memory_space<hbm>>
    tpu.wait_dma2 semaphore(%arg5 : memref<!tpu.dma_semaphore, #tpu.memory_space<semaphore_mem>>) src(%dma_wait3A_540 : memref<1x4096xf32, #tpu.memory_space<hbm>>) dst(%dma_wait3A_538 : memref<1x4096xf32, #tpu.memory_space<hbm>>)
    %get3A_541 = arith.constant 4 : i32
    %get3A_542 = arith.index_cast %get3A_541 : i32 to index
    %get3A_543 = memref.load %arg4[%get3A_542] : memref<64xi32, #tpu.memory_space<smem>>
    %dma_wait3A_544 = arith.constant 4 : i32
    %dma_wait3A_545 = arith.constant 0 : i32
    %dma_wait3A_546 = tpu.memref_slice %arg3[%dma_wait3A_544, %dma_wait3A_545] : memref<64x4096xf32, #tpu.memory_space<hbm>> -> memref<1x4096xf32, #tpu.memory_space<hbm>>
    %dma_wait3A_547 = arith.constant 0 : i32
    %dma_wait3A_548 = tpu.memref_slice %arg2[%get3A_543, %dma_wait3A_547] : memref<32000x4096xf32, #tpu.memory_space<hbm>> -> memref<1x4096xf32, #tpu.memory_space<hbm>>
    tpu.wait_dma2 semaphore(%arg5 : memref<!tpu.dma_semaphore, #tpu.memory_space<semaphore_mem>>) src(%dma_wait3A_548 : memref<1x4096xf32, #tpu.memory_space<hbm>>) dst(%dma_wait3A_546 : memref<1x4096xf32, #tpu.memory_space<hbm>>)
    %get3A_549 = arith.constant 5 : i32
    %get3A_550 = arith.index_cast %get3A_549 : i32 to index
    %get3A_551 = memref.load %arg4[%get3A_550] : memref<64xi32, #tpu.memory_space<smem>>
    %dma_wait3A_552 = arith.constant 5 : i32
    %dma_wait3A_553 = arith.constant 0 : i32
    %dma_wait3A_554 = tpu.memref_slice %arg3[%dma_wait3A_552, %dma_wait3A_553] : memref<64x4096xf32, #tpu.memory_space<hbm>> -> memref<1x4096xf32, #tpu.memory_space<hbm>>
    %dma_wait3A_555 = arith.constant 0 : i32
    %dma_wait3A_556 = tpu.memref_slice %arg2[%get3A_551, %dma_wait3A_555] : memref<32000x4096xf32, #tpu.memory_space<hbm>> -> memref<1x4096xf32, #tpu.memory_space<hbm>>
    tpu.wait_dma2 semaphore(%arg5 : memref<!tpu.dma_semaphore, #tpu.memory_space<semaphore_mem>>) src(%dma_wait3A_556 : memref<1x4096xf32, #tpu.memory_space<hbm>>) dst(%dma_wait3A_554 : memref<1x4096xf32, #tpu.memory_space<hbm>>)
    %get3A_557 = arith.constant 6 : i32
    %get3A_558 = arith.index_cast %get3A_557 : i32 to index
    %get3A_559 = memref.load %arg4[%get3A_558] : memref<64xi32, #tpu.memory_space<smem>>
    %dma_wait3A_560 = arith.constant 6 : i32
    %dma_wait3A_561 = arith.constant 0 : i32
    %dma_wait3A_562 = tpu.memref_slice %arg3[%dma_wait3A_560, %dma_wait3A_561] : memref<64x4096xf32, #tpu.memory_space<hbm>> -> memref<1x4096xf32, #tpu.memory_space<hbm>>
    %dma_wait3A_563 = arith.constant 0 : i32
    %dma_wait3A_564 = tpu.memref_slice %arg2[%get3A_559, %dma_wait3A_563] : memref<32000x4096xf32, #tpu.memory_space<hbm>> -> memref<1x4096xf32, #tpu.memory_space<hbm>>
    tpu.wait_dma2 semaphore(%arg5 : memref<!tpu.dma_semaphore, #tpu.memory_space<semaphore_mem>>) src(%dma_wait3A_564 : memref<1x4096xf32, #tpu.memory_space<hbm>>) dst(%dma_wait3A_562 : memref<1x4096xf32, #tpu.memory_space<hbm>>)
    %get3A_565 = arith.constant 7 : i32
    %get3A_566 = arith.index_cast %get3A_565 : i32 to index
    %get3A_567 = memref.load %arg4[%get3A_566] : memref<64xi32, #tpu.memory_space<smem>>
    %dma_wait3A_568 = arith.constant 7 : i32
    %dma_wait3A_569 = arith.constant 0 : i32
    %dma_wait3A_570 = tpu.memref_slice %arg3[%dma_wait3A_568, %dma_wait3A_569] : memref<64x4096xf32, #tpu.memory_space<hbm>> -> memref<1x4096xf32, #tpu.memory_space<hbm>>
    %dma_wait3A_571 = arith.constant 0 : i32
    %dma_wait3A_572 = tpu.memref_slice %arg2[%get3A_567, %dma_wait3A_571] : memref<32000x4096xf32, #tpu.memory_space<hbm>> -> memref<1x4096xf32, #tpu.memory_space<hbm>>
    tpu.wait_dma2 semaphore(%arg5 : memref<!tpu.dma_semaphore, #tpu.memory_space<semaphore_mem>>) src(%dma_wait3A_572 : memref<1x4096xf32, #tpu.memory_space<hbm>>) dst(%dma_wait3A_570 : memref<1x4096xf32, #tpu.memory_space<hbm>>)
    %get3A_573 = arith.constant 8 : i32
    %get3A_574 = arith.index_cast %get3A_573 : i32 to index
    %get3A_575 = memref.load %arg4[%get3A_574] : memref<64xi32, #tpu.memory_space<smem>>
    %dma_wait3A_576 = arith.constant 8 : i32
    %dma_wait3A_577 = arith.constant 0 : i32
    %dma_wait3A_578 = tpu.memref_slice %arg3[%dma_wait3A_576, %dma_wait3A_577] : memref<64x4096xf32, #tpu.memory_space<hbm>> -> memref<1x4096xf32, #tpu.memory_space<hbm>>
    %dma_wait3A_579 = arith.constant 0 : i32
    %dma_wait3A_580 = tpu.memref_slice %arg2[%get3A_575, %dma_wait3A_579] : memref<32000x4096xf32, #tpu.memory_space<hbm>> -> memref<1x4096xf32, #tpu.memory_space<hbm>>
    tpu.wait_dma2 semaphore(%arg5 : memref<!tpu.dma_semaphore, #tpu.memory_space<semaphore_mem>>) src(%dma_wait3A_580 : memref<1x4096xf32, #tpu.memory_space<hbm>>) dst(%dma_wait3A_578 : memref<1x4096xf32, #tpu.memory_space<hbm>>)
    %get3A_581 = arith.constant 9 : i32
    %get3A_582 = arith.index_cast %get3A_581 : i32 to index
    %get3A_583 = memref.load %arg4[%get3A_582] : memref<64xi32, #tpu.memory_space<smem>>
    %dma_wait3A_584 = arith.constant 9 : i32
    %dma_wait3A_585 = arith.constant 0 : i32
    %dma_wait3A_586 = tpu.memref_slice %arg3[%dma_wait3A_584, %dma_wait3A_585] : memref<64x4096xf32, #tpu.memory_space<hbm>> -> memref<1x4096xf32, #tpu.memory_space<hbm>>
    %dma_wait3A_587 = arith.constant 0 : i32
    %dma_wait3A_588 = tpu.memref_slice %arg2[%get3A_583, %dma_wait3A_587] : memref<32000x4096xf32, #tpu.memory_space<hbm>> -> memref<1x4096xf32, #tpu.memory_space<hbm>>
    tpu.wait_dma2 semaphore(%arg5 : memref<!tpu.dma_semaphore, #tpu.memory_space<semaphore_mem>>) src(%dma_wait3A_588 : memref<1x4096xf32, #tpu.memory_space<hbm>>) dst(%dma_wait3A_586 : memref<1x4096xf32, #tpu.memory_space<hbm>>)
    %get3A_589 = arith.constant 10 : i32
    %get3A_590 = arith.index_cast %get3A_589 : i32 to index
    %get3A_591 = memref.load %arg4[%get3A_590] : memref<64xi32, #tpu.memory_space<smem>>
    %dma_wait3A_592 = arith.constant 10 : i32
    %dma_wait3A_593 = arith.constant 0 : i32
    %dma_wait3A_594 = tpu.memref_slice %arg3[%dma_wait3A_592, %dma_wait3A_593] : memref<64x4096xf32, #tpu.memory_space<hbm>> -> memref<1x4096xf32, #tpu.memory_space<hbm>>
    %dma_wait3A_595 = arith.constant 0 : i32
    %dma_wait3A_596 = tpu.memref_slice %arg2[%get3A_591, %dma_wait3A_595] : memref<32000x4096xf32, #tpu.memory_space<hbm>> -> memref<1x4096xf32, #tpu.memory_space<hbm>>
    tpu.wait_dma2 semaphore(%arg5 : memref<!tpu.dma_semaphore, #tpu.memory_space<semaphore_mem>>) src(%dma_wait3A_596 : memref<1x4096xf32, #tpu.memory_space<hbm>>) dst(%dma_wait3A_594 : memref<1x4096xf32, #tpu.memory_space<hbm>>)
    %get3A_597 = arith.constant 11 : i32
    %get3A_598 = arith.index_cast %get3A_597 : i32 to index
    %get3A_599 = memref.load %arg4[%get3A_598] : memref<64xi32, #tpu.memory_space<smem>>
    %dma_wait3A_600 = arith.constant 11 : i32
    %dma_wait3A_601 = arith.constant 0 : i32
    %dma_wait3A_602 = tpu.memref_slice %arg3[%dma_wait3A_600, %dma_wait3A_601] : memref<64x4096xf32, #tpu.memory_space<hbm>> -> memref<1x4096xf32, #tpu.memory_space<hbm>>
    %dma_wait3A_603 = arith.constant 0 : i32
    %dma_wait3A_604 = tpu.memref_slice %arg2[%get3A_599, %dma_wait3A_603] : memref<32000x4096xf32, #tpu.memory_space<hbm>> -> memref<1x4096xf32, #tpu.memory_space<hbm>>
    tpu.wait_dma2 semaphore(%arg5 : memref<!tpu.dma_semaphore, #tpu.memory_space<semaphore_mem>>) src(%dma_wait3A_604 : memref<1x4096xf32, #tpu.memory_space<hbm>>) dst(%dma_wait3A_602 : memref<1x4096xf32, #tpu.memory_space<hbm>>)
    %get3A_605 = arith.constant 12 : i32
    %get3A_606 = arith.index_cast %get3A_605 : i32 to index
    %get3A_607 = memref.load %arg4[%get3A_606] : memref<64xi32, #tpu.memory_space<smem>>
    %dma_wait3A_608 = arith.constant 12 : i32
    %dma_wait3A_609 = arith.constant 0 : i32
    %dma_wait3A_610 = tpu.memref_slice %arg3[%dma_wait3A_608, %dma_wait3A_609] : memref<64x4096xf32, #tpu.memory_space<hbm>> -> memref<1x4096xf32, #tpu.memory_space<hbm>>
    %dma_wait3A_611 = arith.constant 0 : i32
    %dma_wait3A_612 = tpu.memref_slice %arg2[%get3A_607, %dma_wait3A_611] : memref<32000x4096xf32, #tpu.memory_space<hbm>> -> memref<1x4096xf32, #tpu.memory_space<hbm>>
    tpu.wait_dma2 semaphore(%arg5 : memref<!tpu.dma_semaphore, #tpu.memory_space<semaphore_mem>>) src(%dma_wait3A_612 : memref<1x4096xf32, #tpu.memory_space<hbm>>) dst(%dma_wait3A_610 : memref<1x4096xf32, #tpu.memory_space<hbm>>)
    %get3A_613 = arith.constant 13 : i32
    %get3A_614 = arith.index_cast %get3A_613 : i32 to index
    %get3A_615 = memref.load %arg4[%get3A_614] : memref<64xi32, #tpu.memory_space<smem>>
    %dma_wait3A_616 = arith.constant 13 : i32
    %dma_wait3A_617 = arith.constant 0 : i32
    %dma_wait3A_618 = tpu.memref_slice %arg3[%dma_wait3A_616, %dma_wait3A_617] : memref<64x4096xf32, #tpu.memory_space<hbm>> -> memref<1x4096xf32, #tpu.memory_space<hbm>>
    %dma_wait3A_619 = arith.constant 0 : i32
    %dma_wait3A_620 = tpu.memref_slice %arg2[%get3A_615, %dma_wait3A_619] : memref<32000x4096xf32, #tpu.memory_space<hbm>> -> memref<1x4096xf32, #tpu.memory_space<hbm>>
    tpu.wait_dma2 semaphore(%arg5 : memref<!tpu.dma_semaphore, #tpu.memory_space<semaphore_mem>>) src(%dma_wait3A_620 : memref<1x4096xf32, #tpu.memory_space<hbm>>) dst(%dma_wait3A_618 : memref<1x4096xf32, #tpu.memory_space<hbm>>)
    %get3A_621 = arith.constant 14 : i32
    %get3A_622 = arith.index_cast %get3A_621 : i32 to index
    %get3A_623 = memref.load %arg4[%get3A_622] : memref<64xi32, #tpu.memory_space<smem>>
    %dma_wait3A_624 = arith.constant 14 : i32
    %dma_wait3A_625 = arith.constant 0 : i32
    %dma_wait3A_626 = tpu.memref_slice %arg3[%dma_wait3A_624, %dma_wait3A_625] : memref<64x4096xf32, #tpu.memory_space<hbm>> -> memref<1x4096xf32, #tpu.memory_space<hbm>>
    %dma_wait3A_627 = arith.constant 0 : i32
    %dma_wait3A_628 = tpu.memref_slice %arg2[%get3A_623, %dma_wait3A_627] : memref<32000x4096xf32, #tpu.memory_space<hbm>> -> memref<1x4096xf32, #tpu.memory_space<hbm>>
    tpu.wait_dma2 semaphore(%arg5 : memref<!tpu.dma_semaphore, #tpu.memory_space<semaphore_mem>>) src(%dma_wait3A_628 : memref<1x4096xf32, #tpu.memory_space<hbm>>) dst(%dma_wait3A_626 : memref<1x4096xf32, #tpu.memory_space<hbm>>)
    %get3A_629 = arith.constant 15 : i32
    %get3A_630 = arith.index_cast %get3A_629 : i32 to index
    %get3A_631 = memref.load %arg4[%get3A_630] : memref<64xi32, #tpu.memory_space<smem>>
    %dma_wait3A_632 = arith.constant 15 : i32
    %dma_wait3A_633 = arith.constant 0 : i32
    %dma_wait3A_634 = tpu.memref_slice %arg3[%dma_wait3A_632, %dma_wait3A_633] : memref<64x4096xf32, #tpu.memory_space<hbm>> -> memref<1x4096xf32, #tpu.memory_space<hbm>>
    %dma_wait3A_635 = arith.constant 0 : i32
    %dma_wait3A_636 = tpu.memref_slice %arg2[%get3A_631, %dma_wait3A_635] : memref<32000x4096xf32, #tpu.memory_space<hbm>> -> memref<1x4096xf32, #tpu.memory_space<hbm>>
    tpu.wait_dma2 semaphore(%arg5 : memref<!tpu.dma_semaphore, #tpu.memory_space<semaphore_mem>>) src(%dma_wait3A_636 : memref<1x4096xf32, #tpu.memory_space<hbm>>) dst(%dma_wait3A_634 : memref<1x4096xf32, #tpu.memory_space<hbm>>)
    %get3A_637 = arith.constant 16 : i32
    %get3A_638 = arith.index_cast %get3A_637 : i32 to index
    %get3A_639 = memref.load %arg4[%get3A_638] : memref<64xi32, #tpu.memory_space<smem>>
    %dma_wait3A_640 = arith.constant 16 : i32
    %dma_wait3A_641 = arith.constant 0 : i32
    %dma_wait3A_642 = tpu.memref_slice %arg3[%dma_wait3A_640, %dma_wait3A_641] : memref<64x4096xf32, #tpu.memory_space<hbm>> -> memref<1x4096xf32, #tpu.memory_space<hbm>>
    %dma_wait3A_643 = arith.constant 0 : i32
    %dma_wait3A_644 = tpu.memref_slice %arg2[%get3A_639, %dma_wait3A_643] : memref<32000x4096xf32, #tpu.memory_space<hbm>> -> memref<1x4096xf32, #tpu.memory_space<hbm>>
    tpu.wait_dma2 semaphore(%arg5 : memref<!tpu.dma_semaphore, #tpu.memory_space<semaphore_mem>>) src(%dma_wait3A_644 : memref<1x4096xf32, #tpu.memory_space<hbm>>) dst(%dma_wait3A_642 : memref<1x4096xf32, #tpu.memory_space<hbm>>)
    %get3A_645 = arith.constant 17 : i32
    %get3A_646 = arith.index_cast %get3A_645 : i32 to index
    %get3A_647 = memref.load %arg4[%get3A_646] : memref<64xi32, #tpu.memory_space<smem>>
    %dma_wait3A_648 = arith.constant 17 : i32
    %dma_wait3A_649 = arith.constant 0 : i32
    %dma_wait3A_650 = tpu.memref_slice %arg3[%dma_wait3A_648, %dma_wait3A_649] : memref<64x4096xf32, #tpu.memory_space<hbm>> -> memref<1x4096xf32, #tpu.memory_space<hbm>>
    %dma_wait3A_651 = arith.constant 0 : i32
    %dma_wait3A_652 = tpu.memref_slice %arg2[%get3A_647, %dma_wait3A_651] : memref<32000x4096xf32, #tpu.memory_space<hbm>> -> memref<1x4096xf32, #tpu.memory_space<hbm>>
    tpu.wait_dma2 semaphore(%arg5 : memref<!tpu.dma_semaphore, #tpu.memory_space<semaphore_mem>>) src(%dma_wait3A_652 : memref<1x4096xf32, #tpu.memory_space<hbm>>) dst(%dma_wait3A_650 : memref<1x4096xf32, #tpu.memory_space<hbm>>)
    %get3A_653 = arith.constant 18 : i32
    %get3A_654 = arith.index_cast %get3A_653 : i32 to index
    %get3A_655 = memref.load %arg4[%get3A_654] : memref<64xi32, #tpu.memory_space<smem>>
    %dma_wait3A_656 = arith.constant 18 : i32
    %dma_wait3A_657 = arith.constant 0 : i32
    %dma_wait3A_658 = tpu.memref_slice %arg3[%dma_wait3A_656, %dma_wait3A_657] : memref<64x4096xf32, #tpu.memory_space<hbm>> -> memref<1x4096xf32, #tpu.memory_space<hbm>>
    %dma_wait3A_659 = arith.constant 0 : i32
    %dma_wait3A_660 = tpu.memref_slice %arg2[%get3A_655, %dma_wait3A_659] : memref<32000x4096xf32, #tpu.memory_space<hbm>> -> memref<1x4096xf32, #tpu.memory_space<hbm>>
    tpu.wait_dma2 semaphore(%arg5 : memref<!tpu.dma_semaphore, #tpu.memory_space<semaphore_mem>>) src(%dma_wait3A_660 : memref<1x4096xf32, #tpu.memory_space<hbm>>) dst(%dma_wait3A_658 : memref<1x4096xf32, #tpu.memory_space<hbm>>)
    %get3A_661 = arith.constant 19 : i32
    %get3A_662 = arith.index_cast %get3A_661 : i32 to index
    %get3A_663 = memref.load %arg4[%get3A_662] : memref<64xi32, #tpu.memory_space<smem>>
    %dma_wait3A_664 = arith.constant 19 : i32
    %dma_wait3A_665 = arith.constant 0 : i32
    %dma_wait3A_666 = tpu.memref_slice %arg3[%dma_wait3A_664, %dma_wait3A_665] : memref<64x4096xf32, #tpu.memory_space<hbm>> -> memref<1x4096xf32, #tpu.memory_space<hbm>>
    %dma_wait3A_667 = arith.constant 0 : i32
    %dma_wait3A_668 = tpu.memref_slice %arg2[%get3A_663, %dma_wait3A_667] : memref<32000x4096xf32, #tpu.memory_space<hbm>> -> memref<1x4096xf32, #tpu.memory_space<hbm>>
    tpu.wait_dma2 semaphore(%arg5 : memref<!tpu.dma_semaphore, #tpu.memory_space<semaphore_mem>>) src(%dma_wait3A_668 : memref<1x4096xf32, #tpu.memory_space<hbm>>) dst(%dma_wait3A_666 : memref<1x4096xf32, #tpu.memory_space<hbm>>)
    %get3A_669 = arith.constant 20 : i32
    %get3A_670 = arith.index_cast %get3A_669 : i32 to index
    %get3A_671 = memref.load %arg4[%get3A_670] : memref<64xi32, #tpu.memory_space<smem>>
    %dma_wait3A_672 = arith.constant 20 : i32
    %dma_wait3A_673 = arith.constant 0 : i32
    %dma_wait3A_674 = tpu.memref_slice %arg3[%dma_wait3A_672, %dma_wait3A_673] : memref<64x4096xf32, #tpu.memory_space<hbm>> -> memref<1x4096xf32, #tpu.memory_space<hbm>>
    %dma_wait3A_675 = arith.constant 0 : i32
    %dma_wait3A_676 = tpu.memref_slice %arg2[%get3A_671, %dma_wait3A_675] : memref<32000x4096xf32, #tpu.memory_space<hbm>> -> memref<1x4096xf32, #tpu.memory_space<hbm>>
    tpu.wait_dma2 semaphore(%arg5 : memref<!tpu.dma_semaphore, #tpu.memory_space<semaphore_mem>>) src(%dma_wait3A_676 : memref<1x4096xf32, #tpu.memory_space<hbm>>) dst(%dma_wait3A_674 : memref<1x4096xf32, #tpu.memory_space<hbm>>)
    %get3A_677 = arith.constant 21 : i32
    %get3A_678 = arith.index_cast %get3A_677 : i32 to index
    %get3A_679 = memref.load %arg4[%get3A_678] : memref<64xi32, #tpu.memory_space<smem>>
    %dma_wait3A_680 = arith.constant 21 : i32
    %dma_wait3A_681 = arith.constant 0 : i32
    %dma_wait3A_682 = tpu.memref_slice %arg3[%dma_wait3A_680, %dma_wait3A_681] : memref<64x4096xf32, #tpu.memory_space<hbm>> -> memref<1x4096xf32, #tpu.memory_space<hbm>>
    %dma_wait3A_683 = arith.constant 0 : i32
    %dma_wait3A_684 = tpu.memref_slice %arg2[%get3A_679, %dma_wait3A_683] : memref<32000x4096xf32, #tpu.memory_space<hbm>> -> memref<1x4096xf32, #tpu.memory_space<hbm>>
    tpu.wait_dma2 semaphore(%arg5 : memref<!tpu.dma_semaphore, #tpu.memory_space<semaphore_mem>>) src(%dma_wait3A_684 : memref<1x4096xf32, #tpu.memory_space<hbm>>) dst(%dma_wait3A_682 : memref<1x4096xf32, #tpu.memory_space<hbm>>)
    %get3A_685 = arith.constant 22 : i32
    %get3A_686 = arith.index_cast %get3A_685 : i32 to index
    %get3A_687 = memref.load %arg4[%get3A_686] : memref<64xi32, #tpu.memory_space<smem>>
    %dma_wait3A_688 = arith.constant 22 : i32
    %dma_wait3A_689 = arith.constant 0 : i32
    %dma_wait3A_690 = tpu.memref_slice %arg3[%dma_wait3A_688, %dma_wait3A_689] : memref<64x4096xf32, #tpu.memory_space<hbm>> -> memref<1x4096xf32, #tpu.memory_space<hbm>>
    %dma_wait3A_691 = arith.constant 0 : i32
    %dma_wait3A_692 = tpu.memref_slice %arg2[%get3A_687, %dma_wait3A_691] : memref<32000x4096xf32, #tpu.memory_space<hbm>> -> memref<1x4096xf32, #tpu.memory_space<hbm>>
    tpu.wait_dma2 semaphore(%arg5 : memref<!tpu.dma_semaphore, #tpu.memory_space<semaphore_mem>>) src(%dma_wait3A_692 : memref<1x4096xf32, #tpu.memory_space<hbm>>) dst(%dma_wait3A_690 : memref<1x4096xf32, #tpu.memory_space<hbm>>)
    %get3A_693 = arith.constant 23 : i32
    %get3A_694 = arith.index_cast %get3A_693 : i32 to index
    %get3A_695 = memref.load %arg4[%get3A_694] : memref<64xi32, #tpu.memory_space<smem>>
    %dma_wait3A_696 = arith.constant 23 : i32
    %dma_wait3A_697 = arith.constant 0 : i32
    %dma_wait3A_698 = tpu.memref_slice %arg3[%dma_wait3A_696, %dma_wait3A_697] : memref<64x4096xf32, #tpu.memory_space<hbm>> -> memref<1x4096xf32, #tpu.memory_space<hbm>>
    %dma_wait3A_699 = arith.constant 0 : i32
    %dma_wait3A_700 = tpu.memref_slice %arg2[%get3A_695, %dma_wait3A_699] : memref<32000x4096xf32, #tpu.memory_space<hbm>> -> memref<1x4096xf32, #tpu.memory_space<hbm>>
    tpu.wait_dma2 semaphore(%arg5 : memref<!tpu.dma_semaphore, #tpu.memory_space<semaphore_mem>>) src(%dma_wait3A_700 : memref<1x4096xf32, #tpu.memory_space<hbm>>) dst(%dma_wait3A_698 : memref<1x4096xf32, #tpu.memory_space<hbm>>)
    %get3A_701 = arith.constant 24 : i32
    %get3A_702 = arith.index_cast %get3A_701 : i32 to index
    %get3A_703 = memref.load %arg4[%get3A_702] : memref<64xi32, #tpu.memory_space<smem>>
    %dma_wait3A_704 = arith.constant 24 : i32
    %dma_wait3A_705 = arith.constant 0 : i32
    %dma_wait3A_706 = tpu.memref_slice %arg3[%dma_wait3A_704, %dma_wait3A_705] : memref<64x4096xf32, #tpu.memory_space<hbm>> -> memref<1x4096xf32, #tpu.memory_space<hbm>>
    %dma_wait3A_707 = arith.constant 0 : i32
    %dma_wait3A_708 = tpu.memref_slice %arg2[%get3A_703, %dma_wait3A_707] : memref<32000x4096xf32, #tpu.memory_space<hbm>> -> memref<1x4096xf32, #tpu.memory_space<hbm>>
    tpu.wait_dma2 semaphore(%arg5 : memref<!tpu.dma_semaphore, #tpu.memory_space<semaphore_mem>>) src(%dma_wait3A_708 : memref<1x4096xf32, #tpu.memory_space<hbm>>) dst(%dma_wait3A_706 : memref<1x4096xf32, #tpu.memory_space<hbm>>)
    %get3A_709 = arith.constant 25 : i32
    %get3A_710 = arith.index_cast %get3A_709 : i32 to index
    %get3A_711 = memref.load %arg4[%get3A_710] : memref<64xi32, #tpu.memory_space<smem>>
    %dma_wait3A_712 = arith.constant 25 : i32
    %dma_wait3A_713 = arith.constant 0 : i32
    %dma_wait3A_714 = tpu.memref_slice %arg3[%dma_wait3A_712, %dma_wait3A_713] : memref<64x4096xf32, #tpu.memory_space<hbm>> -> memref<1x4096xf32, #tpu.memory_space<hbm>>
    %dma_wait3A_715 = arith.constant 0 : i32
    %dma_wait3A_716 = tpu.memref_slice %arg2[%get3A_711, %dma_wait3A_715] : memref<32000x4096xf32, #tpu.memory_space<hbm>> -> memref<1x4096xf32, #tpu.memory_space<hbm>>
    tpu.wait_dma2 semaphore(%arg5 : memref<!tpu.dma_semaphore, #tpu.memory_space<semaphore_mem>>) src(%dma_wait3A_716 : memref<1x4096xf32, #tpu.memory_space<hbm>>) dst(%dma_wait3A_714 : memref<1x4096xf32, #tpu.memory_space<hbm>>)
    %get3A_717 = arith.constant 26 : i32
    %get3A_718 = arith.index_cast %get3A_717 : i32 to index
    %get3A_719 = memref.load %arg4[%get3A_718] : memref<64xi32, #tpu.memory_space<smem>>
    %dma_wait3A_720 = arith.constant 26 : i32
    %dma_wait3A_721 = arith.constant 0 : i32
    %dma_wait3A_722 = tpu.memref_slice %arg3[%dma_wait3A_720, %dma_wait3A_721] : memref<64x4096xf32, #tpu.memory_space<hbm>> -> memref<1x4096xf32, #tpu.memory_space<hbm>>
    %dma_wait3A_723 = arith.constant 0 : i32
    %dma_wait3A_724 = tpu.memref_slice %arg2[%get3A_719, %dma_wait3A_723] : memref<32000x4096xf32, #tpu.memory_space<hbm>> -> memref<1x4096xf32, #tpu.memory_space<hbm>>
    tpu.wait_dma2 semaphore(%arg5 : memref<!tpu.dma_semaphore, #tpu.memory_space<semaphore_mem>>) src(%dma_wait3A_724 : memref<1x4096xf32, #tpu.memory_space<hbm>>) dst(%dma_wait3A_722 : memref<1x4096xf32, #tpu.memory_space<hbm>>)
    %get3A_725 = arith.constant 27 : i32
    %get3A_726 = arith.index_cast %get3A_725 : i32 to index
    %get3A_727 = memref.load %arg4[%get3A_726] : memref<64xi32, #tpu.memory_space<smem>>
    %dma_wait3A_728 = arith.constant 27 : i32
    %dma_wait3A_729 = arith.constant 0 : i32
    %dma_wait3A_730 = tpu.memref_slice %arg3[%dma_wait3A_728, %dma_wait3A_729] : memref<64x4096xf32, #tpu.memory_space<hbm>> -> memref<1x4096xf32, #tpu.memory_space<hbm>>
    %dma_wait3A_731 = arith.constant 0 : i32
    %dma_wait3A_732 = tpu.memref_slice %arg2[%get3A_727, %dma_wait3A_731] : memref<32000x4096xf32, #tpu.memory_space<hbm>> -> memref<1x4096xf32, #tpu.memory_space<hbm>>
    tpu.wait_dma2 semaphore(%arg5 : memref<!tpu.dma_semaphore, #tpu.memory_space<semaphore_mem>>) src(%dma_wait3A_732 : memref<1x4096xf32, #tpu.memory_space<hbm>>) dst(%dma_wait3A_730 : memref<1x4096xf32, #tpu.memory_space<hbm>>)
    %get3A_733 = arith.constant 28 : i32
    %get3A_734 = arith.index_cast %get3A_733 : i32 to index
    %get3A_735 = memref.load %arg4[%get3A_734] : memref<64xi32, #tpu.memory_space<smem>>
    %dma_wait3A_736 = arith.constant 28 : i32
    %dma_wait3A_737 = arith.constant 0 : i32
    %dma_wait3A_738 = tpu.memref_slice %arg3[%dma_wait3A_736, %dma_wait3A_737] : memref<64x4096xf32, #tpu.memory_space<hbm>> -> memref<1x4096xf32, #tpu.memory_space<hbm>>
    %dma_wait3A_739 = arith.constant 0 : i32
    %dma_wait3A_740 = tpu.memref_slice %arg2[%get3A_735, %dma_wait3A_739] : memref<32000x4096xf32, #tpu.memory_space<hbm>> -> memref<1x4096xf32, #tpu.memory_space<hbm>>
    tpu.wait_dma2 semaphore(%arg5 : memref<!tpu.dma_semaphore, #tpu.memory_space<semaphore_mem>>) src(%dma_wait3A_740 : memref<1x4096xf32, #tpu.memory_space<hbm>>) dst(%dma_wait3A_738 : memref<1x4096xf32, #tpu.memory_space<hbm>>)
    %get3A_741 = arith.constant 29 : i32
    %get3A_742 = arith.index_cast %get3A_741 : i32 to index
    %get3A_743 = memref.load %arg4[%get3A_742] : memref<64xi32, #tpu.memory_space<smem>>
    %dma_wait3A_744 = arith.constant 29 : i32
    %dma_wait3A_745 = arith.constant 0 : i32
    %dma_wait3A_746 = tpu.memref_slice %arg3[%dma_wait3A_744, %dma_wait3A_745] : memref<64x4096xf32, #tpu.memory_space<hbm>> -> memref<1x4096xf32, #tpu.memory_space<hbm>>
    %dma_wait3A_747 = arith.constant 0 : i32
    %dma_wait3A_748 = tpu.memref_slice %arg2[%get3A_743, %dma_wait3A_747] : memref<32000x4096xf32, #tpu.memory_space<hbm>> -> memref<1x4096xf32, #tpu.memory_space<hbm>>
    tpu.wait_dma2 semaphore(%arg5 : memref<!tpu.dma_semaphore, #tpu.memory_space<semaphore_mem>>) src(%dma_wait3A_748 : memref<1x4096xf32, #tpu.memory_space<hbm>>) dst(%dma_wait3A_746 : memref<1x4096xf32, #tpu.memory_space<hbm>>)
    %get3A_749 = arith.constant 30 : i32
    %get3A_750 = arith.index_cast %get3A_749 : i32 to index
    %get3A_751 = memref.load %arg4[%get3A_750] : memref<64xi32, #tpu.memory_space<smem>>
    %dma_wait3A_752 = arith.constant 30 : i32
    %dma_wait3A_753 = arith.constant 0 : i32
    %dma_wait3A_754 = tpu.memref_slice %arg3[%dma_wait3A_752, %dma_wait3A_753] : memref<64x4096xf32, #tpu.memory_space<hbm>> -> memref<1x4096xf32, #tpu.memory_space<hbm>>
    %dma_wait3A_755 = arith.constant 0 : i32
    %dma_wait3A_756 = tpu.memref_slice %arg2[%get3A_751, %dma_wait3A_755] : memref<32000x4096xf32, #tpu.memory_space<hbm>> -> memref<1x4096xf32, #tpu.memory_space<hbm>>
    tpu.wait_dma2 semaphore(%arg5 : memref<!tpu.dma_semaphore, #tpu.memory_space<semaphore_mem>>) src(%dma_wait3A_756 : memref<1x4096xf32, #tpu.memory_space<hbm>>) dst(%dma_wait3A_754 : memref<1x4096xf32, #tpu.memory_space<hbm>>)
    %get3A_757 = arith.constant 31 : i32
    %get3A_758 = arith.index_cast %get3A_757 : i32 to index
    %get3A_759 = memref.load %arg4[%get3A_758] : memref<64xi32, #tpu.memory_space<smem>>
    %dma_wait3A_760 = arith.constant 31 : i32
    %dma_wait3A_761 = arith.constant 0 : i32
    %dma_wait3A_762 = tpu.memref_slice %arg3[%dma_wait3A_760, %dma_wait3A_761] : memref<64x4096xf32, #tpu.memory_space<hbm>> -> memref<1x4096xf32, #tpu.memory_space<hbm>>
    %dma_wait3A_763 = arith.constant 0 : i32
    %dma_wait3A_764 = tpu.memref_slice %arg2[%get3A_759, %dma_wait3A_763] : memref<32000x4096xf32, #tpu.memory_space<hbm>> -> memref<1x4096xf32, #tpu.memory_space<hbm>>
    tpu.wait_dma2 semaphore(%arg5 : memref<!tpu.dma_semaphore, #tpu.memory_space<semaphore_mem>>) src(%dma_wait3A_764 : memref<1x4096xf32, #tpu.memory_space<hbm>>) dst(%dma_wait3A_762 : memref<1x4096xf32, #tpu.memory_space<hbm>>)
    %get3A_765 = arith.constant 32 : i32
    %get3A_766 = arith.index_cast %get3A_765 : i32 to index
    %get3A_767 = memref.load %arg4[%get3A_766] : memref<64xi32, #tpu.memory_space<smem>>
    %dma_wait3A_768 = arith.constant 32 : i32
    %dma_wait3A_769 = arith.constant 0 : i32
    %dma_wait3A_770 = tpu.memref_slice %arg3[%dma_wait3A_768, %dma_wait3A_769] : memref<64x4096xf32, #tpu.memory_space<hbm>> -> memref<1x4096xf32, #tpu.memory_space<hbm>>
    %dma_wait3A_771 = arith.constant 0 : i32
    %dma_wait3A_772 = tpu.memref_slice %arg2[%get3A_767, %dma_wait3A_771] : memref<32000x4096xf32, #tpu.memory_space<hbm>> -> memref<1x4096xf32, #tpu.memory_space<hbm>>
    tpu.wait_dma2 semaphore(%arg5 : memref<!tpu.dma_semaphore, #tpu.memory_space<semaphore_mem>>) src(%dma_wait3A_772 : memref<1x4096xf32, #tpu.memory_space<hbm>>) dst(%dma_wait3A_770 : memref<1x4096xf32, #tpu.memory_space<hbm>>)
    %get3A_773 = arith.constant 33 : i32
    %get3A_774 = arith.index_cast %get3A_773 : i32 to index
    %get3A_775 = memref.load %arg4[%get3A_774] : memref<64xi32, #tpu.memory_space<smem>>
    %dma_wait3A_776 = arith.constant 33 : i32
    %dma_wait3A_777 = arith.constant 0 : i32
    %dma_wait3A_778 = tpu.memref_slice %arg3[%dma_wait3A_776, %dma_wait3A_777] : memref<64x4096xf32, #tpu.memory_space<hbm>> -> memref<1x4096xf32, #tpu.memory_space<hbm>>
    %dma_wait3A_779 = arith.constant 0 : i32
    %dma_wait3A_780 = tpu.memref_slice %arg2[%get3A_775, %dma_wait3A_779] : memref<32000x4096xf32, #tpu.memory_space<hbm>> -> memref<1x4096xf32, #tpu.memory_space<hbm>>
    tpu.wait_dma2 semaphore(%arg5 : memref<!tpu.dma_semaphore, #tpu.memory_space<semaphore_mem>>) src(%dma_wait3A_780 : memref<1x4096xf32, #tpu.memory_space<hbm>>) dst(%dma_wait3A_778 : memref<1x4096xf32, #tpu.memory_space<hbm>>)
    %get3A_781 = arith.constant 34 : i32
    %get3A_782 = arith.index_cast %get3A_781 : i32 to index
    %get3A_783 = memref.load %arg4[%get3A_782] : memref<64xi32, #tpu.memory_space<smem>>
    %dma_wait3A_784 = arith.constant 34 : i32
    %dma_wait3A_785 = arith.constant 0 : i32
    %dma_wait3A_786 = tpu.memref_slice %arg3[%dma_wait3A_784, %dma_wait3A_785] : memref<64x4096xf32, #tpu.memory_space<hbm>> -> memref<1x4096xf32, #tpu.memory_space<hbm>>
    %dma_wait3A_787 = arith.constant 0 : i32
    %dma_wait3A_788 = tpu.memref_slice %arg2[%get3A_783, %dma_wait3A_787] : memref<32000x4096xf32, #tpu.memory_space<hbm>> -> memref<1x4096xf32, #tpu.memory_space<hbm>>
    tpu.wait_dma2 semaphore(%arg5 : memref<!tpu.dma_semaphore, #tpu.memory_space<semaphore_mem>>) src(%dma_wait3A_788 : memref<1x4096xf32, #tpu.memory_space<hbm>>) dst(%dma_wait3A_786 : memref<1x4096xf32, #tpu.memory_space<hbm>>)
    %get3A_789 = arith.constant 35 : i32
    %get3A_790 = arith.index_cast %get3A_789 : i32 to index
    %get3A_791 = memref.load %arg4[%get3A_790] : memref<64xi32, #tpu.memory_space<smem>>
    %dma_wait3A_792 = arith.constant 35 : i32
    %dma_wait3A_793 = arith.constant 0 : i32
    %dma_wait3A_794 = tpu.memref_slice %arg3[%dma_wait3A_792, %dma_wait3A_793] : memref<64x4096xf32, #tpu.memory_space<hbm>> -> memref<1x4096xf32, #tpu.memory_space<hbm>>
    %dma_wait3A_795 = arith.constant 0 : i32
    %dma_wait3A_796 = tpu.memref_slice %arg2[%get3A_791, %dma_wait3A_795] : memref<32000x4096xf32, #tpu.memory_space<hbm>> -> memref<1x4096xf32, #tpu.memory_space<hbm>>
    tpu.wait_dma2 semaphore(%arg5 : memref<!tpu.dma_semaphore, #tpu.memory_space<semaphore_mem>>) src(%dma_wait3A_796 : memref<1x4096xf32, #tpu.memory_space<hbm>>) dst(%dma_wait3A_794 : memref<1x4096xf32, #tpu.memory_space<hbm>>)
    %get3A_797 = arith.constant 36 : i32
    %get3A_798 = arith.index_cast %get3A_797 : i32 to index
    %get3A_799 = memref.load %arg4[%get3A_798] : memref<64xi32, #tpu.memory_space<smem>>
    %dma_wait3A_800 = arith.constant 36 : i32
    %dma_wait3A_801 = arith.constant 0 : i32
    %dma_wait3A_802 = tpu.memref_slice %arg3[%dma_wait3A_800, %dma_wait3A_801] : memref<64x4096xf32, #tpu.memory_space<hbm>> -> memref<1x4096xf32, #tpu.memory_space<hbm>>
    %dma_wait3A_803 = arith.constant 0 : i32
    %dma_wait3A_804 = tpu.memref_slice %arg2[%get3A_799, %dma_wait3A_803] : memref<32000x4096xf32, #tpu.memory_space<hbm>> -> memref<1x4096xf32, #tpu.memory_space<hbm>>
    tpu.wait_dma2 semaphore(%arg5 : memref<!tpu.dma_semaphore, #tpu.memory_space<semaphore_mem>>) src(%dma_wait3A_804 : memref<1x4096xf32, #tpu.memory_space<hbm>>) dst(%dma_wait3A_802 : memref<1x4096xf32, #tpu.memory_space<hbm>>)
    %get3A_805 = arith.constant 37 : i32
    %get3A_806 = arith.index_cast %get3A_805 : i32 to index
    %get3A_807 = memref.load %arg4[%get3A_806] : memref<64xi32, #tpu.memory_space<smem>>
    %dma_wait3A_808 = arith.constant 37 : i32
    %dma_wait3A_809 = arith.constant 0 : i32
    %dma_wait3A_810 = tpu.memref_slice %arg3[%dma_wait3A_808, %dma_wait3A_809] : memref<64x4096xf32, #tpu.memory_space<hbm>> -> memref<1x4096xf32, #tpu.memory_space<hbm>>
    %dma_wait3A_811 = arith.constant 0 : i32
    %dma_wait3A_812 = tpu.memref_slice %arg2[%get3A_807, %dma_wait3A_811] : memref<32000x4096xf32, #tpu.memory_space<hbm>> -> memref<1x4096xf32, #tpu.memory_space<hbm>>
    tpu.wait_dma2 semaphore(%arg5 : memref<!tpu.dma_semaphore, #tpu.memory_space<semaphore_mem>>) src(%dma_wait3A_812 : memref<1x4096xf32, #tpu.memory_space<hbm>>) dst(%dma_wait3A_810 : memref<1x4096xf32, #tpu.memory_space<hbm>>)
    %get3A_813 = arith.constant 38 : i32
    %get3A_814 = arith.index_cast %get3A_813 : i32 to index
    %get3A_815 = memref.load %arg4[%get3A_814] : memref<64xi32, #tpu.memory_space<smem>>
    %dma_wait3A_816 = arith.constant 38 : i32
    %dma_wait3A_817 = arith.constant 0 : i32
    %dma_wait3A_818 = tpu.memref_slice %arg3[%dma_wait3A_816, %dma_wait3A_817] : memref<64x4096xf32, #tpu.memory_space<hbm>> -> memref<1x4096xf32, #tpu.memory_space<hbm>>
    %dma_wait3A_819 = arith.constant 0 : i32
    %dma_wait3A_820 = tpu.memref_slice %arg2[%get3A_815, %dma_wait3A_819] : memref<32000x4096xf32, #tpu.memory_space<hbm>> -> memref<1x4096xf32, #tpu.memory_space<hbm>>
    tpu.wait_dma2 semaphore(%arg5 : memref<!tpu.dma_semaphore, #tpu.memory_space<semaphore_mem>>) src(%dma_wait3A_820 : memref<1x4096xf32, #tpu.memory_space<hbm>>) dst(%dma_wait3A_818 : memref<1x4096xf32, #tpu.memory_space<hbm>>)
    %get3A_821 = arith.constant 39 : i32
    %get3A_822 = arith.index_cast %get3A_821 : i32 to index
    %get3A_823 = memref.load %arg4[%get3A_822] : memref<64xi32, #tpu.memory_space<smem>>
    %dma_wait3A_824 = arith.constant 39 : i32
    %dma_wait3A_825 = arith.constant 0 : i32
    %dma_wait3A_826 = tpu.memref_slice %arg3[%dma_wait3A_824, %dma_wait3A_825] : memref<64x4096xf32, #tpu.memory_space<hbm>> -> memref<1x4096xf32, #tpu.memory_space<hbm>>
    %dma_wait3A_827 = arith.constant 0 : i32
    %dma_wait3A_828 = tpu.memref_slice %arg2[%get3A_823, %dma_wait3A_827] : memref<32000x4096xf32, #tpu.memory_space<hbm>> -> memref<1x4096xf32, #tpu.memory_space<hbm>>
    tpu.wait_dma2 semaphore(%arg5 : memref<!tpu.dma_semaphore, #tpu.memory_space<semaphore_mem>>) src(%dma_wait3A_828 : memref<1x4096xf32, #tpu.memory_space<hbm>>) dst(%dma_wait3A_826 : memref<1x4096xf32, #tpu.memory_space<hbm>>)
    %get3A_829 = arith.constant 40 : i32
    %get3A_830 = arith.index_cast %get3A_829 : i32 to index
    %get3A_831 = memref.load %arg4[%get3A_830] : memref<64xi32, #tpu.memory_space<smem>>
    %dma_wait3A_832 = arith.constant 40 : i32
    %dma_wait3A_833 = arith.constant 0 : i32
    %dma_wait3A_834 = tpu.memref_slice %arg3[%dma_wait3A_832, %dma_wait3A_833] : memref<64x4096xf32, #tpu.memory_space<hbm>> -> memref<1x4096xf32, #tpu.memory_space<hbm>>
    %dma_wait3A_835 = arith.constant 0 : i32
    %dma_wait3A_836 = tpu.memref_slice %arg2[%get3A_831, %dma_wait3A_835] : memref<32000x4096xf32, #tpu.memory_space<hbm>> -> memref<1x4096xf32, #tpu.memory_space<hbm>>
    tpu.wait_dma2 semaphore(%arg5 : memref<!tpu.dma_semaphore, #tpu.memory_space<semaphore_mem>>) src(%dma_wait3A_836 : memref<1x4096xf32, #tpu.memory_space<hbm>>) dst(%dma_wait3A_834 : memref<1x4096xf32, #tpu.memory_space<hbm>>)
    %get3A_837 = arith.constant 41 : i32
    %get3A_838 = arith.index_cast %get3A_837 : i32 to index
    %get3A_839 = memref.load %arg4[%get3A_838] : memref<64xi32, #tpu.memory_space<smem>>
    %dma_wait3A_840 = arith.constant 41 : i32
    %dma_wait3A_841 = arith.constant 0 : i32
    %dma_wait3A_842 = tpu.memref_slice %arg3[%dma_wait3A_840, %dma_wait3A_841] : memref<64x4096xf32, #tpu.memory_space<hbm>> -> memref<1x4096xf32, #tpu.memory_space<hbm>>
    %dma_wait3A_843 = arith.constant 0 : i32
    %dma_wait3A_844 = tpu.memref_slice %arg2[%get3A_839, %dma_wait3A_843] : memref<32000x4096xf32, #tpu.memory_space<hbm>> -> memref<1x4096xf32, #tpu.memory_space<hbm>>
    tpu.wait_dma2 semaphore(%arg5 : memref<!tpu.dma_semaphore, #tpu.memory_space<semaphore_mem>>) src(%dma_wait3A_844 : memref<1x4096xf32, #tpu.memory_space<hbm>>) dst(%dma_wait3A_842 : memref<1x4096xf32, #tpu.memory_space<hbm>>)
    %get3A_845 = arith.constant 42 : i32
    %get3A_846 = arith.index_cast %get3A_845 : i32 to index
    %get3A_847 = memref.load %arg4[%get3A_846] : memref<64xi32, #tpu.memory_space<smem>>
    %dma_wait3A_848 = arith.constant 42 : i32
    %dma_wait3A_849 = arith.constant 0 : i32
    %dma_wait3A_850 = tpu.memref_slice %arg3[%dma_wait3A_848, %dma_wait3A_849] : memref<64x4096xf32, #tpu.memory_space<hbm>> -> memref<1x4096xf32, #tpu.memory_space<hbm>>
    %dma_wait3A_851 = arith.constant 0 : i32
    %dma_wait3A_852 = tpu.memref_slice %arg2[%get3A_847, %dma_wait3A_851] : memref<32000x4096xf32, #tpu.memory_space<hbm>> -> memref<1x4096xf32, #tpu.memory_space<hbm>>
    tpu.wait_dma2 semaphore(%arg5 : memref<!tpu.dma_semaphore, #tpu.memory_space<semaphore_mem>>) src(%dma_wait3A_852 : memref<1x4096xf32, #tpu.memory_space<hbm>>) dst(%dma_wait3A_850 : memref<1x4096xf32, #tpu.memory_space<hbm>>)
    %get3A_853 = arith.constant 43 : i32
    %get3A_854 = arith.index_cast %get3A_853 : i32 to index
    %get3A_855 = memref.load %arg4[%get3A_854] : memref<64xi32, #tpu.memory_space<smem>>
    %dma_wait3A_856 = arith.constant 43 : i32
    %dma_wait3A_857 = arith.constant 0 : i32
    %dma_wait3A_858 = tpu.memref_slice %arg3[%dma_wait3A_856, %dma_wait3A_857] : memref<64x4096xf32, #tpu.memory_space<hbm>> -> memref<1x4096xf32, #tpu.memory_space<hbm>>
    %dma_wait3A_859 = arith.constant 0 : i32
    %dma_wait3A_860 = tpu.memref_slice %arg2[%get3A_855, %dma_wait3A_859] : memref<32000x4096xf32, #tpu.memory_space<hbm>> -> memref<1x4096xf32, #tpu.memory_space<hbm>>
    tpu.wait_dma2 semaphore(%arg5 : memref<!tpu.dma_semaphore, #tpu.memory_space<semaphore_mem>>) src(%dma_wait3A_860 : memref<1x4096xf32, #tpu.memory_space<hbm>>) dst(%dma_wait3A_858 : memref<1x4096xf32, #tpu.memory_space<hbm>>)
    %get3A_861 = arith.constant 44 : i32
    %get3A_862 = arith.index_cast %get3A_861 : i32 to index
    %get3A_863 = memref.load %arg4[%get3A_862] : memref<64xi32, #tpu.memory_space<smem>>
    %dma_wait3A_864 = arith.constant 44 : i32
    %dma_wait3A_865 = arith.constant 0 : i32
    %dma_wait3A_866 = tpu.memref_slice %arg3[%dma_wait3A_864, %dma_wait3A_865] : memref<64x4096xf32, #tpu.memory_space<hbm>> -> memref<1x4096xf32, #tpu.memory_space<hbm>>
    %dma_wait3A_867 = arith.constant 0 : i32
    %dma_wait3A_868 = tpu.memref_slice %arg2[%get3A_863, %dma_wait3A_867] : memref<32000x4096xf32, #tpu.memory_space<hbm>> -> memref<1x4096xf32, #tpu.memory_space<hbm>>
    tpu.wait_dma2 semaphore(%arg5 : memref<!tpu.dma_semaphore, #tpu.memory_space<semaphore_mem>>) src(%dma_wait3A_868 : memref<1x4096xf32, #tpu.memory_space<hbm>>) dst(%dma_wait3A_866 : memref<1x4096xf32, #tpu.memory_space<hbm>>)
    %get3A_869 = arith.constant 45 : i32
    %get3A_870 = arith.index_cast %get3A_869 : i32 to index
    %get3A_871 = memref.load %arg4[%get3A_870] : memref<64xi32, #tpu.memory_space<smem>>
    %dma_wait3A_872 = arith.constant 45 : i32
    %dma_wait3A_873 = arith.constant 0 : i32
    %dma_wait3A_874 = tpu.memref_slice %arg3[%dma_wait3A_872, %dma_wait3A_873] : memref<64x4096xf32, #tpu.memory_space<hbm>> -> memref<1x4096xf32, #tpu.memory_space<hbm>>
    %dma_wait3A_875 = arith.constant 0 : i32
    %dma_wait3A_876 = tpu.memref_slice %arg2[%get3A_871, %dma_wait3A_875] : memref<32000x4096xf32, #tpu.memory_space<hbm>> -> memref<1x4096xf32, #tpu.memory_space<hbm>>
    tpu.wait_dma2 semaphore(%arg5 : memref<!tpu.dma_semaphore, #tpu.memory_space<semaphore_mem>>) src(%dma_wait3A_876 : memref<1x4096xf32, #tpu.memory_space<hbm>>) dst(%dma_wait3A_874 : memref<1x4096xf32, #tpu.memory_space<hbm>>)
    %get3A_877 = arith.constant 46 : i32
    %get3A_878 = arith.index_cast %get3A_877 : i32 to index
    %get3A_879 = memref.load %arg4[%get3A_878] : memref<64xi32, #tpu.memory_space<smem>>
    %dma_wait3A_880 = arith.constant 46 : i32
    %dma_wait3A_881 = arith.constant 0 : i32
    %dma_wait3A_882 = tpu.memref_slice %arg3[%dma_wait3A_880, %dma_wait3A_881] : memref<64x4096xf32, #tpu.memory_space<hbm>> -> memref<1x4096xf32, #tpu.memory_space<hbm>>
    %dma_wait3A_883 = arith.constant 0 : i32
    %dma_wait3A_884 = tpu.memref_slice %arg2[%get3A_879, %dma_wait3A_883] : memref<32000x4096xf32, #tpu.memory_space<hbm>> -> memref<1x4096xf32, #tpu.memory_space<hbm>>
    tpu.wait_dma2 semaphore(%arg5 : memref<!tpu.dma_semaphore, #tpu.memory_space<semaphore_mem>>) src(%dma_wait3A_884 : memref<1x4096xf32, #tpu.memory_space<hbm>>) dst(%dma_wait3A_882 : memref<1x4096xf32, #tpu.memory_space<hbm>>)
    %get3A_885 = arith.constant 47 : i32
    %get3A_886 = arith.index_cast %get3A_885 : i32 to index
    %get3A_887 = memref.load %arg4[%get3A_886] : memref<64xi32, #tpu.memory_space<smem>>
    %dma_wait3A_888 = arith.constant 47 : i32
    %dma_wait3A_889 = arith.constant 0 : i32
    %dma_wait3A_890 = tpu.memref_slice %arg3[%dma_wait3A_888, %dma_wait3A_889] : memref<64x4096xf32, #tpu.memory_space<hbm>> -> memref<1x4096xf32, #tpu.memory_space<hbm>>
    %dma_wait3A_891 = arith.constant 0 : i32
    %dma_wait3A_892 = tpu.memref_slice %arg2[%get3A_887, %dma_wait3A_891] : memref<32000x4096xf32, #tpu.memory_space<hbm>> -> memref<1x4096xf32, #tpu.memory_space<hbm>>
    tpu.wait_dma2 semaphore(%arg5 : memref<!tpu.dma_semaphore, #tpu.memory_space<semaphore_mem>>) src(%dma_wait3A_892 : memref<1x4096xf32, #tpu.memory_space<hbm>>) dst(%dma_wait3A_890 : memref<1x4096xf32, #tpu.memory_space<hbm>>)
    %get3A_893 = arith.constant 48 : i32
    %get3A_894 = arith.index_cast %get3A_893 : i32 to index
    %get3A_895 = memref.load %arg4[%get3A_894] : memref<64xi32, #tpu.memory_space<smem>>
    %dma_wait3A_896 = arith.constant 48 : i32
    %dma_wait3A_897 = arith.constant 0 : i32
    %dma_wait3A_898 = tpu.memref_slice %arg3[%dma_wait3A_896, %dma_wait3A_897] : memref<64x4096xf32, #tpu.memory_space<hbm>> -> memref<1x4096xf32, #tpu.memory_space<hbm>>
    %dma_wait3A_899 = arith.constant 0 : i32
    %dma_wait3A_900 = tpu.memref_slice %arg2[%get3A_895, %dma_wait3A_899] : memref<32000x4096xf32, #tpu.memory_space<hbm>> -> memref<1x4096xf32, #tpu.memory_space<hbm>>
    tpu.wait_dma2 semaphore(%arg5 : memref<!tpu.dma_semaphore, #tpu.memory_space<semaphore_mem>>) src(%dma_wait3A_900 : memref<1x4096xf32, #tpu.memory_space<hbm>>) dst(%dma_wait3A_898 : memref<1x4096xf32, #tpu.memory_space<hbm>>)
    %get3A_901 = arith.constant 49 : i32
    %get3A_902 = arith.index_cast %get3A_901 : i32 to index
    %get3A_903 = memref.load %arg4[%get3A_902] : memref<64xi32, #tpu.memory_space<smem>>
    %dma_wait3A_904 = arith.constant 49 : i32
    %dma_wait3A_905 = arith.constant 0 : i32
    %dma_wait3A_906 = tpu.memref_slice %arg3[%dma_wait3A_904, %dma_wait3A_905] : memref<64x4096xf32, #tpu.memory_space<hbm>> -> memref<1x4096xf32, #tpu.memory_space<hbm>>
    %dma_wait3A_907 = arith.constant 0 : i32
    %dma_wait3A_908 = tpu.memref_slice %arg2[%get3A_903, %dma_wait3A_907] : memref<32000x4096xf32, #tpu.memory_space<hbm>> -> memref<1x4096xf32, #tpu.memory_space<hbm>>
    tpu.wait_dma2 semaphore(%arg5 : memref<!tpu.dma_semaphore, #tpu.memory_space<semaphore_mem>>) src(%dma_wait3A_908 : memref<1x4096xf32, #tpu.memory_space<hbm>>) dst(%dma_wait3A_906 : memref<1x4096xf32, #tpu.memory_space<hbm>>)
    %get3A_909 = arith.constant 50 : i32
    %get3A_910 = arith.index_cast %get3A_909 : i32 to index
    %get3A_911 = memref.load %arg4[%get3A_910] : memref<64xi32, #tpu.memory_space<smem>>
    %dma_wait3A_912 = arith.constant 50 : i32
    %dma_wait3A_913 = arith.constant 0 : i32
    %dma_wait3A_914 = tpu.memref_slice %arg3[%dma_wait3A_912, %dma_wait3A_913] : memref<64x4096xf32, #tpu.memory_space<hbm>> -> memref<1x4096xf32, #tpu.memory_space<hbm>>
    %dma_wait3A_915 = arith.constant 0 : i32
    %dma_wait3A_916 = tpu.memref_slice %arg2[%get3A_911, %dma_wait3A_915] : memref<32000x4096xf32, #tpu.memory_space<hbm>> -> memref<1x4096xf32, #tpu.memory_space<hbm>>
    tpu.wait_dma2 semaphore(%arg5 : memref<!tpu.dma_semaphore, #tpu.memory_space<semaphore_mem>>) src(%dma_wait3A_916 : memref<1x4096xf32, #tpu.memory_space<hbm>>) dst(%dma_wait3A_914 : memref<1x4096xf32, #tpu.memory_space<hbm>>)
    %get3A_917 = arith.constant 51 : i32
    %get3A_918 = arith.index_cast %get3A_917 : i32 to index
    %get3A_919 = memref.load %arg4[%get3A_918] : memref<64xi32, #tpu.memory_space<smem>>
    %dma_wait3A_920 = arith.constant 51 : i32
    %dma_wait3A_921 = arith.constant 0 : i32
    %dma_wait3A_922 = tpu.memref_slice %arg3[%dma_wait3A_920, %dma_wait3A_921] : memref<64x4096xf32, #tpu.memory_space<hbm>> -> memref<1x4096xf32, #tpu.memory_space<hbm>>
    %dma_wait3A_923 = arith.constant 0 : i32
    %dma_wait3A_924 = tpu.memref_slice %arg2[%get3A_919, %dma_wait3A_923] : memref<32000x4096xf32, #tpu.memory_space<hbm>> -> memref<1x4096xf32, #tpu.memory_space<hbm>>
    tpu.wait_dma2 semaphore(%arg5 : memref<!tpu.dma_semaphore, #tpu.memory_space<semaphore_mem>>) src(%dma_wait3A_924 : memref<1x4096xf32, #tpu.memory_space<hbm>>) dst(%dma_wait3A_922 : memref<1x4096xf32, #tpu.memory_space<hbm>>)
    %get3A_925 = arith.constant 52 : i32
    %get3A_926 = arith.index_cast %get3A_925 : i32 to index
    %get3A_927 = memref.load %arg4[%get3A_926] : memref<64xi32, #tpu.memory_space<smem>>
    %dma_wait3A_928 = arith.constant 52 : i32
    %dma_wait3A_929 = arith.constant 0 : i32
    %dma_wait3A_930 = tpu.memref_slice %arg3[%dma_wait3A_928, %dma_wait3A_929] : memref<64x4096xf32, #tpu.memory_space<hbm>> -> memref<1x4096xf32, #tpu.memory_space<hbm>>
    %dma_wait3A_931 = arith.constant 0 : i32
    %dma_wait3A_932 = tpu.memref_slice %arg2[%get3A_927, %dma_wait3A_931] : memref<32000x4096xf32, #tpu.memory_space<hbm>> -> memref<1x4096xf32, #tpu.memory_space<hbm>>
    tpu.wait_dma2 semaphore(%arg5 : memref<!tpu.dma_semaphore, #tpu.memory_space<semaphore_mem>>) src(%dma_wait3A_932 : memref<1x4096xf32, #tpu.memory_space<hbm>>) dst(%dma_wait3A_930 : memref<1x4096xf32, #tpu.memory_space<hbm>>)
    %get3A_933 = arith.constant 53 : i32
    %get3A_934 = arith.index_cast %get3A_933 : i32 to index
    %get3A_935 = memref.load %arg4[%get3A_934] : memref<64xi32, #tpu.memory_space<smem>>
    %dma_wait3A_936 = arith.constant 53 : i32
    %dma_wait3A_937 = arith.constant 0 : i32
    %dma_wait3A_938 = tpu.memref_slice %arg3[%dma_wait3A_936, %dma_wait3A_937] : memref<64x4096xf32, #tpu.memory_space<hbm>> -> memref<1x4096xf32, #tpu.memory_space<hbm>>
    %dma_wait3A_939 = arith.constant 0 : i32
    %dma_wait3A_940 = tpu.memref_slice %arg2[%get3A_935, %dma_wait3A_939] : memref<32000x4096xf32, #tpu.memory_space<hbm>> -> memref<1x4096xf32, #tpu.memory_space<hbm>>
    tpu.wait_dma2 semaphore(%arg5 : memref<!tpu.dma_semaphore, #tpu.memory_space<semaphore_mem>>) src(%dma_wait3A_940 : memref<1x4096xf32, #tpu.memory_space<hbm>>) dst(%dma_wait3A_938 : memref<1x4096xf32, #tpu.memory_space<hbm>>)
    %get3A_941 = arith.constant 54 : i32
    %get3A_942 = arith.index_cast %get3A_941 : i32 to index
    %get3A_943 = memref.load %arg4[%get3A_942] : memref<64xi32, #tpu.memory_space<smem>>
    %dma_wait3A_944 = arith.constant 54 : i32
    %dma_wait3A_945 = arith.constant 0 : i32
    %dma_wait3A_946 = tpu.memref_slice %arg3[%dma_wait3A_944, %dma_wait3A_945] : memref<64x4096xf32, #tpu.memory_space<hbm>> -> memref<1x4096xf32, #tpu.memory_space<hbm>>
    %dma_wait3A_947 = arith.constant 0 : i32
    %dma_wait3A_948 = tpu.memref_slice %arg2[%get3A_943, %dma_wait3A_947] : memref<32000x4096xf32, #tpu.memory_space<hbm>> -> memref<1x4096xf32, #tpu.memory_space<hbm>>
    tpu.wait_dma2 semaphore(%arg5 : memref<!tpu.dma_semaphore, #tpu.memory_space<semaphore_mem>>) src(%dma_wait3A_948 : memref<1x4096xf32, #tpu.memory_space<hbm>>) dst(%dma_wait3A_946 : memref<1x4096xf32, #tpu.memory_space<hbm>>)
    %get3A_949 = arith.constant 55 : i32
    %get3A_950 = arith.index_cast %get3A_949 : i32 to index
    %get3A_951 = memref.load %arg4[%get3A_950] : memref<64xi32, #tpu.memory_space<smem>>
    %dma_wait3A_952 = arith.constant 55 : i32
    %dma_wait3A_953 = arith.constant 0 : i32
    %dma_wait3A_954 = tpu.memref_slice %arg3[%dma_wait3A_952, %dma_wait3A_953] : memref<64x4096xf32, #tpu.memory_space<hbm>> -> memref<1x4096xf32, #tpu.memory_space<hbm>>
    %dma_wait3A_955 = arith.constant 0 : i32
    %dma_wait3A_956 = tpu.memref_slice %arg2[%get3A_951, %dma_wait3A_955] : memref<32000x4096xf32, #tpu.memory_space<hbm>> -> memref<1x4096xf32, #tpu.memory_space<hbm>>
    tpu.wait_dma2 semaphore(%arg5 : memref<!tpu.dma_semaphore, #tpu.memory_space<semaphore_mem>>) src(%dma_wait3A_956 : memref<1x4096xf32, #tpu.memory_space<hbm>>) dst(%dma_wait3A_954 : memref<1x4096xf32, #tpu.memory_space<hbm>>)
    %get3A_957 = arith.constant 56 : i32
    %get3A_958 = arith.index_cast %get3A_957 : i32 to index
    %get3A_959 = memref.load %arg4[%get3A_958] : memref<64xi32, #tpu.memory_space<smem>>
    %dma_wait3A_960 = arith.constant 56 : i32
    %dma_wait3A_961 = arith.constant 0 : i32
    %dma_wait3A_962 = tpu.memref_slice %arg3[%dma_wait3A_960, %dma_wait3A_961] : memref<64x4096xf32, #tpu.memory_space<hbm>> -> memref<1x4096xf32, #tpu.memory_space<hbm>>
    %dma_wait3A_963 = arith.constant 0 : i32
    %dma_wait3A_964 = tpu.memref_slice %arg2[%get3A_959, %dma_wait3A_963] : memref<32000x4096xf32, #tpu.memory_space<hbm>> -> memref<1x4096xf32, #tpu.memory_space<hbm>>
    tpu.wait_dma2 semaphore(%arg5 : memref<!tpu.dma_semaphore, #tpu.memory_space<semaphore_mem>>) src(%dma_wait3A_964 : memref<1x4096xf32, #tpu.memory_space<hbm>>) dst(%dma_wait3A_962 : memref<1x4096xf32, #tpu.memory_space<hbm>>)
    %get3A_965 = arith.constant 57 : i32
    %get3A_966 = arith.index_cast %get3A_965 : i32 to index
    %get3A_967 = memref.load %arg4[%get3A_966] : memref<64xi32, #tpu.memory_space<smem>>
    %dma_wait3A_968 = arith.constant 57 : i32
    %dma_wait3A_969 = arith.constant 0 : i32
    %dma_wait3A_970 = tpu.memref_slice %arg3[%dma_wait3A_968, %dma_wait3A_969] : memref<64x4096xf32, #tpu.memory_space<hbm>> -> memref<1x4096xf32, #tpu.memory_space<hbm>>
    %dma_wait3A_971 = arith.constant 0 : i32
    %dma_wait3A_972 = tpu.memref_slice %arg2[%get3A_967, %dma_wait3A_971] : memref<32000x4096xf32, #tpu.memory_space<hbm>> -> memref<1x4096xf32, #tpu.memory_space<hbm>>
    tpu.wait_dma2 semaphore(%arg5 : memref<!tpu.dma_semaphore, #tpu.memory_space<semaphore_mem>>) src(%dma_wait3A_972 : memref<1x4096xf32, #tpu.memory_space<hbm>>) dst(%dma_wait3A_970 : memref<1x4096xf32, #tpu.memory_space<hbm>>)
    %get3A_973 = arith.constant 58 : i32
    %get3A_974 = arith.index_cast %get3A_973 : i32 to index
    %get3A_975 = memref.load %arg4[%get3A_974] : memref<64xi32, #tpu.memory_space<smem>>
    %dma_wait3A_976 = arith.constant 58 : i32
    %dma_wait3A_977 = arith.constant 0 : i32
    %dma_wait3A_978 = tpu.memref_slice %arg3[%dma_wait3A_976, %dma_wait3A_977] : memref<64x4096xf32, #tpu.memory_space<hbm>> -> memref<1x4096xf32, #tpu.memory_space<hbm>>
    %dma_wait3A_979 = arith.constant 0 : i32
    %dma_wait3A_980 = tpu.memref_slice %arg2[%get3A_975, %dma_wait3A_979] : memref<32000x4096xf32, #tpu.memory_space<hbm>> -> memref<1x4096xf32, #tpu.memory_space<hbm>>
    tpu.wait_dma2 semaphore(%arg5 : memref<!tpu.dma_semaphore, #tpu.memory_space<semaphore_mem>>) src(%dma_wait3A_980 : memref<1x4096xf32, #tpu.memory_space<hbm>>) dst(%dma_wait3A_978 : memref<1x4096xf32, #tpu.memory_space<hbm>>)
    %get3A_981 = arith.constant 59 : i32
    %get3A_982 = arith.index_cast %get3A_981 : i32 to index
    %get3A_983 = memref.load %arg4[%get3A_982] : memref<64xi32, #tpu.memory_space<smem>>
    %dma_wait3A_984 = arith.constant 59 : i32
    %dma_wait3A_985 = arith.constant 0 : i32
    %dma_wait3A_986 = tpu.memref_slice %arg3[%dma_wait3A_984, %dma_wait3A_985] : memref<64x4096xf32, #tpu.memory_space<hbm>> -> memref<1x4096xf32, #tpu.memory_space<hbm>>
    %dma_wait3A_987 = arith.constant 0 : i32
    %dma_wait3A_988 = tpu.memref_slice %arg2[%get3A_983, %dma_wait3A_987] : memref<32000x4096xf32, #tpu.memory_space<hbm>> -> memref<1x4096xf32, #tpu.memory_space<hbm>>
    tpu.wait_dma2 semaphore(%arg5 : memref<!tpu.dma_semaphore, #tpu.memory_space<semaphore_mem>>) src(%dma_wait3A_988 : memref<1x4096xf32, #tpu.memory_space<hbm>>) dst(%dma_wait3A_986 : memref<1x4096xf32, #tpu.memory_space<hbm>>)
    %get3A_989 = arith.constant 60 : i32
    %get3A_990 = arith.index_cast %get3A_989 : i32 to index
    %get3A_991 = memref.load %arg4[%get3A_990] : memref<64xi32, #tpu.memory_space<smem>>
    %dma_wait3A_992 = arith.constant 60 : i32
    %dma_wait3A_993 = arith.constant 0 : i32
    %dma_wait3A_994 = tpu.memref_slice %arg3[%dma_wait3A_992, %dma_wait3A_993] : memref<64x4096xf32, #tpu.memory_space<hbm>> -> memref<1x4096xf32, #tpu.memory_space<hbm>>
    %dma_wait3A_995 = arith.constant 0 : i32
    %dma_wait3A_996 = tpu.memref_slice %arg2[%get3A_991, %dma_wait3A_995] : memref<32000x4096xf32, #tpu.memory_space<hbm>> -> memref<1x4096xf32, #tpu.memory_space<hbm>>
    tpu.wait_dma2 semaphore(%arg5 : memref<!tpu.dma_semaphore, #tpu.memory_space<semaphore_mem>>) src(%dma_wait3A_996 : memref<1x4096xf32, #tpu.memory_space<hbm>>) dst(%dma_wait3A_994 : memref<1x4096xf32, #tpu.memory_space<hbm>>)
    %get3A_997 = arith.constant 61 : i32
    %get3A_998 = arith.index_cast %get3A_997 : i32 to index
    %get3A_999 = memref.load %arg4[%get3A_998] : memref<64xi32, #tpu.memory_space<smem>>
    %dma_wait3A_1000 = arith.constant 61 : i32
    %dma_wait3A_1001 = arith.constant 0 : i32
    %dma_wait3A_1002 = tpu.memref_slice %arg3[%dma_wait3A_1000, %dma_wait3A_1001] : memref<64x4096xf32, #tpu.memory_space<hbm>> -> memref<1x4096xf32, #tpu.memory_space<hbm>>
    %dma_wait3A_1003 = arith.constant 0 : i32
    %dma_wait3A_1004 = tpu.memref_slice %arg2[%get3A_999, %dma_wait3A_1003] : memref<32000x4096xf32, #tpu.memory_space<hbm>> -> memref<1x4096xf32, #tpu.memory_space<hbm>>
    tpu.wait_dma2 semaphore(%arg5 : memref<!tpu.dma_semaphore, #tpu.memory_space<semaphore_mem>>) src(%dma_wait3A_1004 : memref<1x4096xf32, #tpu.memory_space<hbm>>) dst(%dma_wait3A_1002 : memref<1x4096xf32, #tpu.memory_space<hbm>>)
    %get3A_1005 = arith.constant 62 : i32
    %get3A_1006 = arith.index_cast %get3A_1005 : i32 to index
    %get3A_1007 = memref.load %arg4[%get3A_1006] : memref<64xi32, #tpu.memory_space<smem>>
    %dma_wait3A_1008 = arith.constant 62 : i32
    %dma_wait3A_1009 = arith.constant 0 : i32
    %dma_wait3A_1010 = tpu.memref_slice %arg3[%dma_wait3A_1008, %dma_wait3A_1009] : memref<64x4096xf32, #tpu.memory_space<hbm>> -> memref<1x4096xf32, #tpu.memory_space<hbm>>
    %dma_wait3A_1011 = arith.constant 0 : i32
    %dma_wait3A_1012 = tpu.memref_slice %arg2[%get3A_1007, %dma_wait3A_1011] : memref<32000x4096xf32, #tpu.memory_space<hbm>> -> memref<1x4096xf32, #tpu.memory_space<hbm>>
    tpu.wait_dma2 semaphore(%arg5 : memref<!tpu.dma_semaphore, #tpu.memory_space<semaphore_mem>>) src(%dma_wait3A_1012 : memref<1x4096xf32, #tpu.memory_space<hbm>>) dst(%dma_wait3A_1010 : memref<1x4096xf32, #tpu.memory_space<hbm>>)
    %get3A_1013 = arith.constant 63 : i32
    %get3A_1014 = arith.index_cast %get3A_1013 : i32 to index
    %get3A_1015 = memref.load %arg4[%get3A_1014] : memref<64xi32, #tpu.memory_space<smem>>
    %dma_wait3A_1016 = arith.constant 63 : i32
    %dma_wait3A_1017 = arith.constant 0 : i32
    %dma_wait3A_1018 = tpu.memref_slice %arg3[%dma_wait3A_1016, %dma_wait3A_1017] : memref<64x4096xf32, #tpu.memory_space<hbm>> -> memref<1x4096xf32, #tpu.memory_space<hbm>>
    %dma_wait3A_1019 = arith.constant 0 : i32
    %dma_wait3A_1020 = tpu.memref_slice %arg2[%get3A_1015, %dma_wait3A_1019] : memref<32000x4096xf32, #tpu.memory_space<hbm>> -> memref<1x4096xf32, #tpu.memory_space<hbm>>
    tpu.wait_dma2 semaphore(%arg5 : memref<!tpu.dma_semaphore, #tpu.memory_space<semaphore_mem>>) src(%dma_wait3A_1020 : memref<1x4096xf32, #tpu.memory_space<hbm>>) dst(%dma_wait3A_1018 : memref<1x4096xf32, #tpu.memory_space<hbm>>)
    return
  }
}

module attributes {stable_mosaic.version = 14 : i64} {
  func.func @_proj_body(%arg0: i32, %arg1: memref<64xi32, #tpu.memory_space<smem>>, %arg2: memref<32000x4096xf32, #tpu.memory_space<hbm>>, %arg3: memref<640x4096xf32, #tpu.memory_space<vmem>>, %arg4: memref<1x640xf32, #tpu.memory_space<vmem>>, %arg5: memref<64x1x640xf32, #tpu.memory_space<vmem>>, %arg6: memref<64x4096xf32, #tpu.memory_space<vmem>>, %arg7: memref<!tpu.dma_semaphore, #tpu.memory_space<semaphore_mem>>) attributes {dimension_semantics = [#tpu.dimension_semantics<arbitrary>], iteration_bounds = array<i64: 50>, scalar_prefetch = 0 : i64, scratch_operands = 2 : i64, tpu.core_type = #tpu.core_type<tc>, window_params = [{transform_indices = @transform_0, window_bounds = array<i64: 64>}, {}, {transform_indices = @transform_2, window_bounds = array<i64: 640, 4096>}, {transform_indices = @transform_3, window_bounds = array<i64: 1, 640>}, {transform_indices = @transform_4, window_bounds = array<i64: 64, 1, 640>}]} {
    %eq3A = arith.constant 0 : i32
    %eq3A_0 = arith.cmpi eq, %arg0, %eq3A : i32
    %convert_element_type3A = arith.extui %eq3A_0 : i1 to i32
    %cond3A = arith.constant 0 : i32
    %cond3A_1 = arith.cmpi ne, %convert_element_type3A, %cond3A : i32
    scf.if %cond3A_1 {
      %get3A_19 = arith.constant 0 : index
      %get3A_20 = memref.load %arg1[%get3A_19] : memref<64xi32, #tpu.memory_space<smem>>
      %dma_start3A = arith.constant 0 : i32
      %dma_start3A_21 = arith.constant 0 : i32
      %dma_start3A_22 = tpu.memref_slice %arg6[%dma_start3A, %dma_start3A_21] : memref<64x4096xf32, #tpu.memory_space<vmem>> -> memref<1x4096xf32, #tpu.memory_space<vmem>>
      %dma_start3A_23 = arith.constant 0 : i32
      %dma_start3A_24 = tpu.memref_slice %arg2[%get3A_20, %dma_start3A_23] : memref<32000x4096xf32, #tpu.memory_space<hbm>> -> memref<1x4096xf32, #tpu.memory_space<hbm>>
      tpu.enqueue_dma source(%dma_start3A_24 : memref<1x4096xf32, #tpu.memory_space<hbm>>) target(%dma_start3A_22 : memref<1x4096xf32, #tpu.memory_space<vmem>>) target_semaphore(%arg7 : memref<!tpu.dma_semaphore, #tpu.memory_space<semaphore_mem>>)
      %get3A_25 = arith.constant 1 : index
      %get3A_26 = memref.load %arg1[%get3A_25] : memref<64xi32, #tpu.memory_space<smem>>
      %dma_start3A_27 = arith.constant 1 : i32
      %dma_start3A_28 = arith.constant 0 : i32
      %dma_start3A_29 = tpu.memref_slice %arg6[%dma_start3A_27, %dma_start3A_28] : memref<64x4096xf32, #tpu.memory_space<vmem>> -> memref<1x4096xf32, #tpu.memory_space<vmem>>
      %dma_start3A_30 = arith.constant 0 : i32
      %dma_start3A_31 = tpu.memref_slice %arg2[%get3A_26, %dma_start3A_30] : memref<32000x4096xf32, #tpu.memory_space<hbm>> -> memref<1x4096xf32, #tpu.memory_space<hbm>>
      tpu.enqueue_dma source(%dma_start3A_31 : memref<1x4096xf32, #tpu.memory_space<hbm>>) target(%dma_start3A_29 : memref<1x4096xf32, #tpu.memory_space<vmem>>) target_semaphore(%arg7 : memref<!tpu.dma_semaphore, #tpu.memory_space<semaphore_mem>>)
      %get3A_32 = arith.constant 2 : index
      %get3A_33 = memref.load %arg1[%get3A_32] : memref<64xi32, #tpu.memory_space<smem>>
      %dma_start3A_34 = arith.constant 2 : i32
      %dma_start3A_35 = arith.constant 0 : i32
      %dma_start3A_36 = tpu.memref_slice %arg6[%dma_start3A_34, %dma_start3A_35] : memref<64x4096xf32, #tpu.memory_space<vmem>> -> memref<1x4096xf32, #tpu.memory_space<vmem>>
      %dma_start3A_37 = arith.constant 0 : i32
      %dma_start3A_38 = tpu.memref_slice %arg2[%get3A_33, %dma_start3A_37] : memref<32000x4096xf32, #tpu.memory_space<hbm>> -> memref<1x4096xf32, #tpu.memory_space<hbm>>
      tpu.enqueue_dma source(%dma_start3A_38 : memref<1x4096xf32, #tpu.memory_space<hbm>>) target(%dma_start3A_36 : memref<1x4096xf32, #tpu.memory_space<vmem>>) target_semaphore(%arg7 : memref<!tpu.dma_semaphore, #tpu.memory_space<semaphore_mem>>)
      %get3A_39 = arith.constant 3 : index
      %get3A_40 = memref.load %arg1[%get3A_39] : memref<64xi32, #tpu.memory_space<smem>>
      %dma_start3A_41 = arith.constant 3 : i32
      %dma_start3A_42 = arith.constant 0 : i32
      %dma_start3A_43 = tpu.memref_slice %arg6[%dma_start3A_41, %dma_start3A_42] : memref<64x4096xf32, #tpu.memory_space<vmem>> -> memref<1x4096xf32, #tpu.memory_space<vmem>>
      %dma_start3A_44 = arith.constant 0 : i32
      %dma_start3A_45 = tpu.memref_slice %arg2[%get3A_40, %dma_start3A_44] : memref<32000x4096xf32, #tpu.memory_space<hbm>> -> memref<1x4096xf32, #tpu.memory_space<hbm>>
      tpu.enqueue_dma source(%dma_start3A_45 : memref<1x4096xf32, #tpu.memory_space<hbm>>) target(%dma_start3A_43 : memref<1x4096xf32, #tpu.memory_space<vmem>>) target_semaphore(%arg7 : memref<!tpu.dma_semaphore, #tpu.memory_space<semaphore_mem>>)
      %get3A_46 = arith.constant 4 : index
      %get3A_47 = memref.load %arg1[%get3A_46] : memref<64xi32, #tpu.memory_space<smem>>
      %dma_start3A_48 = arith.constant 4 : i32
      %dma_start3A_49 = arith.constant 0 : i32
      %dma_start3A_50 = tpu.memref_slice %arg6[%dma_start3A_48, %dma_start3A_49] : memref<64x4096xf32, #tpu.memory_space<vmem>> -> memref<1x4096xf32, #tpu.memory_space<vmem>>
      %dma_start3A_51 = arith.constant 0 : i32
      %dma_start3A_52 = tpu.memref_slice %arg2[%get3A_47, %dma_start3A_51] : memref<32000x4096xf32, #tpu.memory_space<hbm>> -> memref<1x4096xf32, #tpu.memory_space<hbm>>
      tpu.enqueue_dma source(%dma_start3A_52 : memref<1x4096xf32, #tpu.memory_space<hbm>>) target(%dma_start3A_50 : memref<1x4096xf32, #tpu.memory_space<vmem>>) target_semaphore(%arg7 : memref<!tpu.dma_semaphore, #tpu.memory_space<semaphore_mem>>)
      %get3A_53 = arith.constant 5 : index
      %get3A_54 = memref.load %arg1[%get3A_53] : memref<64xi32, #tpu.memory_space<smem>>
      %dma_start3A_55 = arith.constant 5 : i32
      %dma_start3A_56 = arith.constant 0 : i32
      %dma_start3A_57 = tpu.memref_slice %arg6[%dma_start3A_55, %dma_start3A_56] : memref<64x4096xf32, #tpu.memory_space<vmem>> -> memref<1x4096xf32, #tpu.memory_space<vmem>>
      %dma_start3A_58 = arith.constant 0 : i32
      %dma_start3A_59 = tpu.memref_slice %arg2[%get3A_54, %dma_start3A_58] : memref<32000x4096xf32, #tpu.memory_space<hbm>> -> memref<1x4096xf32, #tpu.memory_space<hbm>>
      tpu.enqueue_dma source(%dma_start3A_59 : memref<1x4096xf32, #tpu.memory_space<hbm>>) target(%dma_start3A_57 : memref<1x4096xf32, #tpu.memory_space<vmem>>) target_semaphore(%arg7 : memref<!tpu.dma_semaphore, #tpu.memory_space<semaphore_mem>>)
      %get3A_60 = arith.constant 6 : index
      %get3A_61 = memref.load %arg1[%get3A_60] : memref<64xi32, #tpu.memory_space<smem>>
      %dma_start3A_62 = arith.constant 6 : i32
      %dma_start3A_63 = arith.constant 0 : i32
      %dma_start3A_64 = tpu.memref_slice %arg6[%dma_start3A_62, %dma_start3A_63] : memref<64x4096xf32, #tpu.memory_space<vmem>> -> memref<1x4096xf32, #tpu.memory_space<vmem>>
      %dma_start3A_65 = arith.constant 0 : i32
      %dma_start3A_66 = tpu.memref_slice %arg2[%get3A_61, %dma_start3A_65] : memref<32000x4096xf32, #tpu.memory_space<hbm>> -> memref<1x4096xf32, #tpu.memory_space<hbm>>
      tpu.enqueue_dma source(%dma_start3A_66 : memref<1x4096xf32, #tpu.memory_space<hbm>>) target(%dma_start3A_64 : memref<1x4096xf32, #tpu.memory_space<vmem>>) target_semaphore(%arg7 : memref<!tpu.dma_semaphore, #tpu.memory_space<semaphore_mem>>)
      %get3A_67 = arith.constant 7 : index
      %get3A_68 = memref.load %arg1[%get3A_67] : memref<64xi32, #tpu.memory_space<smem>>
      %dma_start3A_69 = arith.constant 7 : i32
      %dma_start3A_70 = arith.constant 0 : i32
      %dma_start3A_71 = tpu.memref_slice %arg6[%dma_start3A_69, %dma_start3A_70] : memref<64x4096xf32, #tpu.memory_space<vmem>> -> memref<1x4096xf32, #tpu.memory_space<vmem>>
      %dma_start3A_72 = arith.constant 0 : i32
      %dma_start3A_73 = tpu.memref_slice %arg2[%get3A_68, %dma_start3A_72] : memref<32000x4096xf32, #tpu.memory_space<hbm>> -> memref<1x4096xf32, #tpu.memory_space<hbm>>
      tpu.enqueue_dma source(%dma_start3A_73 : memref<1x4096xf32, #tpu.memory_space<hbm>>) target(%dma_start3A_71 : memref<1x4096xf32, #tpu.memory_space<vmem>>) target_semaphore(%arg7 : memref<!tpu.dma_semaphore, #tpu.memory_space<semaphore_mem>>)
      %get3A_74 = arith.constant 8 : index
      %get3A_75 = memref.load %arg1[%get3A_74] : memref<64xi32, #tpu.memory_space<smem>>
      %dma_start3A_76 = arith.constant 8 : i32
      %dma_start3A_77 = arith.constant 0 : i32
      %dma_start3A_78 = tpu.memref_slice %arg6[%dma_start3A_76, %dma_start3A_77] : memref<64x4096xf32, #tpu.memory_space<vmem>> -> memref<1x4096xf32, #tpu.memory_space<vmem>>
      %dma_start3A_79 = arith.constant 0 : i32
      %dma_start3A_80 = tpu.memref_slice %arg2[%get3A_75, %dma_start3A_79] : memref<32000x4096xf32, #tpu.memory_space<hbm>> -> memref<1x4096xf32, #tpu.memory_space<hbm>>
      tpu.enqueue_dma source(%dma_start3A_80 : memref<1x4096xf32, #tpu.memory_space<hbm>>) target(%dma_start3A_78 : memref<1x4096xf32, #tpu.memory_space<vmem>>) target_semaphore(%arg7 : memref<!tpu.dma_semaphore, #tpu.memory_space<semaphore_mem>>)
      %get3A_81 = arith.constant 9 : index
      %get3A_82 = memref.load %arg1[%get3A_81] : memref<64xi32, #tpu.memory_space<smem>>
      %dma_start3A_83 = arith.constant 9 : i32
      %dma_start3A_84 = arith.constant 0 : i32
      %dma_start3A_85 = tpu.memref_slice %arg6[%dma_start3A_83, %dma_start3A_84] : memref<64x4096xf32, #tpu.memory_space<vmem>> -> memref<1x4096xf32, #tpu.memory_space<vmem>>
      %dma_start3A_86 = arith.constant 0 : i32
      %dma_start3A_87 = tpu.memref_slice %arg2[%get3A_82, %dma_start3A_86] : memref<32000x4096xf32, #tpu.memory_space<hbm>> -> memref<1x4096xf32, #tpu.memory_space<hbm>>
      tpu.enqueue_dma source(%dma_start3A_87 : memref<1x4096xf32, #tpu.memory_space<hbm>>) target(%dma_start3A_85 : memref<1x4096xf32, #tpu.memory_space<vmem>>) target_semaphore(%arg7 : memref<!tpu.dma_semaphore, #tpu.memory_space<semaphore_mem>>)
      %get3A_88 = arith.constant 10 : index
      %get3A_89 = memref.load %arg1[%get3A_88] : memref<64xi32, #tpu.memory_space<smem>>
      %dma_start3A_90 = arith.constant 10 : i32
      %dma_start3A_91 = arith.constant 0 : i32
      %dma_start3A_92 = tpu.memref_slice %arg6[%dma_start3A_90, %dma_start3A_91] : memref<64x4096xf32, #tpu.memory_space<vmem>> -> memref<1x4096xf32, #tpu.memory_space<vmem>>
      %dma_start3A_93 = arith.constant 0 : i32
      %dma_start3A_94 = tpu.memref_slice %arg2[%get3A_89, %dma_start3A_93] : memref<32000x4096xf32, #tpu.memory_space<hbm>> -> memref<1x4096xf32, #tpu.memory_space<hbm>>
      tpu.enqueue_dma source(%dma_start3A_94 : memref<1x4096xf32, #tpu.memory_space<hbm>>) target(%dma_start3A_92 : memref<1x4096xf32, #tpu.memory_space<vmem>>) target_semaphore(%arg7 : memref<!tpu.dma_semaphore, #tpu.memory_space<semaphore_mem>>)
      %get3A_95 = arith.constant 11 : index
      %get3A_96 = memref.load %arg1[%get3A_95] : memref<64xi32, #tpu.memory_space<smem>>
      %dma_start3A_97 = arith.constant 11 : i32
      %dma_start3A_98 = arith.constant 0 : i32
      %dma_start3A_99 = tpu.memref_slice %arg6[%dma_start3A_97, %dma_start3A_98] : memref<64x4096xf32, #tpu.memory_space<vmem>> -> memref<1x4096xf32, #tpu.memory_space<vmem>>
      %dma_start3A_100 = arith.constant 0 : i32
      %dma_start3A_101 = tpu.memref_slice %arg2[%get3A_96, %dma_start3A_100] : memref<32000x4096xf32, #tpu.memory_space<hbm>> -> memref<1x4096xf32, #tpu.memory_space<hbm>>
      tpu.enqueue_dma source(%dma_start3A_101 : memref<1x4096xf32, #tpu.memory_space<hbm>>) target(%dma_start3A_99 : memref<1x4096xf32, #tpu.memory_space<vmem>>) target_semaphore(%arg7 : memref<!tpu.dma_semaphore, #tpu.memory_space<semaphore_mem>>)
      %get3A_102 = arith.constant 12 : index
      %get3A_103 = memref.load %arg1[%get3A_102] : memref<64xi32, #tpu.memory_space<smem>>
      %dma_start3A_104 = arith.constant 12 : i32
      %dma_start3A_105 = arith.constant 0 : i32
      %dma_start3A_106 = tpu.memref_slice %arg6[%dma_start3A_104, %dma_start3A_105] : memref<64x4096xf32, #tpu.memory_space<vmem>> -> memref<1x4096xf32, #tpu.memory_space<vmem>>
      %dma_start3A_107 = arith.constant 0 : i32
      %dma_start3A_108 = tpu.memref_slice %arg2[%get3A_103, %dma_start3A_107] : memref<32000x4096xf32, #tpu.memory_space<hbm>> -> memref<1x4096xf32, #tpu.memory_space<hbm>>
      tpu.enqueue_dma source(%dma_start3A_108 : memref<1x4096xf32, #tpu.memory_space<hbm>>) target(%dma_start3A_106 : memref<1x4096xf32, #tpu.memory_space<vmem>>) target_semaphore(%arg7 : memref<!tpu.dma_semaphore, #tpu.memory_space<semaphore_mem>>)
      %get3A_109 = arith.constant 13 : index
      %get3A_110 = memref.load %arg1[%get3A_109] : memref<64xi32, #tpu.memory_space<smem>>
      %dma_start3A_111 = arith.constant 13 : i32
      %dma_start3A_112 = arith.constant 0 : i32
      %dma_start3A_113 = tpu.memref_slice %arg6[%dma_start3A_111, %dma_start3A_112] : memref<64x4096xf32, #tpu.memory_space<vmem>> -> memref<1x4096xf32, #tpu.memory_space<vmem>>
      %dma_start3A_114 = arith.constant 0 : i32
      %dma_start3A_115 = tpu.memref_slice %arg2[%get3A_110, %dma_start3A_114] : memref<32000x4096xf32, #tpu.memory_space<hbm>> -> memref<1x4096xf32, #tpu.memory_space<hbm>>
      tpu.enqueue_dma source(%dma_start3A_115 : memref<1x4096xf32, #tpu.memory_space<hbm>>) target(%dma_start3A_113 : memref<1x4096xf32, #tpu.memory_space<vmem>>) target_semaphore(%arg7 : memref<!tpu.dma_semaphore, #tpu.memory_space<semaphore_mem>>)
      %get3A_116 = arith.constant 14 : index
      %get3A_117 = memref.load %arg1[%get3A_116] : memref<64xi32, #tpu.memory_space<smem>>
      %dma_start3A_118 = arith.constant 14 : i32
      %dma_start3A_119 = arith.constant 0 : i32
      %dma_start3A_120 = tpu.memref_slice %arg6[%dma_start3A_118, %dma_start3A_119] : memref<64x4096xf32, #tpu.memory_space<vmem>> -> memref<1x4096xf32, #tpu.memory_space<vmem>>
      %dma_start3A_121 = arith.constant 0 : i32
      %dma_start3A_122 = tpu.memref_slice %arg2[%get3A_117, %dma_start3A_121] : memref<32000x4096xf32, #tpu.memory_space<hbm>> -> memref<1x4096xf32, #tpu.memory_space<hbm>>
      tpu.enqueue_dma source(%dma_start3A_122 : memref<1x4096xf32, #tpu.memory_space<hbm>>) target(%dma_start3A_120 : memref<1x4096xf32, #tpu.memory_space<vmem>>) target_semaphore(%arg7 : memref<!tpu.dma_semaphore, #tpu.memory_space<semaphore_mem>>)
      %get3A_123 = arith.constant 15 : index
      %get3A_124 = memref.load %arg1[%get3A_123] : memref<64xi32, #tpu.memory_space<smem>>
      %dma_start3A_125 = arith.constant 15 : i32
      %dma_start3A_126 = arith.constant 0 : i32
      %dma_start3A_127 = tpu.memref_slice %arg6[%dma_start3A_125, %dma_start3A_126] : memref<64x4096xf32, #tpu.memory_space<vmem>> -> memref<1x4096xf32, #tpu.memory_space<vmem>>
      %dma_start3A_128 = arith.constant 0 : i32
      %dma_start3A_129 = tpu.memref_slice %arg2[%get3A_124, %dma_start3A_128] : memref<32000x4096xf32, #tpu.memory_space<hbm>> -> memref<1x4096xf32, #tpu.memory_space<hbm>>
      tpu.enqueue_dma source(%dma_start3A_129 : memref<1x4096xf32, #tpu.memory_space<hbm>>) target(%dma_start3A_127 : memref<1x4096xf32, #tpu.memory_space<vmem>>) target_semaphore(%arg7 : memref<!tpu.dma_semaphore, #tpu.memory_space<semaphore_mem>>)
      %get3A_130 = arith.constant 16 : index
      %get3A_131 = memref.load %arg1[%get3A_130] : memref<64xi32, #tpu.memory_space<smem>>
      %dma_start3A_132 = arith.constant 16 : i32
      %dma_start3A_133 = arith.constant 0 : i32
      %dma_start3A_134 = tpu.memref_slice %arg6[%dma_start3A_132, %dma_start3A_133] : memref<64x4096xf32, #tpu.memory_space<vmem>> -> memref<1x4096xf32, #tpu.memory_space<vmem>>
      %dma_start3A_135 = arith.constant 0 : i32
      %dma_start3A_136 = tpu.memref_slice %arg2[%get3A_131, %dma_start3A_135] : memref<32000x4096xf32, #tpu.memory_space<hbm>> -> memref<1x4096xf32, #tpu.memory_space<hbm>>
      tpu.enqueue_dma source(%dma_start3A_136 : memref<1x4096xf32, #tpu.memory_space<hbm>>) target(%dma_start3A_134 : memref<1x4096xf32, #tpu.memory_space<vmem>>) target_semaphore(%arg7 : memref<!tpu.dma_semaphore, #tpu.memory_space<semaphore_mem>>)
      %get3A_137 = arith.constant 17 : index
      %get3A_138 = memref.load %arg1[%get3A_137] : memref<64xi32, #tpu.memory_space<smem>>
      %dma_start3A_139 = arith.constant 17 : i32
      %dma_start3A_140 = arith.constant 0 : i32
      %dma_start3A_141 = tpu.memref_slice %arg6[%dma_start3A_139, %dma_start3A_140] : memref<64x4096xf32, #tpu.memory_space<vmem>> -> memref<1x4096xf32, #tpu.memory_space<vmem>>
      %dma_start3A_142 = arith.constant 0 : i32
      %dma_start3A_143 = tpu.memref_slice %arg2[%get3A_138, %dma_start3A_142] : memref<32000x4096xf32, #tpu.memory_space<hbm>> -> memref<1x4096xf32, #tpu.memory_space<hbm>>
      tpu.enqueue_dma source(%dma_start3A_143 : memref<1x4096xf32, #tpu.memory_space<hbm>>) target(%dma_start3A_141 : memref<1x4096xf32, #tpu.memory_space<vmem>>) target_semaphore(%arg7 : memref<!tpu.dma_semaphore, #tpu.memory_space<semaphore_mem>>)
      %get3A_144 = arith.constant 18 : index
      %get3A_145 = memref.load %arg1[%get3A_144] : memref<64xi32, #tpu.memory_space<smem>>
      %dma_start3A_146 = arith.constant 18 : i32
      %dma_start3A_147 = arith.constant 0 : i32
      %dma_start3A_148 = tpu.memref_slice %arg6[%dma_start3A_146, %dma_start3A_147] : memref<64x4096xf32, #tpu.memory_space<vmem>> -> memref<1x4096xf32, #tpu.memory_space<vmem>>
      %dma_start3A_149 = arith.constant 0 : i32
      %dma_start3A_150 = tpu.memref_slice %arg2[%get3A_145, %dma_start3A_149] : memref<32000x4096xf32, #tpu.memory_space<hbm>> -> memref<1x4096xf32, #tpu.memory_space<hbm>>
      tpu.enqueue_dma source(%dma_start3A_150 : memref<1x4096xf32, #tpu.memory_space<hbm>>) target(%dma_start3A_148 : memref<1x4096xf32, #tpu.memory_space<vmem>>) target_semaphore(%arg7 : memref<!tpu.dma_semaphore, #tpu.memory_space<semaphore_mem>>)
      %get3A_151 = arith.constant 19 : index
      %get3A_152 = memref.load %arg1[%get3A_151] : memref<64xi32, #tpu.memory_space<smem>>
      %dma_start3A_153 = arith.constant 19 : i32
      %dma_start3A_154 = arith.constant 0 : i32
      %dma_start3A_155 = tpu.memref_slice %arg6[%dma_start3A_153, %dma_start3A_154] : memref<64x4096xf32, #tpu.memory_space<vmem>> -> memref<1x4096xf32, #tpu.memory_space<vmem>>
      %dma_start3A_156 = arith.constant 0 : i32
      %dma_start3A_157 = tpu.memref_slice %arg2[%get3A_152, %dma_start3A_156] : memref<32000x4096xf32, #tpu.memory_space<hbm>> -> memref<1x4096xf32, #tpu.memory_space<hbm>>
      tpu.enqueue_dma source(%dma_start3A_157 : memref<1x4096xf32, #tpu.memory_space<hbm>>) target(%dma_start3A_155 : memref<1x4096xf32, #tpu.memory_space<vmem>>) target_semaphore(%arg7 : memref<!tpu.dma_semaphore, #tpu.memory_space<semaphore_mem>>)
      %get3A_158 = arith.constant 20 : index
      %get3A_159 = memref.load %arg1[%get3A_158] : memref<64xi32, #tpu.memory_space<smem>>
      %dma_start3A_160 = arith.constant 20 : i32
      %dma_start3A_161 = arith.constant 0 : i32
      %dma_start3A_162 = tpu.memref_slice %arg6[%dma_start3A_160, %dma_start3A_161] : memref<64x4096xf32, #tpu.memory_space<vmem>> -> memref<1x4096xf32, #tpu.memory_space<vmem>>
      %dma_start3A_163 = arith.constant 0 : i32
      %dma_start3A_164 = tpu.memref_slice %arg2[%get3A_159, %dma_start3A_163] : memref<32000x4096xf32, #tpu.memory_space<hbm>> -> memref<1x4096xf32, #tpu.memory_space<hbm>>
      tpu.enqueue_dma source(%dma_start3A_164 : memref<1x4096xf32, #tpu.memory_space<hbm>>) target(%dma_start3A_162 : memref<1x4096xf32, #tpu.memory_space<vmem>>) target_semaphore(%arg7 : memref<!tpu.dma_semaphore, #tpu.memory_space<semaphore_mem>>)
      %get3A_165 = arith.constant 21 : index
      %get3A_166 = memref.load %arg1[%get3A_165] : memref<64xi32, #tpu.memory_space<smem>>
      %dma_start3A_167 = arith.constant 21 : i32
      %dma_start3A_168 = arith.constant 0 : i32
      %dma_start3A_169 = tpu.memref_slice %arg6[%dma_start3A_167, %dma_start3A_168] : memref<64x4096xf32, #tpu.memory_space<vmem>> -> memref<1x4096xf32, #tpu.memory_space<vmem>>
      %dma_start3A_170 = arith.constant 0 : i32
      %dma_start3A_171 = tpu.memref_slice %arg2[%get3A_166, %dma_start3A_170] : memref<32000x4096xf32, #tpu.memory_space<hbm>> -> memref<1x4096xf32, #tpu.memory_space<hbm>>
      tpu.enqueue_dma source(%dma_start3A_171 : memref<1x4096xf32, #tpu.memory_space<hbm>>) target(%dma_start3A_169 : memref<1x4096xf32, #tpu.memory_space<vmem>>) target_semaphore(%arg7 : memref<!tpu.dma_semaphore, #tpu.memory_space<semaphore_mem>>)
      %get3A_172 = arith.constant 22 : index
      %get3A_173 = memref.load %arg1[%get3A_172] : memref<64xi32, #tpu.memory_space<smem>>
      %dma_start3A_174 = arith.constant 22 : i32
      %dma_start3A_175 = arith.constant 0 : i32
      %dma_start3A_176 = tpu.memref_slice %arg6[%dma_start3A_174, %dma_start3A_175] : memref<64x4096xf32, #tpu.memory_space<vmem>> -> memref<1x4096xf32, #tpu.memory_space<vmem>>
      %dma_start3A_177 = arith.constant 0 : i32
      %dma_start3A_178 = tpu.memref_slice %arg2[%get3A_173, %dma_start3A_177] : memref<32000x4096xf32, #tpu.memory_space<hbm>> -> memref<1x4096xf32, #tpu.memory_space<hbm>>
      tpu.enqueue_dma source(%dma_start3A_178 : memref<1x4096xf32, #tpu.memory_space<hbm>>) target(%dma_start3A_176 : memref<1x4096xf32, #tpu.memory_space<vmem>>) target_semaphore(%arg7 : memref<!tpu.dma_semaphore, #tpu.memory_space<semaphore_mem>>)
      %get3A_179 = arith.constant 23 : index
      %get3A_180 = memref.load %arg1[%get3A_179] : memref<64xi32, #tpu.memory_space<smem>>
      %dma_start3A_181 = arith.constant 23 : i32
      %dma_start3A_182 = arith.constant 0 : i32
      %dma_start3A_183 = tpu.memref_slice %arg6[%dma_start3A_181, %dma_start3A_182] : memref<64x4096xf32, #tpu.memory_space<vmem>> -> memref<1x4096xf32, #tpu.memory_space<vmem>>
      %dma_start3A_184 = arith.constant 0 : i32
      %dma_start3A_185 = tpu.memref_slice %arg2[%get3A_180, %dma_start3A_184] : memref<32000x4096xf32, #tpu.memory_space<hbm>> -> memref<1x4096xf32, #tpu.memory_space<hbm>>
      tpu.enqueue_dma source(%dma_start3A_185 : memref<1x4096xf32, #tpu.memory_space<hbm>>) target(%dma_start3A_183 : memref<1x4096xf32, #tpu.memory_space<vmem>>) target_semaphore(%arg7 : memref<!tpu.dma_semaphore, #tpu.memory_space<semaphore_mem>>)
      %get3A_186 = arith.constant 24 : index
      %get3A_187 = memref.load %arg1[%get3A_186] : memref<64xi32, #tpu.memory_space<smem>>
      %dma_start3A_188 = arith.constant 24 : i32
      %dma_start3A_189 = arith.constant 0 : i32
      %dma_start3A_190 = tpu.memref_slice %arg6[%dma_start3A_188, %dma_start3A_189] : memref<64x4096xf32, #tpu.memory_space<vmem>> -> memref<1x4096xf32, #tpu.memory_space<vmem>>
      %dma_start3A_191 = arith.constant 0 : i32
      %dma_start3A_192 = tpu.memref_slice %arg2[%get3A_187, %dma_start3A_191] : memref<32000x4096xf32, #tpu.memory_space<hbm>> -> memref<1x4096xf32, #tpu.memory_space<hbm>>
      tpu.enqueue_dma source(%dma_start3A_192 : memref<1x4096xf32, #tpu.memory_space<hbm>>) target(%dma_start3A_190 : memref<1x4096xf32, #tpu.memory_space<vmem>>) target_semaphore(%arg7 : memref<!tpu.dma_semaphore, #tpu.memory_space<semaphore_mem>>)
      %get3A_193 = arith.constant 25 : index
      %get3A_194 = memref.load %arg1[%get3A_193] : memref<64xi32, #tpu.memory_space<smem>>
      %dma_start3A_195 = arith.constant 25 : i32
      %dma_start3A_196 = arith.constant 0 : i32
      %dma_start3A_197 = tpu.memref_slice %arg6[%dma_start3A_195, %dma_start3A_196] : memref<64x4096xf32, #tpu.memory_space<vmem>> -> memref<1x4096xf32, #tpu.memory_space<vmem>>
      %dma_start3A_198 = arith.constant 0 : i32
      %dma_start3A_199 = tpu.memref_slice %arg2[%get3A_194, %dma_start3A_198] : memref<32000x4096xf32, #tpu.memory_space<hbm>> -> memref<1x4096xf32, #tpu.memory_space<hbm>>
      tpu.enqueue_dma source(%dma_start3A_199 : memref<1x4096xf32, #tpu.memory_space<hbm>>) target(%dma_start3A_197 : memref<1x4096xf32, #tpu.memory_space<vmem>>) target_semaphore(%arg7 : memref<!tpu.dma_semaphore, #tpu.memory_space<semaphore_mem>>)
      %get3A_200 = arith.constant 26 : index
      %get3A_201 = memref.load %arg1[%get3A_200] : memref<64xi32, #tpu.memory_space<smem>>
      %dma_start3A_202 = arith.constant 26 : i32
      %dma_start3A_203 = arith.constant 0 : i32
      %dma_start3A_204 = tpu.memref_slice %arg6[%dma_start3A_202, %dma_start3A_203] : memref<64x4096xf32, #tpu.memory_space<vmem>> -> memref<1x4096xf32, #tpu.memory_space<vmem>>
      %dma_start3A_205 = arith.constant 0 : i32
      %dma_start3A_206 = tpu.memref_slice %arg2[%get3A_201, %dma_start3A_205] : memref<32000x4096xf32, #tpu.memory_space<hbm>> -> memref<1x4096xf32, #tpu.memory_space<hbm>>
      tpu.enqueue_dma source(%dma_start3A_206 : memref<1x4096xf32, #tpu.memory_space<hbm>>) target(%dma_start3A_204 : memref<1x4096xf32, #tpu.memory_space<vmem>>) target_semaphore(%arg7 : memref<!tpu.dma_semaphore, #tpu.memory_space<semaphore_mem>>)
      %get3A_207 = arith.constant 27 : index
      %get3A_208 = memref.load %arg1[%get3A_207] : memref<64xi32, #tpu.memory_space<smem>>
      %dma_start3A_209 = arith.constant 27 : i32
      %dma_start3A_210 = arith.constant 0 : i32
      %dma_start3A_211 = tpu.memref_slice %arg6[%dma_start3A_209, %dma_start3A_210] : memref<64x4096xf32, #tpu.memory_space<vmem>> -> memref<1x4096xf32, #tpu.memory_space<vmem>>
      %dma_start3A_212 = arith.constant 0 : i32
      %dma_start3A_213 = tpu.memref_slice %arg2[%get3A_208, %dma_start3A_212] : memref<32000x4096xf32, #tpu.memory_space<hbm>> -> memref<1x4096xf32, #tpu.memory_space<hbm>>
      tpu.enqueue_dma source(%dma_start3A_213 : memref<1x4096xf32, #tpu.memory_space<hbm>>) target(%dma_start3A_211 : memref<1x4096xf32, #tpu.memory_space<vmem>>) target_semaphore(%arg7 : memref<!tpu.dma_semaphore, #tpu.memory_space<semaphore_mem>>)
      %get3A_214 = arith.constant 28 : index
      %get3A_215 = memref.load %arg1[%get3A_214] : memref<64xi32, #tpu.memory_space<smem>>
      %dma_start3A_216 = arith.constant 28 : i32
      %dma_start3A_217 = arith.constant 0 : i32
      %dma_start3A_218 = tpu.memref_slice %arg6[%dma_start3A_216, %dma_start3A_217] : memref<64x4096xf32, #tpu.memory_space<vmem>> -> memref<1x4096xf32, #tpu.memory_space<vmem>>
      %dma_start3A_219 = arith.constant 0 : i32
      %dma_start3A_220 = tpu.memref_slice %arg2[%get3A_215, %dma_start3A_219] : memref<32000x4096xf32, #tpu.memory_space<hbm>> -> memref<1x4096xf32, #tpu.memory_space<hbm>>
      tpu.enqueue_dma source(%dma_start3A_220 : memref<1x4096xf32, #tpu.memory_space<hbm>>) target(%dma_start3A_218 : memref<1x4096xf32, #tpu.memory_space<vmem>>) target_semaphore(%arg7 : memref<!tpu.dma_semaphore, #tpu.memory_space<semaphore_mem>>)
      %get3A_221 = arith.constant 29 : index
      %get3A_222 = memref.load %arg1[%get3A_221] : memref<64xi32, #tpu.memory_space<smem>>
      %dma_start3A_223 = arith.constant 29 : i32
      %dma_start3A_224 = arith.constant 0 : i32
      %dma_start3A_225 = tpu.memref_slice %arg6[%dma_start3A_223, %dma_start3A_224] : memref<64x4096xf32, #tpu.memory_space<vmem>> -> memref<1x4096xf32, #tpu.memory_space<vmem>>
      %dma_start3A_226 = arith.constant 0 : i32
      %dma_start3A_227 = tpu.memref_slice %arg2[%get3A_222, %dma_start3A_226] : memref<32000x4096xf32, #tpu.memory_space<hbm>> -> memref<1x4096xf32, #tpu.memory_space<hbm>>
      tpu.enqueue_dma source(%dma_start3A_227 : memref<1x4096xf32, #tpu.memory_space<hbm>>) target(%dma_start3A_225 : memref<1x4096xf32, #tpu.memory_space<vmem>>) target_semaphore(%arg7 : memref<!tpu.dma_semaphore, #tpu.memory_space<semaphore_mem>>)
      %get3A_228 = arith.constant 30 : index
      %get3A_229 = memref.load %arg1[%get3A_228] : memref<64xi32, #tpu.memory_space<smem>>
      %dma_start3A_230 = arith.constant 30 : i32
      %dma_start3A_231 = arith.constant 0 : i32
      %dma_start3A_232 = tpu.memref_slice %arg6[%dma_start3A_230, %dma_start3A_231] : memref<64x4096xf32, #tpu.memory_space<vmem>> -> memref<1x4096xf32, #tpu.memory_space<vmem>>
      %dma_start3A_233 = arith.constant 0 : i32
      %dma_start3A_234 = tpu.memref_slice %arg2[%get3A_229, %dma_start3A_233] : memref<32000x4096xf32, #tpu.memory_space<hbm>> -> memref<1x4096xf32, #tpu.memory_space<hbm>>
      tpu.enqueue_dma source(%dma_start3A_234 : memref<1x4096xf32, #tpu.memory_space<hbm>>) target(%dma_start3A_232 : memref<1x4096xf32, #tpu.memory_space<vmem>>) target_semaphore(%arg7 : memref<!tpu.dma_semaphore, #tpu.memory_space<semaphore_mem>>)
      %get3A_235 = arith.constant 31 : index
      %get3A_236 = memref.load %arg1[%get3A_235] : memref<64xi32, #tpu.memory_space<smem>>
      %dma_start3A_237 = arith.constant 31 : i32
      %dma_start3A_238 = arith.constant 0 : i32
      %dma_start3A_239 = tpu.memref_slice %arg6[%dma_start3A_237, %dma_start3A_238] : memref<64x4096xf32, #tpu.memory_space<vmem>> -> memref<1x4096xf32, #tpu.memory_space<vmem>>
      %dma_start3A_240 = arith.constant 0 : i32
      %dma_start3A_241 = tpu.memref_slice %arg2[%get3A_236, %dma_start3A_240] : memref<32000x4096xf32, #tpu.memory_space<hbm>> -> memref<1x4096xf32, #tpu.memory_space<hbm>>
      tpu.enqueue_dma source(%dma_start3A_241 : memref<1x4096xf32, #tpu.memory_space<hbm>>) target(%dma_start3A_239 : memref<1x4096xf32, #tpu.memory_space<vmem>>) target_semaphore(%arg7 : memref<!tpu.dma_semaphore, #tpu.memory_space<semaphore_mem>>)
      %get3A_242 = arith.constant 32 : index
      %get3A_243 = memref.load %arg1[%get3A_242] : memref<64xi32, #tpu.memory_space<smem>>
      %dma_start3A_244 = arith.constant 32 : i32
      %dma_start3A_245 = arith.constant 0 : i32
      %dma_start3A_246 = tpu.memref_slice %arg6[%dma_start3A_244, %dma_start3A_245] : memref<64x4096xf32, #tpu.memory_space<vmem>> -> memref<1x4096xf32, #tpu.memory_space<vmem>>
      %dma_start3A_247 = arith.constant 0 : i32
      %dma_start3A_248 = tpu.memref_slice %arg2[%get3A_243, %dma_start3A_247] : memref<32000x4096xf32, #tpu.memory_space<hbm>> -> memref<1x4096xf32, #tpu.memory_space<hbm>>
      tpu.enqueue_dma source(%dma_start3A_248 : memref<1x4096xf32, #tpu.memory_space<hbm>>) target(%dma_start3A_246 : memref<1x4096xf32, #tpu.memory_space<vmem>>) target_semaphore(%arg7 : memref<!tpu.dma_semaphore, #tpu.memory_space<semaphore_mem>>)
      %get3A_249 = arith.constant 33 : index
      %get3A_250 = memref.load %arg1[%get3A_249] : memref<64xi32, #tpu.memory_space<smem>>
      %dma_start3A_251 = arith.constant 33 : i32
      %dma_start3A_252 = arith.constant 0 : i32
      %dma_start3A_253 = tpu.memref_slice %arg6[%dma_start3A_251, %dma_start3A_252] : memref<64x4096xf32, #tpu.memory_space<vmem>> -> memref<1x4096xf32, #tpu.memory_space<vmem>>
      %dma_start3A_254 = arith.constant 0 : i32
      %dma_start3A_255 = tpu.memref_slice %arg2[%get3A_250, %dma_start3A_254] : memref<32000x4096xf32, #tpu.memory_space<hbm>> -> memref<1x4096xf32, #tpu.memory_space<hbm>>
      tpu.enqueue_dma source(%dma_start3A_255 : memref<1x4096xf32, #tpu.memory_space<hbm>>) target(%dma_start3A_253 : memref<1x4096xf32, #tpu.memory_space<vmem>>) target_semaphore(%arg7 : memref<!tpu.dma_semaphore, #tpu.memory_space<semaphore_mem>>)
      %get3A_256 = arith.constant 34 : index
      %get3A_257 = memref.load %arg1[%get3A_256] : memref<64xi32, #tpu.memory_space<smem>>
      %dma_start3A_258 = arith.constant 34 : i32
      %dma_start3A_259 = arith.constant 0 : i32
      %dma_start3A_260 = tpu.memref_slice %arg6[%dma_start3A_258, %dma_start3A_259] : memref<64x4096xf32, #tpu.memory_space<vmem>> -> memref<1x4096xf32, #tpu.memory_space<vmem>>
      %dma_start3A_261 = arith.constant 0 : i32
      %dma_start3A_262 = tpu.memref_slice %arg2[%get3A_257, %dma_start3A_261] : memref<32000x4096xf32, #tpu.memory_space<hbm>> -> memref<1x4096xf32, #tpu.memory_space<hbm>>
      tpu.enqueue_dma source(%dma_start3A_262 : memref<1x4096xf32, #tpu.memory_space<hbm>>) target(%dma_start3A_260 : memref<1x4096xf32, #tpu.memory_space<vmem>>) target_semaphore(%arg7 : memref<!tpu.dma_semaphore, #tpu.memory_space<semaphore_mem>>)
      %get3A_263 = arith.constant 35 : index
      %get3A_264 = memref.load %arg1[%get3A_263] : memref<64xi32, #tpu.memory_space<smem>>
      %dma_start3A_265 = arith.constant 35 : i32
      %dma_start3A_266 = arith.constant 0 : i32
      %dma_start3A_267 = tpu.memref_slice %arg6[%dma_start3A_265, %dma_start3A_266] : memref<64x4096xf32, #tpu.memory_space<vmem>> -> memref<1x4096xf32, #tpu.memory_space<vmem>>
      %dma_start3A_268 = arith.constant 0 : i32
      %dma_start3A_269 = tpu.memref_slice %arg2[%get3A_264, %dma_start3A_268] : memref<32000x4096xf32, #tpu.memory_space<hbm>> -> memref<1x4096xf32, #tpu.memory_space<hbm>>
      tpu.enqueue_dma source(%dma_start3A_269 : memref<1x4096xf32, #tpu.memory_space<hbm>>) target(%dma_start3A_267 : memref<1x4096xf32, #tpu.memory_space<vmem>>) target_semaphore(%arg7 : memref<!tpu.dma_semaphore, #tpu.memory_space<semaphore_mem>>)
      %get3A_270 = arith.constant 36 : index
      %get3A_271 = memref.load %arg1[%get3A_270] : memref<64xi32, #tpu.memory_space<smem>>
      %dma_start3A_272 = arith.constant 36 : i32
      %dma_start3A_273 = arith.constant 0 : i32
      %dma_start3A_274 = tpu.memref_slice %arg6[%dma_start3A_272, %dma_start3A_273] : memref<64x4096xf32, #tpu.memory_space<vmem>> -> memref<1x4096xf32, #tpu.memory_space<vmem>>
      %dma_start3A_275 = arith.constant 0 : i32
      %dma_start3A_276 = tpu.memref_slice %arg2[%get3A_271, %dma_start3A_275] : memref<32000x4096xf32, #tpu.memory_space<hbm>> -> memref<1x4096xf32, #tpu.memory_space<hbm>>
      tpu.enqueue_dma source(%dma_start3A_276 : memref<1x4096xf32, #tpu.memory_space<hbm>>) target(%dma_start3A_274 : memref<1x4096xf32, #tpu.memory_space<vmem>>) target_semaphore(%arg7 : memref<!tpu.dma_semaphore, #tpu.memory_space<semaphore_mem>>)
      %get3A_277 = arith.constant 37 : index
      %get3A_278 = memref.load %arg1[%get3A_277] : memref<64xi32, #tpu.memory_space<smem>>
      %dma_start3A_279 = arith.constant 37 : i32
      %dma_start3A_280 = arith.constant 0 : i32
      %dma_start3A_281 = tpu.memref_slice %arg6[%dma_start3A_279, %dma_start3A_280] : memref<64x4096xf32, #tpu.memory_space<vmem>> -> memref<1x4096xf32, #tpu.memory_space<vmem>>
      %dma_start3A_282 = arith.constant 0 : i32
      %dma_start3A_283 = tpu.memref_slice %arg2[%get3A_278, %dma_start3A_282] : memref<32000x4096xf32, #tpu.memory_space<hbm>> -> memref<1x4096xf32, #tpu.memory_space<hbm>>
      tpu.enqueue_dma source(%dma_start3A_283 : memref<1x4096xf32, #tpu.memory_space<hbm>>) target(%dma_start3A_281 : memref<1x4096xf32, #tpu.memory_space<vmem>>) target_semaphore(%arg7 : memref<!tpu.dma_semaphore, #tpu.memory_space<semaphore_mem>>)
      %get3A_284 = arith.constant 38 : index
      %get3A_285 = memref.load %arg1[%get3A_284] : memref<64xi32, #tpu.memory_space<smem>>
      %dma_start3A_286 = arith.constant 38 : i32
      %dma_start3A_287 = arith.constant 0 : i32
      %dma_start3A_288 = tpu.memref_slice %arg6[%dma_start3A_286, %dma_start3A_287] : memref<64x4096xf32, #tpu.memory_space<vmem>> -> memref<1x4096xf32, #tpu.memory_space<vmem>>
      %dma_start3A_289 = arith.constant 0 : i32
      %dma_start3A_290 = tpu.memref_slice %arg2[%get3A_285, %dma_start3A_289] : memref<32000x4096xf32, #tpu.memory_space<hbm>> -> memref<1x4096xf32, #tpu.memory_space<hbm>>
      tpu.enqueue_dma source(%dma_start3A_290 : memref<1x4096xf32, #tpu.memory_space<hbm>>) target(%dma_start3A_288 : memref<1x4096xf32, #tpu.memory_space<vmem>>) target_semaphore(%arg7 : memref<!tpu.dma_semaphore, #tpu.memory_space<semaphore_mem>>)
      %get3A_291 = arith.constant 39 : index
      %get3A_292 = memref.load %arg1[%get3A_291] : memref<64xi32, #tpu.memory_space<smem>>
      %dma_start3A_293 = arith.constant 39 : i32
      %dma_start3A_294 = arith.constant 0 : i32
      %dma_start3A_295 = tpu.memref_slice %arg6[%dma_start3A_293, %dma_start3A_294] : memref<64x4096xf32, #tpu.memory_space<vmem>> -> memref<1x4096xf32, #tpu.memory_space<vmem>>
      %dma_start3A_296 = arith.constant 0 : i32
      %dma_start3A_297 = tpu.memref_slice %arg2[%get3A_292, %dma_start3A_296] : memref<32000x4096xf32, #tpu.memory_space<hbm>> -> memref<1x4096xf32, #tpu.memory_space<hbm>>
      tpu.enqueue_dma source(%dma_start3A_297 : memref<1x4096xf32, #tpu.memory_space<hbm>>) target(%dma_start3A_295 : memref<1x4096xf32, #tpu.memory_space<vmem>>) target_semaphore(%arg7 : memref<!tpu.dma_semaphore, #tpu.memory_space<semaphore_mem>>)
      %get3A_298 = arith.constant 40 : index
      %get3A_299 = memref.load %arg1[%get3A_298] : memref<64xi32, #tpu.memory_space<smem>>
      %dma_start3A_300 = arith.constant 40 : i32
      %dma_start3A_301 = arith.constant 0 : i32
      %dma_start3A_302 = tpu.memref_slice %arg6[%dma_start3A_300, %dma_start3A_301] : memref<64x4096xf32, #tpu.memory_space<vmem>> -> memref<1x4096xf32, #tpu.memory_space<vmem>>
      %dma_start3A_303 = arith.constant 0 : i32
      %dma_start3A_304 = tpu.memref_slice %arg2[%get3A_299, %dma_start3A_303] : memref<32000x4096xf32, #tpu.memory_space<hbm>> -> memref<1x4096xf32, #tpu.memory_space<hbm>>
      tpu.enqueue_dma source(%dma_start3A_304 : memref<1x4096xf32, #tpu.memory_space<hbm>>) target(%dma_start3A_302 : memref<1x4096xf32, #tpu.memory_space<vmem>>) target_semaphore(%arg7 : memref<!tpu.dma_semaphore, #tpu.memory_space<semaphore_mem>>)
      %get3A_305 = arith.constant 41 : index
      %get3A_306 = memref.load %arg1[%get3A_305] : memref<64xi32, #tpu.memory_space<smem>>
      %dma_start3A_307 = arith.constant 41 : i32
      %dma_start3A_308 = arith.constant 0 : i32
      %dma_start3A_309 = tpu.memref_slice %arg6[%dma_start3A_307, %dma_start3A_308] : memref<64x4096xf32, #tpu.memory_space<vmem>> -> memref<1x4096xf32, #tpu.memory_space<vmem>>
      %dma_start3A_310 = arith.constant 0 : i32
      %dma_start3A_311 = tpu.memref_slice %arg2[%get3A_306, %dma_start3A_310] : memref<32000x4096xf32, #tpu.memory_space<hbm>> -> memref<1x4096xf32, #tpu.memory_space<hbm>>
      tpu.enqueue_dma source(%dma_start3A_311 : memref<1x4096xf32, #tpu.memory_space<hbm>>) target(%dma_start3A_309 : memref<1x4096xf32, #tpu.memory_space<vmem>>) target_semaphore(%arg7 : memref<!tpu.dma_semaphore, #tpu.memory_space<semaphore_mem>>)
      %get3A_312 = arith.constant 42 : index
      %get3A_313 = memref.load %arg1[%get3A_312] : memref<64xi32, #tpu.memory_space<smem>>
      %dma_start3A_314 = arith.constant 42 : i32
      %dma_start3A_315 = arith.constant 0 : i32
      %dma_start3A_316 = tpu.memref_slice %arg6[%dma_start3A_314, %dma_start3A_315] : memref<64x4096xf32, #tpu.memory_space<vmem>> -> memref<1x4096xf32, #tpu.memory_space<vmem>>
      %dma_start3A_317 = arith.constant 0 : i32
      %dma_start3A_318 = tpu.memref_slice %arg2[%get3A_313, %dma_start3A_317] : memref<32000x4096xf32, #tpu.memory_space<hbm>> -> memref<1x4096xf32, #tpu.memory_space<hbm>>
      tpu.enqueue_dma source(%dma_start3A_318 : memref<1x4096xf32, #tpu.memory_space<hbm>>) target(%dma_start3A_316 : memref<1x4096xf32, #tpu.memory_space<vmem>>) target_semaphore(%arg7 : memref<!tpu.dma_semaphore, #tpu.memory_space<semaphore_mem>>)
      %get3A_319 = arith.constant 43 : index
      %get3A_320 = memref.load %arg1[%get3A_319] : memref<64xi32, #tpu.memory_space<smem>>
      %dma_start3A_321 = arith.constant 43 : i32
      %dma_start3A_322 = arith.constant 0 : i32
      %dma_start3A_323 = tpu.memref_slice %arg6[%dma_start3A_321, %dma_start3A_322] : memref<64x4096xf32, #tpu.memory_space<vmem>> -> memref<1x4096xf32, #tpu.memory_space<vmem>>
      %dma_start3A_324 = arith.constant 0 : i32
      %dma_start3A_325 = tpu.memref_slice %arg2[%get3A_320, %dma_start3A_324] : memref<32000x4096xf32, #tpu.memory_space<hbm>> -> memref<1x4096xf32, #tpu.memory_space<hbm>>
      tpu.enqueue_dma source(%dma_start3A_325 : memref<1x4096xf32, #tpu.memory_space<hbm>>) target(%dma_start3A_323 : memref<1x4096xf32, #tpu.memory_space<vmem>>) target_semaphore(%arg7 : memref<!tpu.dma_semaphore, #tpu.memory_space<semaphore_mem>>)
      %get3A_326 = arith.constant 44 : index
      %get3A_327 = memref.load %arg1[%get3A_326] : memref<64xi32, #tpu.memory_space<smem>>
      %dma_start3A_328 = arith.constant 44 : i32
      %dma_start3A_329 = arith.constant 0 : i32
      %dma_start3A_330 = tpu.memref_slice %arg6[%dma_start3A_328, %dma_start3A_329] : memref<64x4096xf32, #tpu.memory_space<vmem>> -> memref<1x4096xf32, #tpu.memory_space<vmem>>
      %dma_start3A_331 = arith.constant 0 : i32
      %dma_start3A_332 = tpu.memref_slice %arg2[%get3A_327, %dma_start3A_331] : memref<32000x4096xf32, #tpu.memory_space<hbm>> -> memref<1x4096xf32, #tpu.memory_space<hbm>>
      tpu.enqueue_dma source(%dma_start3A_332 : memref<1x4096xf32, #tpu.memory_space<hbm>>) target(%dma_start3A_330 : memref<1x4096xf32, #tpu.memory_space<vmem>>) target_semaphore(%arg7 : memref<!tpu.dma_semaphore, #tpu.memory_space<semaphore_mem>>)
      %get3A_333 = arith.constant 45 : index
      %get3A_334 = memref.load %arg1[%get3A_333] : memref<64xi32, #tpu.memory_space<smem>>
      %dma_start3A_335 = arith.constant 45 : i32
      %dma_start3A_336 = arith.constant 0 : i32
      %dma_start3A_337 = tpu.memref_slice %arg6[%dma_start3A_335, %dma_start3A_336] : memref<64x4096xf32, #tpu.memory_space<vmem>> -> memref<1x4096xf32, #tpu.memory_space<vmem>>
      %dma_start3A_338 = arith.constant 0 : i32
      %dma_start3A_339 = tpu.memref_slice %arg2[%get3A_334, %dma_start3A_338] : memref<32000x4096xf32, #tpu.memory_space<hbm>> -> memref<1x4096xf32, #tpu.memory_space<hbm>>
      tpu.enqueue_dma source(%dma_start3A_339 : memref<1x4096xf32, #tpu.memory_space<hbm>>) target(%dma_start3A_337 : memref<1x4096xf32, #tpu.memory_space<vmem>>) target_semaphore(%arg7 : memref<!tpu.dma_semaphore, #tpu.memory_space<semaphore_mem>>)
      %get3A_340 = arith.constant 46 : index
      %get3A_341 = memref.load %arg1[%get3A_340] : memref<64xi32, #tpu.memory_space<smem>>
      %dma_start3A_342 = arith.constant 46 : i32
      %dma_start3A_343 = arith.constant 0 : i32
      %dma_start3A_344 = tpu.memref_slice %arg6[%dma_start3A_342, %dma_start3A_343] : memref<64x4096xf32, #tpu.memory_space<vmem>> -> memref<1x4096xf32, #tpu.memory_space<vmem>>
      %dma_start3A_345 = arith.constant 0 : i32
      %dma_start3A_346 = tpu.memref_slice %arg2[%get3A_341, %dma_start3A_345] : memref<32000x4096xf32, #tpu.memory_space<hbm>> -> memref<1x4096xf32, #tpu.memory_space<hbm>>
      tpu.enqueue_dma source(%dma_start3A_346 : memref<1x4096xf32, #tpu.memory_space<hbm>>) target(%dma_start3A_344 : memref<1x4096xf32, #tpu.memory_space<vmem>>) target_semaphore(%arg7 : memref<!tpu.dma_semaphore, #tpu.memory_space<semaphore_mem>>)
      %get3A_347 = arith.constant 47 : index
      %get3A_348 = memref.load %arg1[%get3A_347] : memref<64xi32, #tpu.memory_space<smem>>
      %dma_start3A_349 = arith.constant 47 : i32
      %dma_start3A_350 = arith.constant 0 : i32
      %dma_start3A_351 = tpu.memref_slice %arg6[%dma_start3A_349, %dma_start3A_350] : memref<64x4096xf32, #tpu.memory_space<vmem>> -> memref<1x4096xf32, #tpu.memory_space<vmem>>
      %dma_start3A_352 = arith.constant 0 : i32
      %dma_start3A_353 = tpu.memref_slice %arg2[%get3A_348, %dma_start3A_352] : memref<32000x4096xf32, #tpu.memory_space<hbm>> -> memref<1x4096xf32, #tpu.memory_space<hbm>>
      tpu.enqueue_dma source(%dma_start3A_353 : memref<1x4096xf32, #tpu.memory_space<hbm>>) target(%dma_start3A_351 : memref<1x4096xf32, #tpu.memory_space<vmem>>) target_semaphore(%arg7 : memref<!tpu.dma_semaphore, #tpu.memory_space<semaphore_mem>>)
      %get3A_354 = arith.constant 48 : index
      %get3A_355 = memref.load %arg1[%get3A_354] : memref<64xi32, #tpu.memory_space<smem>>
      %dma_start3A_356 = arith.constant 48 : i32
      %dma_start3A_357 = arith.constant 0 : i32
      %dma_start3A_358 = tpu.memref_slice %arg6[%dma_start3A_356, %dma_start3A_357] : memref<64x4096xf32, #tpu.memory_space<vmem>> -> memref<1x4096xf32, #tpu.memory_space<vmem>>
      %dma_start3A_359 = arith.constant 0 : i32
      %dma_start3A_360 = tpu.memref_slice %arg2[%get3A_355, %dma_start3A_359] : memref<32000x4096xf32, #tpu.memory_space<hbm>> -> memref<1x4096xf32, #tpu.memory_space<hbm>>
      tpu.enqueue_dma source(%dma_start3A_360 : memref<1x4096xf32, #tpu.memory_space<hbm>>) target(%dma_start3A_358 : memref<1x4096xf32, #tpu.memory_space<vmem>>) target_semaphore(%arg7 : memref<!tpu.dma_semaphore, #tpu.memory_space<semaphore_mem>>)
      %get3A_361 = arith.constant 49 : index
      %get3A_362 = memref.load %arg1[%get3A_361] : memref<64xi32, #tpu.memory_space<smem>>
      %dma_start3A_363 = arith.constant 49 : i32
      %dma_start3A_364 = arith.constant 0 : i32
      %dma_start3A_365 = tpu.memref_slice %arg6[%dma_start3A_363, %dma_start3A_364] : memref<64x4096xf32, #tpu.memory_space<vmem>> -> memref<1x4096xf32, #tpu.memory_space<vmem>>
      %dma_start3A_366 = arith.constant 0 : i32
      %dma_start3A_367 = tpu.memref_slice %arg2[%get3A_362, %dma_start3A_366] : memref<32000x4096xf32, #tpu.memory_space<hbm>> -> memref<1x4096xf32, #tpu.memory_space<hbm>>
      tpu.enqueue_dma source(%dma_start3A_367 : memref<1x4096xf32, #tpu.memory_space<hbm>>) target(%dma_start3A_365 : memref<1x4096xf32, #tpu.memory_space<vmem>>) target_semaphore(%arg7 : memref<!tpu.dma_semaphore, #tpu.memory_space<semaphore_mem>>)
      %get3A_368 = arith.constant 50 : index
      %get3A_369 = memref.load %arg1[%get3A_368] : memref<64xi32, #tpu.memory_space<smem>>
      %dma_start3A_370 = arith.constant 50 : i32
      %dma_start3A_371 = arith.constant 0 : i32
      %dma_start3A_372 = tpu.memref_slice %arg6[%dma_start3A_370, %dma_start3A_371] : memref<64x4096xf32, #tpu.memory_space<vmem>> -> memref<1x4096xf32, #tpu.memory_space<vmem>>
      %dma_start3A_373 = arith.constant 0 : i32
      %dma_start3A_374 = tpu.memref_slice %arg2[%get3A_369, %dma_start3A_373] : memref<32000x4096xf32, #tpu.memory_space<hbm>> -> memref<1x4096xf32, #tpu.memory_space<hbm>>
      tpu.enqueue_dma source(%dma_start3A_374 : memref<1x4096xf32, #tpu.memory_space<hbm>>) target(%dma_start3A_372 : memref<1x4096xf32, #tpu.memory_space<vmem>>) target_semaphore(%arg7 : memref<!tpu.dma_semaphore, #tpu.memory_space<semaphore_mem>>)
      %get3A_375 = arith.constant 51 : index
      %get3A_376 = memref.load %arg1[%get3A_375] : memref<64xi32, #tpu.memory_space<smem>>
      %dma_start3A_377 = arith.constant 51 : i32
      %dma_start3A_378 = arith.constant 0 : i32
      %dma_start3A_379 = tpu.memref_slice %arg6[%dma_start3A_377, %dma_start3A_378] : memref<64x4096xf32, #tpu.memory_space<vmem>> -> memref<1x4096xf32, #tpu.memory_space<vmem>>
      %dma_start3A_380 = arith.constant 0 : i32
      %dma_start3A_381 = tpu.memref_slice %arg2[%get3A_376, %dma_start3A_380] : memref<32000x4096xf32, #tpu.memory_space<hbm>> -> memref<1x4096xf32, #tpu.memory_space<hbm>>
      tpu.enqueue_dma source(%dma_start3A_381 : memref<1x4096xf32, #tpu.memory_space<hbm>>) target(%dma_start3A_379 : memref<1x4096xf32, #tpu.memory_space<vmem>>) target_semaphore(%arg7 : memref<!tpu.dma_semaphore, #tpu.memory_space<semaphore_mem>>)
      %get3A_382 = arith.constant 52 : index
      %get3A_383 = memref.load %arg1[%get3A_382] : memref<64xi32, #tpu.memory_space<smem>>
      %dma_start3A_384 = arith.constant 52 : i32
      %dma_start3A_385 = arith.constant 0 : i32
      %dma_start3A_386 = tpu.memref_slice %arg6[%dma_start3A_384, %dma_start3A_385] : memref<64x4096xf32, #tpu.memory_space<vmem>> -> memref<1x4096xf32, #tpu.memory_space<vmem>>
      %dma_start3A_387 = arith.constant 0 : i32
      %dma_start3A_388 = tpu.memref_slice %arg2[%get3A_383, %dma_start3A_387] : memref<32000x4096xf32, #tpu.memory_space<hbm>> -> memref<1x4096xf32, #tpu.memory_space<hbm>>
      tpu.enqueue_dma source(%dma_start3A_388 : memref<1x4096xf32, #tpu.memory_space<hbm>>) target(%dma_start3A_386 : memref<1x4096xf32, #tpu.memory_space<vmem>>) target_semaphore(%arg7 : memref<!tpu.dma_semaphore, #tpu.memory_space<semaphore_mem>>)
      %get3A_389 = arith.constant 53 : index
      %get3A_390 = memref.load %arg1[%get3A_389] : memref<64xi32, #tpu.memory_space<smem>>
      %dma_start3A_391 = arith.constant 53 : i32
      %dma_start3A_392 = arith.constant 0 : i32
      %dma_start3A_393 = tpu.memref_slice %arg6[%dma_start3A_391, %dma_start3A_392] : memref<64x4096xf32, #tpu.memory_space<vmem>> -> memref<1x4096xf32, #tpu.memory_space<vmem>>
      %dma_start3A_394 = arith.constant 0 : i32
      %dma_start3A_395 = tpu.memref_slice %arg2[%get3A_390, %dma_start3A_394] : memref<32000x4096xf32, #tpu.memory_space<hbm>> -> memref<1x4096xf32, #tpu.memory_space<hbm>>
      tpu.enqueue_dma source(%dma_start3A_395 : memref<1x4096xf32, #tpu.memory_space<hbm>>) target(%dma_start3A_393 : memref<1x4096xf32, #tpu.memory_space<vmem>>) target_semaphore(%arg7 : memref<!tpu.dma_semaphore, #tpu.memory_space<semaphore_mem>>)
      %get3A_396 = arith.constant 54 : index
      %get3A_397 = memref.load %arg1[%get3A_396] : memref<64xi32, #tpu.memory_space<smem>>
      %dma_start3A_398 = arith.constant 54 : i32
      %dma_start3A_399 = arith.constant 0 : i32
      %dma_start3A_400 = tpu.memref_slice %arg6[%dma_start3A_398, %dma_start3A_399] : memref<64x4096xf32, #tpu.memory_space<vmem>> -> memref<1x4096xf32, #tpu.memory_space<vmem>>
      %dma_start3A_401 = arith.constant 0 : i32
      %dma_start3A_402 = tpu.memref_slice %arg2[%get3A_397, %dma_start3A_401] : memref<32000x4096xf32, #tpu.memory_space<hbm>> -> memref<1x4096xf32, #tpu.memory_space<hbm>>
      tpu.enqueue_dma source(%dma_start3A_402 : memref<1x4096xf32, #tpu.memory_space<hbm>>) target(%dma_start3A_400 : memref<1x4096xf32, #tpu.memory_space<vmem>>) target_semaphore(%arg7 : memref<!tpu.dma_semaphore, #tpu.memory_space<semaphore_mem>>)
      %get3A_403 = arith.constant 55 : index
      %get3A_404 = memref.load %arg1[%get3A_403] : memref<64xi32, #tpu.memory_space<smem>>
      %dma_start3A_405 = arith.constant 55 : i32
      %dma_start3A_406 = arith.constant 0 : i32
      %dma_start3A_407 = tpu.memref_slice %arg6[%dma_start3A_405, %dma_start3A_406] : memref<64x4096xf32, #tpu.memory_space<vmem>> -> memref<1x4096xf32, #tpu.memory_space<vmem>>
      %dma_start3A_408 = arith.constant 0 : i32
      %dma_start3A_409 = tpu.memref_slice %arg2[%get3A_404, %dma_start3A_408] : memref<32000x4096xf32, #tpu.memory_space<hbm>> -> memref<1x4096xf32, #tpu.memory_space<hbm>>
      tpu.enqueue_dma source(%dma_start3A_409 : memref<1x4096xf32, #tpu.memory_space<hbm>>) target(%dma_start3A_407 : memref<1x4096xf32, #tpu.memory_space<vmem>>) target_semaphore(%arg7 : memref<!tpu.dma_semaphore, #tpu.memory_space<semaphore_mem>>)
      %get3A_410 = arith.constant 56 : index
      %get3A_411 = memref.load %arg1[%get3A_410] : memref<64xi32, #tpu.memory_space<smem>>
      %dma_start3A_412 = arith.constant 56 : i32
      %dma_start3A_413 = arith.constant 0 : i32
      %dma_start3A_414 = tpu.memref_slice %arg6[%dma_start3A_412, %dma_start3A_413] : memref<64x4096xf32, #tpu.memory_space<vmem>> -> memref<1x4096xf32, #tpu.memory_space<vmem>>
      %dma_start3A_415 = arith.constant 0 : i32
      %dma_start3A_416 = tpu.memref_slice %arg2[%get3A_411, %dma_start3A_415] : memref<32000x4096xf32, #tpu.memory_space<hbm>> -> memref<1x4096xf32, #tpu.memory_space<hbm>>
      tpu.enqueue_dma source(%dma_start3A_416 : memref<1x4096xf32, #tpu.memory_space<hbm>>) target(%dma_start3A_414 : memref<1x4096xf32, #tpu.memory_space<vmem>>) target_semaphore(%arg7 : memref<!tpu.dma_semaphore, #tpu.memory_space<semaphore_mem>>)
      %get3A_417 = arith.constant 57 : index
      %get3A_418 = memref.load %arg1[%get3A_417] : memref<64xi32, #tpu.memory_space<smem>>
      %dma_start3A_419 = arith.constant 57 : i32
      %dma_start3A_420 = arith.constant 0 : i32
      %dma_start3A_421 = tpu.memref_slice %arg6[%dma_start3A_419, %dma_start3A_420] : memref<64x4096xf32, #tpu.memory_space<vmem>> -> memref<1x4096xf32, #tpu.memory_space<vmem>>
      %dma_start3A_422 = arith.constant 0 : i32
      %dma_start3A_423 = tpu.memref_slice %arg2[%get3A_418, %dma_start3A_422] : memref<32000x4096xf32, #tpu.memory_space<hbm>> -> memref<1x4096xf32, #tpu.memory_space<hbm>>
      tpu.enqueue_dma source(%dma_start3A_423 : memref<1x4096xf32, #tpu.memory_space<hbm>>) target(%dma_start3A_421 : memref<1x4096xf32, #tpu.memory_space<vmem>>) target_semaphore(%arg7 : memref<!tpu.dma_semaphore, #tpu.memory_space<semaphore_mem>>)
      %get3A_424 = arith.constant 58 : index
      %get3A_425 = memref.load %arg1[%get3A_424] : memref<64xi32, #tpu.memory_space<smem>>
      %dma_start3A_426 = arith.constant 58 : i32
      %dma_start3A_427 = arith.constant 0 : i32
      %dma_start3A_428 = tpu.memref_slice %arg6[%dma_start3A_426, %dma_start3A_427] : memref<64x4096xf32, #tpu.memory_space<vmem>> -> memref<1x4096xf32, #tpu.memory_space<vmem>>
      %dma_start3A_429 = arith.constant 0 : i32
      %dma_start3A_430 = tpu.memref_slice %arg2[%get3A_425, %dma_start3A_429] : memref<32000x4096xf32, #tpu.memory_space<hbm>> -> memref<1x4096xf32, #tpu.memory_space<hbm>>
      tpu.enqueue_dma source(%dma_start3A_430 : memref<1x4096xf32, #tpu.memory_space<hbm>>) target(%dma_start3A_428 : memref<1x4096xf32, #tpu.memory_space<vmem>>) target_semaphore(%arg7 : memref<!tpu.dma_semaphore, #tpu.memory_space<semaphore_mem>>)
      %get3A_431 = arith.constant 59 : index
      %get3A_432 = memref.load %arg1[%get3A_431] : memref<64xi32, #tpu.memory_space<smem>>
      %dma_start3A_433 = arith.constant 59 : i32
      %dma_start3A_434 = arith.constant 0 : i32
      %dma_start3A_435 = tpu.memref_slice %arg6[%dma_start3A_433, %dma_start3A_434] : memref<64x4096xf32, #tpu.memory_space<vmem>> -> memref<1x4096xf32, #tpu.memory_space<vmem>>
      %dma_start3A_436 = arith.constant 0 : i32
      %dma_start3A_437 = tpu.memref_slice %arg2[%get3A_432, %dma_start3A_436] : memref<32000x4096xf32, #tpu.memory_space<hbm>> -> memref<1x4096xf32, #tpu.memory_space<hbm>>
      tpu.enqueue_dma source(%dma_start3A_437 : memref<1x4096xf32, #tpu.memory_space<hbm>>) target(%dma_start3A_435 : memref<1x4096xf32, #tpu.memory_space<vmem>>) target_semaphore(%arg7 : memref<!tpu.dma_semaphore, #tpu.memory_space<semaphore_mem>>)
      %get3A_438 = arith.constant 60 : index
      %get3A_439 = memref.load %arg1[%get3A_438] : memref<64xi32, #tpu.memory_space<smem>>
      %dma_start3A_440 = arith.constant 60 : i32
      %dma_start3A_441 = arith.constant 0 : i32
      %dma_start3A_442 = tpu.memref_slice %arg6[%dma_start3A_440, %dma_start3A_441] : memref<64x4096xf32, #tpu.memory_space<vmem>> -> memref<1x4096xf32, #tpu.memory_space<vmem>>
      %dma_start3A_443 = arith.constant 0 : i32
      %dma_start3A_444 = tpu.memref_slice %arg2[%get3A_439, %dma_start3A_443] : memref<32000x4096xf32, #tpu.memory_space<hbm>> -> memref<1x4096xf32, #tpu.memory_space<hbm>>
      tpu.enqueue_dma source(%dma_start3A_444 : memref<1x4096xf32, #tpu.memory_space<hbm>>) target(%dma_start3A_442 : memref<1x4096xf32, #tpu.memory_space<vmem>>) target_semaphore(%arg7 : memref<!tpu.dma_semaphore, #tpu.memory_space<semaphore_mem>>)
      %get3A_445 = arith.constant 61 : index
      %get3A_446 = memref.load %arg1[%get3A_445] : memref<64xi32, #tpu.memory_space<smem>>
      %dma_start3A_447 = arith.constant 61 : i32
      %dma_start3A_448 = arith.constant 0 : i32
      %dma_start3A_449 = tpu.memref_slice %arg6[%dma_start3A_447, %dma_start3A_448] : memref<64x4096xf32, #tpu.memory_space<vmem>> -> memref<1x4096xf32, #tpu.memory_space<vmem>>
      %dma_start3A_450 = arith.constant 0 : i32
      %dma_start3A_451 = tpu.memref_slice %arg2[%get3A_446, %dma_start3A_450] : memref<32000x4096xf32, #tpu.memory_space<hbm>> -> memref<1x4096xf32, #tpu.memory_space<hbm>>
      tpu.enqueue_dma source(%dma_start3A_451 : memref<1x4096xf32, #tpu.memory_space<hbm>>) target(%dma_start3A_449 : memref<1x4096xf32, #tpu.memory_space<vmem>>) target_semaphore(%arg7 : memref<!tpu.dma_semaphore, #tpu.memory_space<semaphore_mem>>)
      %get3A_452 = arith.constant 62 : index
      %get3A_453 = memref.load %arg1[%get3A_452] : memref<64xi32, #tpu.memory_space<smem>>
      %dma_start3A_454 = arith.constant 62 : i32
      %dma_start3A_455 = arith.constant 0 : i32
      %dma_start3A_456 = tpu.memref_slice %arg6[%dma_start3A_454, %dma_start3A_455] : memref<64x4096xf32, #tpu.memory_space<vmem>> -> memref<1x4096xf32, #tpu.memory_space<vmem>>
      %dma_start3A_457 = arith.constant 0 : i32
      %dma_start3A_458 = tpu.memref_slice %arg2[%get3A_453, %dma_start3A_457] : memref<32000x4096xf32, #tpu.memory_space<hbm>> -> memref<1x4096xf32, #tpu.memory_space<hbm>>
      tpu.enqueue_dma source(%dma_start3A_458 : memref<1x4096xf32, #tpu.memory_space<hbm>>) target(%dma_start3A_456 : memref<1x4096xf32, #tpu.memory_space<vmem>>) target_semaphore(%arg7 : memref<!tpu.dma_semaphore, #tpu.memory_space<semaphore_mem>>)
      %get3A_459 = arith.constant 63 : index
      %get3A_460 = memref.load %arg1[%get3A_459] : memref<64xi32, #tpu.memory_space<smem>>
      %dma_start3A_461 = arith.constant 63 : i32
      %dma_start3A_462 = arith.constant 0 : i32
      %dma_start3A_463 = tpu.memref_slice %arg6[%dma_start3A_461, %dma_start3A_462] : memref<64x4096xf32, #tpu.memory_space<vmem>> -> memref<1x4096xf32, #tpu.memory_space<vmem>>
      %dma_start3A_464 = arith.constant 0 : i32
      %dma_start3A_465 = tpu.memref_slice %arg2[%get3A_460, %dma_start3A_464] : memref<32000x4096xf32, #tpu.memory_space<hbm>> -> memref<1x4096xf32, #tpu.memory_space<hbm>>
      tpu.enqueue_dma source(%dma_start3A_465 : memref<1x4096xf32, #tpu.memory_space<hbm>>) target(%dma_start3A_463 : memref<1x4096xf32, #tpu.memory_space<vmem>>) target_semaphore(%arg7 : memref<!tpu.dma_semaphore, #tpu.memory_space<semaphore_mem>>)
      %get3A_466 = arith.constant 0 : index
      %get3A_467 = memref.load %arg1[%get3A_466] : memref<64xi32, #tpu.memory_space<smem>>
      %dma_wait3A = arith.constant 0 : i32
      %dma_wait3A_468 = arith.constant 0 : i32
      %dma_wait3A_469 = tpu.memref_slice %arg6[%dma_wait3A, %dma_wait3A_468] : memref<64x4096xf32, #tpu.memory_space<vmem>> -> memref<1x4096xf32, #tpu.memory_space<vmem>>
      %dma_wait3A_470 = arith.constant 0 : i32
      %dma_wait3A_471 = tpu.memref_slice %arg2[%get3A_467, %dma_wait3A_470] : memref<32000x4096xf32, #tpu.memory_space<hbm>> -> memref<1x4096xf32, #tpu.memory_space<hbm>>
      tpu.wait_dma2 semaphore(%arg7 : memref<!tpu.dma_semaphore, #tpu.memory_space<semaphore_mem>>) src(%dma_wait3A_471 : memref<1x4096xf32, #tpu.memory_space<hbm>>) dst(%dma_wait3A_469 : memref<1x4096xf32, #tpu.memory_space<vmem>>)
      %get3A_472 = arith.constant 1 : index
      %get3A_473 = memref.load %arg1[%get3A_472] : memref<64xi32, #tpu.memory_space<smem>>
      %dma_wait3A_474 = arith.constant 1 : i32
      %dma_wait3A_475 = arith.constant 0 : i32
      %dma_wait3A_476 = tpu.memref_slice %arg6[%dma_wait3A_474, %dma_wait3A_475] : memref<64x4096xf32, #tpu.memory_space<vmem>> -> memref<1x4096xf32, #tpu.memory_space<vmem>>
      %dma_wait3A_477 = arith.constant 0 : i32
      %dma_wait3A_478 = tpu.memref_slice %arg2[%get3A_473, %dma_wait3A_477] : memref<32000x4096xf32, #tpu.memory_space<hbm>> -> memref<1x4096xf32, #tpu.memory_space<hbm>>
      tpu.wait_dma2 semaphore(%arg7 : memref<!tpu.dma_semaphore, #tpu.memory_space<semaphore_mem>>) src(%dma_wait3A_478 : memref<1x4096xf32, #tpu.memory_space<hbm>>) dst(%dma_wait3A_476 : memref<1x4096xf32, #tpu.memory_space<vmem>>)
      %get3A_479 = arith.constant 2 : index
      %get3A_480 = memref.load %arg1[%get3A_479] : memref<64xi32, #tpu.memory_space<smem>>
      %dma_wait3A_481 = arith.constant 2 : i32
      %dma_wait3A_482 = arith.constant 0 : i32
      %dma_wait3A_483 = tpu.memref_slice %arg6[%dma_wait3A_481, %dma_wait3A_482] : memref<64x4096xf32, #tpu.memory_space<vmem>> -> memref<1x4096xf32, #tpu.memory_space<vmem>>
      %dma_wait3A_484 = arith.constant 0 : i32
      %dma_wait3A_485 = tpu.memref_slice %arg2[%get3A_480, %dma_wait3A_484] : memref<32000x4096xf32, #tpu.memory_space<hbm>> -> memref<1x4096xf32, #tpu.memory_space<hbm>>
      tpu.wait_dma2 semaphore(%arg7 : memref<!tpu.dma_semaphore, #tpu.memory_space<semaphore_mem>>) src(%dma_wait3A_485 : memref<1x4096xf32, #tpu.memory_space<hbm>>) dst(%dma_wait3A_483 : memref<1x4096xf32, #tpu.memory_space<vmem>>)
      %get3A_486 = arith.constant 3 : index
      %get3A_487 = memref.load %arg1[%get3A_486] : memref<64xi32, #tpu.memory_space<smem>>
      %dma_wait3A_488 = arith.constant 3 : i32
      %dma_wait3A_489 = arith.constant 0 : i32
      %dma_wait3A_490 = tpu.memref_slice %arg6[%dma_wait3A_488, %dma_wait3A_489] : memref<64x4096xf32, #tpu.memory_space<vmem>> -> memref<1x4096xf32, #tpu.memory_space<vmem>>
      %dma_wait3A_491 = arith.constant 0 : i32
      %dma_wait3A_492 = tpu.memref_slice %arg2[%get3A_487, %dma_wait3A_491] : memref<32000x4096xf32, #tpu.memory_space<hbm>> -> memref<1x4096xf32, #tpu.memory_space<hbm>>
      tpu.wait_dma2 semaphore(%arg7 : memref<!tpu.dma_semaphore, #tpu.memory_space<semaphore_mem>>) src(%dma_wait3A_492 : memref<1x4096xf32, #tpu.memory_space<hbm>>) dst(%dma_wait3A_490 : memref<1x4096xf32, #tpu.memory_space<vmem>>)
      %get3A_493 = arith.constant 4 : index
      %get3A_494 = memref.load %arg1[%get3A_493] : memref<64xi32, #tpu.memory_space<smem>>
      %dma_wait3A_495 = arith.constant 4 : i32
      %dma_wait3A_496 = arith.constant 0 : i32
      %dma_wait3A_497 = tpu.memref_slice %arg6[%dma_wait3A_495, %dma_wait3A_496] : memref<64x4096xf32, #tpu.memory_space<vmem>> -> memref<1x4096xf32, #tpu.memory_space<vmem>>
      %dma_wait3A_498 = arith.constant 0 : i32
      %dma_wait3A_499 = tpu.memref_slice %arg2[%get3A_494, %dma_wait3A_498] : memref<32000x4096xf32, #tpu.memory_space<hbm>> -> memref<1x4096xf32, #tpu.memory_space<hbm>>
      tpu.wait_dma2 semaphore(%arg7 : memref<!tpu.dma_semaphore, #tpu.memory_space<semaphore_mem>>) src(%dma_wait3A_499 : memref<1x4096xf32, #tpu.memory_space<hbm>>) dst(%dma_wait3A_497 : memref<1x4096xf32, #tpu.memory_space<vmem>>)
      %get3A_500 = arith.constant 5 : index
      %get3A_501 = memref.load %arg1[%get3A_500] : memref<64xi32, #tpu.memory_space<smem>>
      %dma_wait3A_502 = arith.constant 5 : i32
      %dma_wait3A_503 = arith.constant 0 : i32
      %dma_wait3A_504 = tpu.memref_slice %arg6[%dma_wait3A_502, %dma_wait3A_503] : memref<64x4096xf32, #tpu.memory_space<vmem>> -> memref<1x4096xf32, #tpu.memory_space<vmem>>
      %dma_wait3A_505 = arith.constant 0 : i32
      %dma_wait3A_506 = tpu.memref_slice %arg2[%get3A_501, %dma_wait3A_505] : memref<32000x4096xf32, #tpu.memory_space<hbm>> -> memref<1x4096xf32, #tpu.memory_space<hbm>>
      tpu.wait_dma2 semaphore(%arg7 : memref<!tpu.dma_semaphore, #tpu.memory_space<semaphore_mem>>) src(%dma_wait3A_506 : memref<1x4096xf32, #tpu.memory_space<hbm>>) dst(%dma_wait3A_504 : memref<1x4096xf32, #tpu.memory_space<vmem>>)
      %get3A_507 = arith.constant 6 : index
      %get3A_508 = memref.load %arg1[%get3A_507] : memref<64xi32, #tpu.memory_space<smem>>
      %dma_wait3A_509 = arith.constant 6 : i32
      %dma_wait3A_510 = arith.constant 0 : i32
      %dma_wait3A_511 = tpu.memref_slice %arg6[%dma_wait3A_509, %dma_wait3A_510] : memref<64x4096xf32, #tpu.memory_space<vmem>> -> memref<1x4096xf32, #tpu.memory_space<vmem>>
      %dma_wait3A_512 = arith.constant 0 : i32
      %dma_wait3A_513 = tpu.memref_slice %arg2[%get3A_508, %dma_wait3A_512] : memref<32000x4096xf32, #tpu.memory_space<hbm>> -> memref<1x4096xf32, #tpu.memory_space<hbm>>
      tpu.wait_dma2 semaphore(%arg7 : memref<!tpu.dma_semaphore, #tpu.memory_space<semaphore_mem>>) src(%dma_wait3A_513 : memref<1x4096xf32, #tpu.memory_space<hbm>>) dst(%dma_wait3A_511 : memref<1x4096xf32, #tpu.memory_space<vmem>>)
      %get3A_514 = arith.constant 7 : index
      %get3A_515 = memref.load %arg1[%get3A_514] : memref<64xi32, #tpu.memory_space<smem>>
      %dma_wait3A_516 = arith.constant 7 : i32
      %dma_wait3A_517 = arith.constant 0 : i32
      %dma_wait3A_518 = tpu.memref_slice %arg6[%dma_wait3A_516, %dma_wait3A_517] : memref<64x4096xf32, #tpu.memory_space<vmem>> -> memref<1x4096xf32, #tpu.memory_space<vmem>>
      %dma_wait3A_519 = arith.constant 0 : i32
      %dma_wait3A_520 = tpu.memref_slice %arg2[%get3A_515, %dma_wait3A_519] : memref<32000x4096xf32, #tpu.memory_space<hbm>> -> memref<1x4096xf32, #tpu.memory_space<hbm>>
      tpu.wait_dma2 semaphore(%arg7 : memref<!tpu.dma_semaphore, #tpu.memory_space<semaphore_mem>>) src(%dma_wait3A_520 : memref<1x4096xf32, #tpu.memory_space<hbm>>) dst(%dma_wait3A_518 : memref<1x4096xf32, #tpu.memory_space<vmem>>)
      %get3A_521 = arith.constant 8 : index
      %get3A_522 = memref.load %arg1[%get3A_521] : memref<64xi32, #tpu.memory_space<smem>>
      %dma_wait3A_523 = arith.constant 8 : i32
      %dma_wait3A_524 = arith.constant 0 : i32
      %dma_wait3A_525 = tpu.memref_slice %arg6[%dma_wait3A_523, %dma_wait3A_524] : memref<64x4096xf32, #tpu.memory_space<vmem>> -> memref<1x4096xf32, #tpu.memory_space<vmem>>
      %dma_wait3A_526 = arith.constant 0 : i32
      %dma_wait3A_527 = tpu.memref_slice %arg2[%get3A_522, %dma_wait3A_526] : memref<32000x4096xf32, #tpu.memory_space<hbm>> -> memref<1x4096xf32, #tpu.memory_space<hbm>>
      tpu.wait_dma2 semaphore(%arg7 : memref<!tpu.dma_semaphore, #tpu.memory_space<semaphore_mem>>) src(%dma_wait3A_527 : memref<1x4096xf32, #tpu.memory_space<hbm>>) dst(%dma_wait3A_525 : memref<1x4096xf32, #tpu.memory_space<vmem>>)
      %get3A_528 = arith.constant 9 : index
      %get3A_529 = memref.load %arg1[%get3A_528] : memref<64xi32, #tpu.memory_space<smem>>
      %dma_wait3A_530 = arith.constant 9 : i32
      %dma_wait3A_531 = arith.constant 0 : i32
      %dma_wait3A_532 = tpu.memref_slice %arg6[%dma_wait3A_530, %dma_wait3A_531] : memref<64x4096xf32, #tpu.memory_space<vmem>> -> memref<1x4096xf32, #tpu.memory_space<vmem>>
      %dma_wait3A_533 = arith.constant 0 : i32
      %dma_wait3A_534 = tpu.memref_slice %arg2[%get3A_529, %dma_wait3A_533] : memref<32000x4096xf32, #tpu.memory_space<hbm>> -> memref<1x4096xf32, #tpu.memory_space<hbm>>
      tpu.wait_dma2 semaphore(%arg7 : memref<!tpu.dma_semaphore, #tpu.memory_space<semaphore_mem>>) src(%dma_wait3A_534 : memref<1x4096xf32, #tpu.memory_space<hbm>>) dst(%dma_wait3A_532 : memref<1x4096xf32, #tpu.memory_space<vmem>>)
      %get3A_535 = arith.constant 10 : index
      %get3A_536 = memref.load %arg1[%get3A_535] : memref<64xi32, #tpu.memory_space<smem>>
      %dma_wait3A_537 = arith.constant 10 : i32
      %dma_wait3A_538 = arith.constant 0 : i32
      %dma_wait3A_539 = tpu.memref_slice %arg6[%dma_wait3A_537, %dma_wait3A_538] : memref<64x4096xf32, #tpu.memory_space<vmem>> -> memref<1x4096xf32, #tpu.memory_space<vmem>>
      %dma_wait3A_540 = arith.constant 0 : i32
      %dma_wait3A_541 = tpu.memref_slice %arg2[%get3A_536, %dma_wait3A_540] : memref<32000x4096xf32, #tpu.memory_space<hbm>> -> memref<1x4096xf32, #tpu.memory_space<hbm>>
      tpu.wait_dma2 semaphore(%arg7 : memref<!tpu.dma_semaphore, #tpu.memory_space<semaphore_mem>>) src(%dma_wait3A_541 : memref<1x4096xf32, #tpu.memory_space<hbm>>) dst(%dma_wait3A_539 : memref<1x4096xf32, #tpu.memory_space<vmem>>)
      %get3A_542 = arith.constant 11 : index
      %get3A_543 = memref.load %arg1[%get3A_542] : memref<64xi32, #tpu.memory_space<smem>>
      %dma_wait3A_544 = arith.constant 11 : i32
      %dma_wait3A_545 = arith.constant 0 : i32
      %dma_wait3A_546 = tpu.memref_slice %arg6[%dma_wait3A_544, %dma_wait3A_545] : memref<64x4096xf32, #tpu.memory_space<vmem>> -> memref<1x4096xf32, #tpu.memory_space<vmem>>
      %dma_wait3A_547 = arith.constant 0 : i32
      %dma_wait3A_548 = tpu.memref_slice %arg2[%get3A_543, %dma_wait3A_547] : memref<32000x4096xf32, #tpu.memory_space<hbm>> -> memref<1x4096xf32, #tpu.memory_space<hbm>>
      tpu.wait_dma2 semaphore(%arg7 : memref<!tpu.dma_semaphore, #tpu.memory_space<semaphore_mem>>) src(%dma_wait3A_548 : memref<1x4096xf32, #tpu.memory_space<hbm>>) dst(%dma_wait3A_546 : memref<1x4096xf32, #tpu.memory_space<vmem>>)
      %get3A_549 = arith.constant 12 : index
      %get3A_550 = memref.load %arg1[%get3A_549] : memref<64xi32, #tpu.memory_space<smem>>
      %dma_wait3A_551 = arith.constant 12 : i32
      %dma_wait3A_552 = arith.constant 0 : i32
      %dma_wait3A_553 = tpu.memref_slice %arg6[%dma_wait3A_551, %dma_wait3A_552] : memref<64x4096xf32, #tpu.memory_space<vmem>> -> memref<1x4096xf32, #tpu.memory_space<vmem>>
      %dma_wait3A_554 = arith.constant 0 : i32
      %dma_wait3A_555 = tpu.memref_slice %arg2[%get3A_550, %dma_wait3A_554] : memref<32000x4096xf32, #tpu.memory_space<hbm>> -> memref<1x4096xf32, #tpu.memory_space<hbm>>
      tpu.wait_dma2 semaphore(%arg7 : memref<!tpu.dma_semaphore, #tpu.memory_space<semaphore_mem>>) src(%dma_wait3A_555 : memref<1x4096xf32, #tpu.memory_space<hbm>>) dst(%dma_wait3A_553 : memref<1x4096xf32, #tpu.memory_space<vmem>>)
      %get3A_556 = arith.constant 13 : index
      %get3A_557 = memref.load %arg1[%get3A_556] : memref<64xi32, #tpu.memory_space<smem>>
      %dma_wait3A_558 = arith.constant 13 : i32
      %dma_wait3A_559 = arith.constant 0 : i32
      %dma_wait3A_560 = tpu.memref_slice %arg6[%dma_wait3A_558, %dma_wait3A_559] : memref<64x4096xf32, #tpu.memory_space<vmem>> -> memref<1x4096xf32, #tpu.memory_space<vmem>>
      %dma_wait3A_561 = arith.constant 0 : i32
      %dma_wait3A_562 = tpu.memref_slice %arg2[%get3A_557, %dma_wait3A_561] : memref<32000x4096xf32, #tpu.memory_space<hbm>> -> memref<1x4096xf32, #tpu.memory_space<hbm>>
      tpu.wait_dma2 semaphore(%arg7 : memref<!tpu.dma_semaphore, #tpu.memory_space<semaphore_mem>>) src(%dma_wait3A_562 : memref<1x4096xf32, #tpu.memory_space<hbm>>) dst(%dma_wait3A_560 : memref<1x4096xf32, #tpu.memory_space<vmem>>)
      %get3A_563 = arith.constant 14 : index
      %get3A_564 = memref.load %arg1[%get3A_563] : memref<64xi32, #tpu.memory_space<smem>>
      %dma_wait3A_565 = arith.constant 14 : i32
      %dma_wait3A_566 = arith.constant 0 : i32
      %dma_wait3A_567 = tpu.memref_slice %arg6[%dma_wait3A_565, %dma_wait3A_566] : memref<64x4096xf32, #tpu.memory_space<vmem>> -> memref<1x4096xf32, #tpu.memory_space<vmem>>
      %dma_wait3A_568 = arith.constant 0 : i32
      %dma_wait3A_569 = tpu.memref_slice %arg2[%get3A_564, %dma_wait3A_568] : memref<32000x4096xf32, #tpu.memory_space<hbm>> -> memref<1x4096xf32, #tpu.memory_space<hbm>>
      tpu.wait_dma2 semaphore(%arg7 : memref<!tpu.dma_semaphore, #tpu.memory_space<semaphore_mem>>) src(%dma_wait3A_569 : memref<1x4096xf32, #tpu.memory_space<hbm>>) dst(%dma_wait3A_567 : memref<1x4096xf32, #tpu.memory_space<vmem>>)
      %get3A_570 = arith.constant 15 : index
      %get3A_571 = memref.load %arg1[%get3A_570] : memref<64xi32, #tpu.memory_space<smem>>
      %dma_wait3A_572 = arith.constant 15 : i32
      %dma_wait3A_573 = arith.constant 0 : i32
      %dma_wait3A_574 = tpu.memref_slice %arg6[%dma_wait3A_572, %dma_wait3A_573] : memref<64x4096xf32, #tpu.memory_space<vmem>> -> memref<1x4096xf32, #tpu.memory_space<vmem>>
      %dma_wait3A_575 = arith.constant 0 : i32
      %dma_wait3A_576 = tpu.memref_slice %arg2[%get3A_571, %dma_wait3A_575] : memref<32000x4096xf32, #tpu.memory_space<hbm>> -> memref<1x4096xf32, #tpu.memory_space<hbm>>
      tpu.wait_dma2 semaphore(%arg7 : memref<!tpu.dma_semaphore, #tpu.memory_space<semaphore_mem>>) src(%dma_wait3A_576 : memref<1x4096xf32, #tpu.memory_space<hbm>>) dst(%dma_wait3A_574 : memref<1x4096xf32, #tpu.memory_space<vmem>>)
      %get3A_577 = arith.constant 16 : index
      %get3A_578 = memref.load %arg1[%get3A_577] : memref<64xi32, #tpu.memory_space<smem>>
      %dma_wait3A_579 = arith.constant 16 : i32
      %dma_wait3A_580 = arith.constant 0 : i32
      %dma_wait3A_581 = tpu.memref_slice %arg6[%dma_wait3A_579, %dma_wait3A_580] : memref<64x4096xf32, #tpu.memory_space<vmem>> -> memref<1x4096xf32, #tpu.memory_space<vmem>>
      %dma_wait3A_582 = arith.constant 0 : i32
      %dma_wait3A_583 = tpu.memref_slice %arg2[%get3A_578, %dma_wait3A_582] : memref<32000x4096xf32, #tpu.memory_space<hbm>> -> memref<1x4096xf32, #tpu.memory_space<hbm>>
      tpu.wait_dma2 semaphore(%arg7 : memref<!tpu.dma_semaphore, #tpu.memory_space<semaphore_mem>>) src(%dma_wait3A_583 : memref<1x4096xf32, #tpu.memory_space<hbm>>) dst(%dma_wait3A_581 : memref<1x4096xf32, #tpu.memory_space<vmem>>)
      %get3A_584 = arith.constant 17 : index
      %get3A_585 = memref.load %arg1[%get3A_584] : memref<64xi32, #tpu.memory_space<smem>>
      %dma_wait3A_586 = arith.constant 17 : i32
      %dma_wait3A_587 = arith.constant 0 : i32
      %dma_wait3A_588 = tpu.memref_slice %arg6[%dma_wait3A_586, %dma_wait3A_587] : memref<64x4096xf32, #tpu.memory_space<vmem>> -> memref<1x4096xf32, #tpu.memory_space<vmem>>
      %dma_wait3A_589 = arith.constant 0 : i32
      %dma_wait3A_590 = tpu.memref_slice %arg2[%get3A_585, %dma_wait3A_589] : memref<32000x4096xf32, #tpu.memory_space<hbm>> -> memref<1x4096xf32, #tpu.memory_space<hbm>>
      tpu.wait_dma2 semaphore(%arg7 : memref<!tpu.dma_semaphore, #tpu.memory_space<semaphore_mem>>) src(%dma_wait3A_590 : memref<1x4096xf32, #tpu.memory_space<hbm>>) dst(%dma_wait3A_588 : memref<1x4096xf32, #tpu.memory_space<vmem>>)
      %get3A_591 = arith.constant 18 : index
      %get3A_592 = memref.load %arg1[%get3A_591] : memref<64xi32, #tpu.memory_space<smem>>
      %dma_wait3A_593 = arith.constant 18 : i32
      %dma_wait3A_594 = arith.constant 0 : i32
      %dma_wait3A_595 = tpu.memref_slice %arg6[%dma_wait3A_593, %dma_wait3A_594] : memref<64x4096xf32, #tpu.memory_space<vmem>> -> memref<1x4096xf32, #tpu.memory_space<vmem>>
      %dma_wait3A_596 = arith.constant 0 : i32
      %dma_wait3A_597 = tpu.memref_slice %arg2[%get3A_592, %dma_wait3A_596] : memref<32000x4096xf32, #tpu.memory_space<hbm>> -> memref<1x4096xf32, #tpu.memory_space<hbm>>
      tpu.wait_dma2 semaphore(%arg7 : memref<!tpu.dma_semaphore, #tpu.memory_space<semaphore_mem>>) src(%dma_wait3A_597 : memref<1x4096xf32, #tpu.memory_space<hbm>>) dst(%dma_wait3A_595 : memref<1x4096xf32, #tpu.memory_space<vmem>>)
      %get3A_598 = arith.constant 19 : index
      %get3A_599 = memref.load %arg1[%get3A_598] : memref<64xi32, #tpu.memory_space<smem>>
      %dma_wait3A_600 = arith.constant 19 : i32
      %dma_wait3A_601 = arith.constant 0 : i32
      %dma_wait3A_602 = tpu.memref_slice %arg6[%dma_wait3A_600, %dma_wait3A_601] : memref<64x4096xf32, #tpu.memory_space<vmem>> -> memref<1x4096xf32, #tpu.memory_space<vmem>>
      %dma_wait3A_603 = arith.constant 0 : i32
      %dma_wait3A_604 = tpu.memref_slice %arg2[%get3A_599, %dma_wait3A_603] : memref<32000x4096xf32, #tpu.memory_space<hbm>> -> memref<1x4096xf32, #tpu.memory_space<hbm>>
      tpu.wait_dma2 semaphore(%arg7 : memref<!tpu.dma_semaphore, #tpu.memory_space<semaphore_mem>>) src(%dma_wait3A_604 : memref<1x4096xf32, #tpu.memory_space<hbm>>) dst(%dma_wait3A_602 : memref<1x4096xf32, #tpu.memory_space<vmem>>)
      %get3A_605 = arith.constant 20 : index
      %get3A_606 = memref.load %arg1[%get3A_605] : memref<64xi32, #tpu.memory_space<smem>>
      %dma_wait3A_607 = arith.constant 20 : i32
      %dma_wait3A_608 = arith.constant 0 : i32
      %dma_wait3A_609 = tpu.memref_slice %arg6[%dma_wait3A_607, %dma_wait3A_608] : memref<64x4096xf32, #tpu.memory_space<vmem>> -> memref<1x4096xf32, #tpu.memory_space<vmem>>
      %dma_wait3A_610 = arith.constant 0 : i32
      %dma_wait3A_611 = tpu.memref_slice %arg2[%get3A_606, %dma_wait3A_610] : memref<32000x4096xf32, #tpu.memory_space<hbm>> -> memref<1x4096xf32, #tpu.memory_space<hbm>>
      tpu.wait_dma2 semaphore(%arg7 : memref<!tpu.dma_semaphore, #tpu.memory_space<semaphore_mem>>) src(%dma_wait3A_611 : memref<1x4096xf32, #tpu.memory_space<hbm>>) dst(%dma_wait3A_609 : memref<1x4096xf32, #tpu.memory_space<vmem>>)
      %get3A_612 = arith.constant 21 : index
      %get3A_613 = memref.load %arg1[%get3A_612] : memref<64xi32, #tpu.memory_space<smem>>
      %dma_wait3A_614 = arith.constant 21 : i32
      %dma_wait3A_615 = arith.constant 0 : i32
      %dma_wait3A_616 = tpu.memref_slice %arg6[%dma_wait3A_614, %dma_wait3A_615] : memref<64x4096xf32, #tpu.memory_space<vmem>> -> memref<1x4096xf32, #tpu.memory_space<vmem>>
      %dma_wait3A_617 = arith.constant 0 : i32
      %dma_wait3A_618 = tpu.memref_slice %arg2[%get3A_613, %dma_wait3A_617] : memref<32000x4096xf32, #tpu.memory_space<hbm>> -> memref<1x4096xf32, #tpu.memory_space<hbm>>
      tpu.wait_dma2 semaphore(%arg7 : memref<!tpu.dma_semaphore, #tpu.memory_space<semaphore_mem>>) src(%dma_wait3A_618 : memref<1x4096xf32, #tpu.memory_space<hbm>>) dst(%dma_wait3A_616 : memref<1x4096xf32, #tpu.memory_space<vmem>>)
      %get3A_619 = arith.constant 22 : index
      %get3A_620 = memref.load %arg1[%get3A_619] : memref<64xi32, #tpu.memory_space<smem>>
      %dma_wait3A_621 = arith.constant 22 : i32
      %dma_wait3A_622 = arith.constant 0 : i32
      %dma_wait3A_623 = tpu.memref_slice %arg6[%dma_wait3A_621, %dma_wait3A_622] : memref<64x4096xf32, #tpu.memory_space<vmem>> -> memref<1x4096xf32, #tpu.memory_space<vmem>>
      %dma_wait3A_624 = arith.constant 0 : i32
      %dma_wait3A_625 = tpu.memref_slice %arg2[%get3A_620, %dma_wait3A_624] : memref<32000x4096xf32, #tpu.memory_space<hbm>> -> memref<1x4096xf32, #tpu.memory_space<hbm>>
      tpu.wait_dma2 semaphore(%arg7 : memref<!tpu.dma_semaphore, #tpu.memory_space<semaphore_mem>>) src(%dma_wait3A_625 : memref<1x4096xf32, #tpu.memory_space<hbm>>) dst(%dma_wait3A_623 : memref<1x4096xf32, #tpu.memory_space<vmem>>)
      %get3A_626 = arith.constant 23 : index
      %get3A_627 = memref.load %arg1[%get3A_626] : memref<64xi32, #tpu.memory_space<smem>>
      %dma_wait3A_628 = arith.constant 23 : i32
      %dma_wait3A_629 = arith.constant 0 : i32
      %dma_wait3A_630 = tpu.memref_slice %arg6[%dma_wait3A_628, %dma_wait3A_629] : memref<64x4096xf32, #tpu.memory_space<vmem>> -> memref<1x4096xf32, #tpu.memory_space<vmem>>
      %dma_wait3A_631 = arith.constant 0 : i32
      %dma_wait3A_632 = tpu.memref_slice %arg2[%get3A_627, %dma_wait3A_631] : memref<32000x4096xf32, #tpu.memory_space<hbm>> -> memref<1x4096xf32, #tpu.memory_space<hbm>>
      tpu.wait_dma2 semaphore(%arg7 : memref<!tpu.dma_semaphore, #tpu.memory_space<semaphore_mem>>) src(%dma_wait3A_632 : memref<1x4096xf32, #tpu.memory_space<hbm>>) dst(%dma_wait3A_630 : memref<1x4096xf32, #tpu.memory_space<vmem>>)
      %get3A_633 = arith.constant 24 : index
      %get3A_634 = memref.load %arg1[%get3A_633] : memref<64xi32, #tpu.memory_space<smem>>
      %dma_wait3A_635 = arith.constant 24 : i32
      %dma_wait3A_636 = arith.constant 0 : i32
      %dma_wait3A_637 = tpu.memref_slice %arg6[%dma_wait3A_635, %dma_wait3A_636] : memref<64x4096xf32, #tpu.memory_space<vmem>> -> memref<1x4096xf32, #tpu.memory_space<vmem>>
      %dma_wait3A_638 = arith.constant 0 : i32
      %dma_wait3A_639 = tpu.memref_slice %arg2[%get3A_634, %dma_wait3A_638] : memref<32000x4096xf32, #tpu.memory_space<hbm>> -> memref<1x4096xf32, #tpu.memory_space<hbm>>
      tpu.wait_dma2 semaphore(%arg7 : memref<!tpu.dma_semaphore, #tpu.memory_space<semaphore_mem>>) src(%dma_wait3A_639 : memref<1x4096xf32, #tpu.memory_space<hbm>>) dst(%dma_wait3A_637 : memref<1x4096xf32, #tpu.memory_space<vmem>>)
      %get3A_640 = arith.constant 25 : index
      %get3A_641 = memref.load %arg1[%get3A_640] : memref<64xi32, #tpu.memory_space<smem>>
      %dma_wait3A_642 = arith.constant 25 : i32
      %dma_wait3A_643 = arith.constant 0 : i32
      %dma_wait3A_644 = tpu.memref_slice %arg6[%dma_wait3A_642, %dma_wait3A_643] : memref<64x4096xf32, #tpu.memory_space<vmem>> -> memref<1x4096xf32, #tpu.memory_space<vmem>>
      %dma_wait3A_645 = arith.constant 0 : i32
      %dma_wait3A_646 = tpu.memref_slice %arg2[%get3A_641, %dma_wait3A_645] : memref<32000x4096xf32, #tpu.memory_space<hbm>> -> memref<1x4096xf32, #tpu.memory_space<hbm>>
      tpu.wait_dma2 semaphore(%arg7 : memref<!tpu.dma_semaphore, #tpu.memory_space<semaphore_mem>>) src(%dma_wait3A_646 : memref<1x4096xf32, #tpu.memory_space<hbm>>) dst(%dma_wait3A_644 : memref<1x4096xf32, #tpu.memory_space<vmem>>)
      %get3A_647 = arith.constant 26 : index
      %get3A_648 = memref.load %arg1[%get3A_647] : memref<64xi32, #tpu.memory_space<smem>>
      %dma_wait3A_649 = arith.constant 26 : i32
      %dma_wait3A_650 = arith.constant 0 : i32
      %dma_wait3A_651 = tpu.memref_slice %arg6[%dma_wait3A_649, %dma_wait3A_650] : memref<64x4096xf32, #tpu.memory_space<vmem>> -> memref<1x4096xf32, #tpu.memory_space<vmem>>
      %dma_wait3A_652 = arith.constant 0 : i32
      %dma_wait3A_653 = tpu.memref_slice %arg2[%get3A_648, %dma_wait3A_652] : memref<32000x4096xf32, #tpu.memory_space<hbm>> -> memref<1x4096xf32, #tpu.memory_space<hbm>>
      tpu.wait_dma2 semaphore(%arg7 : memref<!tpu.dma_semaphore, #tpu.memory_space<semaphore_mem>>) src(%dma_wait3A_653 : memref<1x4096xf32, #tpu.memory_space<hbm>>) dst(%dma_wait3A_651 : memref<1x4096xf32, #tpu.memory_space<vmem>>)
      %get3A_654 = arith.constant 27 : index
      %get3A_655 = memref.load %arg1[%get3A_654] : memref<64xi32, #tpu.memory_space<smem>>
      %dma_wait3A_656 = arith.constant 27 : i32
      %dma_wait3A_657 = arith.constant 0 : i32
      %dma_wait3A_658 = tpu.memref_slice %arg6[%dma_wait3A_656, %dma_wait3A_657] : memref<64x4096xf32, #tpu.memory_space<vmem>> -> memref<1x4096xf32, #tpu.memory_space<vmem>>
      %dma_wait3A_659 = arith.constant 0 : i32
      %dma_wait3A_660 = tpu.memref_slice %arg2[%get3A_655, %dma_wait3A_659] : memref<32000x4096xf32, #tpu.memory_space<hbm>> -> memref<1x4096xf32, #tpu.memory_space<hbm>>
      tpu.wait_dma2 semaphore(%arg7 : memref<!tpu.dma_semaphore, #tpu.memory_space<semaphore_mem>>) src(%dma_wait3A_660 : memref<1x4096xf32, #tpu.memory_space<hbm>>) dst(%dma_wait3A_658 : memref<1x4096xf32, #tpu.memory_space<vmem>>)
      %get3A_661 = arith.constant 28 : index
      %get3A_662 = memref.load %arg1[%get3A_661] : memref<64xi32, #tpu.memory_space<smem>>
      %dma_wait3A_663 = arith.constant 28 : i32
      %dma_wait3A_664 = arith.constant 0 : i32
      %dma_wait3A_665 = tpu.memref_slice %arg6[%dma_wait3A_663, %dma_wait3A_664] : memref<64x4096xf32, #tpu.memory_space<vmem>> -> memref<1x4096xf32, #tpu.memory_space<vmem>>
      %dma_wait3A_666 = arith.constant 0 : i32
      %dma_wait3A_667 = tpu.memref_slice %arg2[%get3A_662, %dma_wait3A_666] : memref<32000x4096xf32, #tpu.memory_space<hbm>> -> memref<1x4096xf32, #tpu.memory_space<hbm>>
      tpu.wait_dma2 semaphore(%arg7 : memref<!tpu.dma_semaphore, #tpu.memory_space<semaphore_mem>>) src(%dma_wait3A_667 : memref<1x4096xf32, #tpu.memory_space<hbm>>) dst(%dma_wait3A_665 : memref<1x4096xf32, #tpu.memory_space<vmem>>)
      %get3A_668 = arith.constant 29 : index
      %get3A_669 = memref.load %arg1[%get3A_668] : memref<64xi32, #tpu.memory_space<smem>>
      %dma_wait3A_670 = arith.constant 29 : i32
      %dma_wait3A_671 = arith.constant 0 : i32
      %dma_wait3A_672 = tpu.memref_slice %arg6[%dma_wait3A_670, %dma_wait3A_671] : memref<64x4096xf32, #tpu.memory_space<vmem>> -> memref<1x4096xf32, #tpu.memory_space<vmem>>
      %dma_wait3A_673 = arith.constant 0 : i32
      %dma_wait3A_674 = tpu.memref_slice %arg2[%get3A_669, %dma_wait3A_673] : memref<32000x4096xf32, #tpu.memory_space<hbm>> -> memref<1x4096xf32, #tpu.memory_space<hbm>>
      tpu.wait_dma2 semaphore(%arg7 : memref<!tpu.dma_semaphore, #tpu.memory_space<semaphore_mem>>) src(%dma_wait3A_674 : memref<1x4096xf32, #tpu.memory_space<hbm>>) dst(%dma_wait3A_672 : memref<1x4096xf32, #tpu.memory_space<vmem>>)
      %get3A_675 = arith.constant 30 : index
      %get3A_676 = memref.load %arg1[%get3A_675] : memref<64xi32, #tpu.memory_space<smem>>
      %dma_wait3A_677 = arith.constant 30 : i32
      %dma_wait3A_678 = arith.constant 0 : i32
      %dma_wait3A_679 = tpu.memref_slice %arg6[%dma_wait3A_677, %dma_wait3A_678] : memref<64x4096xf32, #tpu.memory_space<vmem>> -> memref<1x4096xf32, #tpu.memory_space<vmem>>
      %dma_wait3A_680 = arith.constant 0 : i32
      %dma_wait3A_681 = tpu.memref_slice %arg2[%get3A_676, %dma_wait3A_680] : memref<32000x4096xf32, #tpu.memory_space<hbm>> -> memref<1x4096xf32, #tpu.memory_space<hbm>>
      tpu.wait_dma2 semaphore(%arg7 : memref<!tpu.dma_semaphore, #tpu.memory_space<semaphore_mem>>) src(%dma_wait3A_681 : memref<1x4096xf32, #tpu.memory_space<hbm>>) dst(%dma_wait3A_679 : memref<1x4096xf32, #tpu.memory_space<vmem>>)
      %get3A_682 = arith.constant 31 : index
      %get3A_683 = memref.load %arg1[%get3A_682] : memref<64xi32, #tpu.memory_space<smem>>
      %dma_wait3A_684 = arith.constant 31 : i32
      %dma_wait3A_685 = arith.constant 0 : i32
      %dma_wait3A_686 = tpu.memref_slice %arg6[%dma_wait3A_684, %dma_wait3A_685] : memref<64x4096xf32, #tpu.memory_space<vmem>> -> memref<1x4096xf32, #tpu.memory_space<vmem>>
      %dma_wait3A_687 = arith.constant 0 : i32
      %dma_wait3A_688 = tpu.memref_slice %arg2[%get3A_683, %dma_wait3A_687] : memref<32000x4096xf32, #tpu.memory_space<hbm>> -> memref<1x4096xf32, #tpu.memory_space<hbm>>
      tpu.wait_dma2 semaphore(%arg7 : memref<!tpu.dma_semaphore, #tpu.memory_space<semaphore_mem>>) src(%dma_wait3A_688 : memref<1x4096xf32, #tpu.memory_space<hbm>>) dst(%dma_wait3A_686 : memref<1x4096xf32, #tpu.memory_space<vmem>>)
      %get3A_689 = arith.constant 32 : index
      %get3A_690 = memref.load %arg1[%get3A_689] : memref<64xi32, #tpu.memory_space<smem>>
      %dma_wait3A_691 = arith.constant 32 : i32
      %dma_wait3A_692 = arith.constant 0 : i32
      %dma_wait3A_693 = tpu.memref_slice %arg6[%dma_wait3A_691, %dma_wait3A_692] : memref<64x4096xf32, #tpu.memory_space<vmem>> -> memref<1x4096xf32, #tpu.memory_space<vmem>>
      %dma_wait3A_694 = arith.constant 0 : i32
      %dma_wait3A_695 = tpu.memref_slice %arg2[%get3A_690, %dma_wait3A_694] : memref<32000x4096xf32, #tpu.memory_space<hbm>> -> memref<1x4096xf32, #tpu.memory_space<hbm>>
      tpu.wait_dma2 semaphore(%arg7 : memref<!tpu.dma_semaphore, #tpu.memory_space<semaphore_mem>>) src(%dma_wait3A_695 : memref<1x4096xf32, #tpu.memory_space<hbm>>) dst(%dma_wait3A_693 : memref<1x4096xf32, #tpu.memory_space<vmem>>)
      %get3A_696 = arith.constant 33 : index
      %get3A_697 = memref.load %arg1[%get3A_696] : memref<64xi32, #tpu.memory_space<smem>>
      %dma_wait3A_698 = arith.constant 33 : i32
      %dma_wait3A_699 = arith.constant 0 : i32
      %dma_wait3A_700 = tpu.memref_slice %arg6[%dma_wait3A_698, %dma_wait3A_699] : memref<64x4096xf32, #tpu.memory_space<vmem>> -> memref<1x4096xf32, #tpu.memory_space<vmem>>
      %dma_wait3A_701 = arith.constant 0 : i32
      %dma_wait3A_702 = tpu.memref_slice %arg2[%get3A_697, %dma_wait3A_701] : memref<32000x4096xf32, #tpu.memory_space<hbm>> -> memref<1x4096xf32, #tpu.memory_space<hbm>>
      tpu.wait_dma2 semaphore(%arg7 : memref<!tpu.dma_semaphore, #tpu.memory_space<semaphore_mem>>) src(%dma_wait3A_702 : memref<1x4096xf32, #tpu.memory_space<hbm>>) dst(%dma_wait3A_700 : memref<1x4096xf32, #tpu.memory_space<vmem>>)
      %get3A_703 = arith.constant 34 : index
      %get3A_704 = memref.load %arg1[%get3A_703] : memref<64xi32, #tpu.memory_space<smem>>
      %dma_wait3A_705 = arith.constant 34 : i32
      %dma_wait3A_706 = arith.constant 0 : i32
      %dma_wait3A_707 = tpu.memref_slice %arg6[%dma_wait3A_705, %dma_wait3A_706] : memref<64x4096xf32, #tpu.memory_space<vmem>> -> memref<1x4096xf32, #tpu.memory_space<vmem>>
      %dma_wait3A_708 = arith.constant 0 : i32
      %dma_wait3A_709 = tpu.memref_slice %arg2[%get3A_704, %dma_wait3A_708] : memref<32000x4096xf32, #tpu.memory_space<hbm>> -> memref<1x4096xf32, #tpu.memory_space<hbm>>
      tpu.wait_dma2 semaphore(%arg7 : memref<!tpu.dma_semaphore, #tpu.memory_space<semaphore_mem>>) src(%dma_wait3A_709 : memref<1x4096xf32, #tpu.memory_space<hbm>>) dst(%dma_wait3A_707 : memref<1x4096xf32, #tpu.memory_space<vmem>>)
      %get3A_710 = arith.constant 35 : index
      %get3A_711 = memref.load %arg1[%get3A_710] : memref<64xi32, #tpu.memory_space<smem>>
      %dma_wait3A_712 = arith.constant 35 : i32
      %dma_wait3A_713 = arith.constant 0 : i32
      %dma_wait3A_714 = tpu.memref_slice %arg6[%dma_wait3A_712, %dma_wait3A_713] : memref<64x4096xf32, #tpu.memory_space<vmem>> -> memref<1x4096xf32, #tpu.memory_space<vmem>>
      %dma_wait3A_715 = arith.constant 0 : i32
      %dma_wait3A_716 = tpu.memref_slice %arg2[%get3A_711, %dma_wait3A_715] : memref<32000x4096xf32, #tpu.memory_space<hbm>> -> memref<1x4096xf32, #tpu.memory_space<hbm>>
      tpu.wait_dma2 semaphore(%arg7 : memref<!tpu.dma_semaphore, #tpu.memory_space<semaphore_mem>>) src(%dma_wait3A_716 : memref<1x4096xf32, #tpu.memory_space<hbm>>) dst(%dma_wait3A_714 : memref<1x4096xf32, #tpu.memory_space<vmem>>)
      %get3A_717 = arith.constant 36 : index
      %get3A_718 = memref.load %arg1[%get3A_717] : memref<64xi32, #tpu.memory_space<smem>>
      %dma_wait3A_719 = arith.constant 36 : i32
      %dma_wait3A_720 = arith.constant 0 : i32
      %dma_wait3A_721 = tpu.memref_slice %arg6[%dma_wait3A_719, %dma_wait3A_720] : memref<64x4096xf32, #tpu.memory_space<vmem>> -> memref<1x4096xf32, #tpu.memory_space<vmem>>
      %dma_wait3A_722 = arith.constant 0 : i32
      %dma_wait3A_723 = tpu.memref_slice %arg2[%get3A_718, %dma_wait3A_722] : memref<32000x4096xf32, #tpu.memory_space<hbm>> -> memref<1x4096xf32, #tpu.memory_space<hbm>>
      tpu.wait_dma2 semaphore(%arg7 : memref<!tpu.dma_semaphore, #tpu.memory_space<semaphore_mem>>) src(%dma_wait3A_723 : memref<1x4096xf32, #tpu.memory_space<hbm>>) dst(%dma_wait3A_721 : memref<1x4096xf32, #tpu.memory_space<vmem>>)
      %get3A_724 = arith.constant 37 : index
      %get3A_725 = memref.load %arg1[%get3A_724] : memref<64xi32, #tpu.memory_space<smem>>
      %dma_wait3A_726 = arith.constant 37 : i32
      %dma_wait3A_727 = arith.constant 0 : i32
      %dma_wait3A_728 = tpu.memref_slice %arg6[%dma_wait3A_726, %dma_wait3A_727] : memref<64x4096xf32, #tpu.memory_space<vmem>> -> memref<1x4096xf32, #tpu.memory_space<vmem>>
      %dma_wait3A_729 = arith.constant 0 : i32
      %dma_wait3A_730 = tpu.memref_slice %arg2[%get3A_725, %dma_wait3A_729] : memref<32000x4096xf32, #tpu.memory_space<hbm>> -> memref<1x4096xf32, #tpu.memory_space<hbm>>
      tpu.wait_dma2 semaphore(%arg7 : memref<!tpu.dma_semaphore, #tpu.memory_space<semaphore_mem>>) src(%dma_wait3A_730 : memref<1x4096xf32, #tpu.memory_space<hbm>>) dst(%dma_wait3A_728 : memref<1x4096xf32, #tpu.memory_space<vmem>>)
      %get3A_731 = arith.constant 38 : index
      %get3A_732 = memref.load %arg1[%get3A_731] : memref<64xi32, #tpu.memory_space<smem>>
      %dma_wait3A_733 = arith.constant 38 : i32
      %dma_wait3A_734 = arith.constant 0 : i32
      %dma_wait3A_735 = tpu.memref_slice %arg6[%dma_wait3A_733, %dma_wait3A_734] : memref<64x4096xf32, #tpu.memory_space<vmem>> -> memref<1x4096xf32, #tpu.memory_space<vmem>>
      %dma_wait3A_736 = arith.constant 0 : i32
      %dma_wait3A_737 = tpu.memref_slice %arg2[%get3A_732, %dma_wait3A_736] : memref<32000x4096xf32, #tpu.memory_space<hbm>> -> memref<1x4096xf32, #tpu.memory_space<hbm>>
      tpu.wait_dma2 semaphore(%arg7 : memref<!tpu.dma_semaphore, #tpu.memory_space<semaphore_mem>>) src(%dma_wait3A_737 : memref<1x4096xf32, #tpu.memory_space<hbm>>) dst(%dma_wait3A_735 : memref<1x4096xf32, #tpu.memory_space<vmem>>)
      %get3A_738 = arith.constant 39 : index
      %get3A_739 = memref.load %arg1[%get3A_738] : memref<64xi32, #tpu.memory_space<smem>>
      %dma_wait3A_740 = arith.constant 39 : i32
      %dma_wait3A_741 = arith.constant 0 : i32
      %dma_wait3A_742 = tpu.memref_slice %arg6[%dma_wait3A_740, %dma_wait3A_741] : memref<64x4096xf32, #tpu.memory_space<vmem>> -> memref<1x4096xf32, #tpu.memory_space<vmem>>
      %dma_wait3A_743 = arith.constant 0 : i32
      %dma_wait3A_744 = tpu.memref_slice %arg2[%get3A_739, %dma_wait3A_743] : memref<32000x4096xf32, #tpu.memory_space<hbm>> -> memref<1x4096xf32, #tpu.memory_space<hbm>>
      tpu.wait_dma2 semaphore(%arg7 : memref<!tpu.dma_semaphore, #tpu.memory_space<semaphore_mem>>) src(%dma_wait3A_744 : memref<1x4096xf32, #tpu.memory_space<hbm>>) dst(%dma_wait3A_742 : memref<1x4096xf32, #tpu.memory_space<vmem>>)
      %get3A_745 = arith.constant 40 : index
      %get3A_746 = memref.load %arg1[%get3A_745] : memref<64xi32, #tpu.memory_space<smem>>
      %dma_wait3A_747 = arith.constant 40 : i32
      %dma_wait3A_748 = arith.constant 0 : i32
      %dma_wait3A_749 = tpu.memref_slice %arg6[%dma_wait3A_747, %dma_wait3A_748] : memref<64x4096xf32, #tpu.memory_space<vmem>> -> memref<1x4096xf32, #tpu.memory_space<vmem>>
      %dma_wait3A_750 = arith.constant 0 : i32
      %dma_wait3A_751 = tpu.memref_slice %arg2[%get3A_746, %dma_wait3A_750] : memref<32000x4096xf32, #tpu.memory_space<hbm>> -> memref<1x4096xf32, #tpu.memory_space<hbm>>
      tpu.wait_dma2 semaphore(%arg7 : memref<!tpu.dma_semaphore, #tpu.memory_space<semaphore_mem>>) src(%dma_wait3A_751 : memref<1x4096xf32, #tpu.memory_space<hbm>>) dst(%dma_wait3A_749 : memref<1x4096xf32, #tpu.memory_space<vmem>>)
      %get3A_752 = arith.constant 41 : index
      %get3A_753 = memref.load %arg1[%get3A_752] : memref<64xi32, #tpu.memory_space<smem>>
      %dma_wait3A_754 = arith.constant 41 : i32
      %dma_wait3A_755 = arith.constant 0 : i32
      %dma_wait3A_756 = tpu.memref_slice %arg6[%dma_wait3A_754, %dma_wait3A_755] : memref<64x4096xf32, #tpu.memory_space<vmem>> -> memref<1x4096xf32, #tpu.memory_space<vmem>>
      %dma_wait3A_757 = arith.constant 0 : i32
      %dma_wait3A_758 = tpu.memref_slice %arg2[%get3A_753, %dma_wait3A_757] : memref<32000x4096xf32, #tpu.memory_space<hbm>> -> memref<1x4096xf32, #tpu.memory_space<hbm>>
      tpu.wait_dma2 semaphore(%arg7 : memref<!tpu.dma_semaphore, #tpu.memory_space<semaphore_mem>>) src(%dma_wait3A_758 : memref<1x4096xf32, #tpu.memory_space<hbm>>) dst(%dma_wait3A_756 : memref<1x4096xf32, #tpu.memory_space<vmem>>)
      %get3A_759 = arith.constant 42 : index
      %get3A_760 = memref.load %arg1[%get3A_759] : memref<64xi32, #tpu.memory_space<smem>>
      %dma_wait3A_761 = arith.constant 42 : i32
      %dma_wait3A_762 = arith.constant 0 : i32
      %dma_wait3A_763 = tpu.memref_slice %arg6[%dma_wait3A_761, %dma_wait3A_762] : memref<64x4096xf32, #tpu.memory_space<vmem>> -> memref<1x4096xf32, #tpu.memory_space<vmem>>
      %dma_wait3A_764 = arith.constant 0 : i32
      %dma_wait3A_765 = tpu.memref_slice %arg2[%get3A_760, %dma_wait3A_764] : memref<32000x4096xf32, #tpu.memory_space<hbm>> -> memref<1x4096xf32, #tpu.memory_space<hbm>>
      tpu.wait_dma2 semaphore(%arg7 : memref<!tpu.dma_semaphore, #tpu.memory_space<semaphore_mem>>) src(%dma_wait3A_765 : memref<1x4096xf32, #tpu.memory_space<hbm>>) dst(%dma_wait3A_763 : memref<1x4096xf32, #tpu.memory_space<vmem>>)
      %get3A_766 = arith.constant 43 : index
      %get3A_767 = memref.load %arg1[%get3A_766] : memref<64xi32, #tpu.memory_space<smem>>
      %dma_wait3A_768 = arith.constant 43 : i32
      %dma_wait3A_769 = arith.constant 0 : i32
      %dma_wait3A_770 = tpu.memref_slice %arg6[%dma_wait3A_768, %dma_wait3A_769] : memref<64x4096xf32, #tpu.memory_space<vmem>> -> memref<1x4096xf32, #tpu.memory_space<vmem>>
      %dma_wait3A_771 = arith.constant 0 : i32
      %dma_wait3A_772 = tpu.memref_slice %arg2[%get3A_767, %dma_wait3A_771] : memref<32000x4096xf32, #tpu.memory_space<hbm>> -> memref<1x4096xf32, #tpu.memory_space<hbm>>
      tpu.wait_dma2 semaphore(%arg7 : memref<!tpu.dma_semaphore, #tpu.memory_space<semaphore_mem>>) src(%dma_wait3A_772 : memref<1x4096xf32, #tpu.memory_space<hbm>>) dst(%dma_wait3A_770 : memref<1x4096xf32, #tpu.memory_space<vmem>>)
      %get3A_773 = arith.constant 44 : index
      %get3A_774 = memref.load %arg1[%get3A_773] : memref<64xi32, #tpu.memory_space<smem>>
      %dma_wait3A_775 = arith.constant 44 : i32
      %dma_wait3A_776 = arith.constant 0 : i32
      %dma_wait3A_777 = tpu.memref_slice %arg6[%dma_wait3A_775, %dma_wait3A_776] : memref<64x4096xf32, #tpu.memory_space<vmem>> -> memref<1x4096xf32, #tpu.memory_space<vmem>>
      %dma_wait3A_778 = arith.constant 0 : i32
      %dma_wait3A_779 = tpu.memref_slice %arg2[%get3A_774, %dma_wait3A_778] : memref<32000x4096xf32, #tpu.memory_space<hbm>> -> memref<1x4096xf32, #tpu.memory_space<hbm>>
      tpu.wait_dma2 semaphore(%arg7 : memref<!tpu.dma_semaphore, #tpu.memory_space<semaphore_mem>>) src(%dma_wait3A_779 : memref<1x4096xf32, #tpu.memory_space<hbm>>) dst(%dma_wait3A_777 : memref<1x4096xf32, #tpu.memory_space<vmem>>)
      %get3A_780 = arith.constant 45 : index
      %get3A_781 = memref.load %arg1[%get3A_780] : memref<64xi32, #tpu.memory_space<smem>>
      %dma_wait3A_782 = arith.constant 45 : i32
      %dma_wait3A_783 = arith.constant 0 : i32
      %dma_wait3A_784 = tpu.memref_slice %arg6[%dma_wait3A_782, %dma_wait3A_783] : memref<64x4096xf32, #tpu.memory_space<vmem>> -> memref<1x4096xf32, #tpu.memory_space<vmem>>
      %dma_wait3A_785 = arith.constant 0 : i32
      %dma_wait3A_786 = tpu.memref_slice %arg2[%get3A_781, %dma_wait3A_785] : memref<32000x4096xf32, #tpu.memory_space<hbm>> -> memref<1x4096xf32, #tpu.memory_space<hbm>>
      tpu.wait_dma2 semaphore(%arg7 : memref<!tpu.dma_semaphore, #tpu.memory_space<semaphore_mem>>) src(%dma_wait3A_786 : memref<1x4096xf32, #tpu.memory_space<hbm>>) dst(%dma_wait3A_784 : memref<1x4096xf32, #tpu.memory_space<vmem>>)
      %get3A_787 = arith.constant 46 : index
      %get3A_788 = memref.load %arg1[%get3A_787] : memref<64xi32, #tpu.memory_space<smem>>
      %dma_wait3A_789 = arith.constant 46 : i32
      %dma_wait3A_790 = arith.constant 0 : i32
      %dma_wait3A_791 = tpu.memref_slice %arg6[%dma_wait3A_789, %dma_wait3A_790] : memref<64x4096xf32, #tpu.memory_space<vmem>> -> memref<1x4096xf32, #tpu.memory_space<vmem>>
      %dma_wait3A_792 = arith.constant 0 : i32
      %dma_wait3A_793 = tpu.memref_slice %arg2[%get3A_788, %dma_wait3A_792] : memref<32000x4096xf32, #tpu.memory_space<hbm>> -> memref<1x4096xf32, #tpu.memory_space<hbm>>
      tpu.wait_dma2 semaphore(%arg7 : memref<!tpu.dma_semaphore, #tpu.memory_space<semaphore_mem>>) src(%dma_wait3A_793 : memref<1x4096xf32, #tpu.memory_space<hbm>>) dst(%dma_wait3A_791 : memref<1x4096xf32, #tpu.memory_space<vmem>>)
      %get3A_794 = arith.constant 47 : index
      %get3A_795 = memref.load %arg1[%get3A_794] : memref<64xi32, #tpu.memory_space<smem>>
      %dma_wait3A_796 = arith.constant 47 : i32
      %dma_wait3A_797 = arith.constant 0 : i32
      %dma_wait3A_798 = tpu.memref_slice %arg6[%dma_wait3A_796, %dma_wait3A_797] : memref<64x4096xf32, #tpu.memory_space<vmem>> -> memref<1x4096xf32, #tpu.memory_space<vmem>>
      %dma_wait3A_799 = arith.constant 0 : i32
      %dma_wait3A_800 = tpu.memref_slice %arg2[%get3A_795, %dma_wait3A_799] : memref<32000x4096xf32, #tpu.memory_space<hbm>> -> memref<1x4096xf32, #tpu.memory_space<hbm>>
      tpu.wait_dma2 semaphore(%arg7 : memref<!tpu.dma_semaphore, #tpu.memory_space<semaphore_mem>>) src(%dma_wait3A_800 : memref<1x4096xf32, #tpu.memory_space<hbm>>) dst(%dma_wait3A_798 : memref<1x4096xf32, #tpu.memory_space<vmem>>)
      %get3A_801 = arith.constant 48 : index
      %get3A_802 = memref.load %arg1[%get3A_801] : memref<64xi32, #tpu.memory_space<smem>>
      %dma_wait3A_803 = arith.constant 48 : i32
      %dma_wait3A_804 = arith.constant 0 : i32
      %dma_wait3A_805 = tpu.memref_slice %arg6[%dma_wait3A_803, %dma_wait3A_804] : memref<64x4096xf32, #tpu.memory_space<vmem>> -> memref<1x4096xf32, #tpu.memory_space<vmem>>
      %dma_wait3A_806 = arith.constant 0 : i32
      %dma_wait3A_807 = tpu.memref_slice %arg2[%get3A_802, %dma_wait3A_806] : memref<32000x4096xf32, #tpu.memory_space<hbm>> -> memref<1x4096xf32, #tpu.memory_space<hbm>>
      tpu.wait_dma2 semaphore(%arg7 : memref<!tpu.dma_semaphore, #tpu.memory_space<semaphore_mem>>) src(%dma_wait3A_807 : memref<1x4096xf32, #tpu.memory_space<hbm>>) dst(%dma_wait3A_805 : memref<1x4096xf32, #tpu.memory_space<vmem>>)
      %get3A_808 = arith.constant 49 : index
      %get3A_809 = memref.load %arg1[%get3A_808] : memref<64xi32, #tpu.memory_space<smem>>
      %dma_wait3A_810 = arith.constant 49 : i32
      %dma_wait3A_811 = arith.constant 0 : i32
      %dma_wait3A_812 = tpu.memref_slice %arg6[%dma_wait3A_810, %dma_wait3A_811] : memref<64x4096xf32, #tpu.memory_space<vmem>> -> memref<1x4096xf32, #tpu.memory_space<vmem>>
      %dma_wait3A_813 = arith.constant 0 : i32
      %dma_wait3A_814 = tpu.memref_slice %arg2[%get3A_809, %dma_wait3A_813] : memref<32000x4096xf32, #tpu.memory_space<hbm>> -> memref<1x4096xf32, #tpu.memory_space<hbm>>
      tpu.wait_dma2 semaphore(%arg7 : memref<!tpu.dma_semaphore, #tpu.memory_space<semaphore_mem>>) src(%dma_wait3A_814 : memref<1x4096xf32, #tpu.memory_space<hbm>>) dst(%dma_wait3A_812 : memref<1x4096xf32, #tpu.memory_space<vmem>>)
      %get3A_815 = arith.constant 50 : index
      %get3A_816 = memref.load %arg1[%get3A_815] : memref<64xi32, #tpu.memory_space<smem>>
      %dma_wait3A_817 = arith.constant 50 : i32
      %dma_wait3A_818 = arith.constant 0 : i32
      %dma_wait3A_819 = tpu.memref_slice %arg6[%dma_wait3A_817, %dma_wait3A_818] : memref<64x4096xf32, #tpu.memory_space<vmem>> -> memref<1x4096xf32, #tpu.memory_space<vmem>>
      %dma_wait3A_820 = arith.constant 0 : i32
      %dma_wait3A_821 = tpu.memref_slice %arg2[%get3A_816, %dma_wait3A_820] : memref<32000x4096xf32, #tpu.memory_space<hbm>> -> memref<1x4096xf32, #tpu.memory_space<hbm>>
      tpu.wait_dma2 semaphore(%arg7 : memref<!tpu.dma_semaphore, #tpu.memory_space<semaphore_mem>>) src(%dma_wait3A_821 : memref<1x4096xf32, #tpu.memory_space<hbm>>) dst(%dma_wait3A_819 : memref<1x4096xf32, #tpu.memory_space<vmem>>)
      %get3A_822 = arith.constant 51 : index
      %get3A_823 = memref.load %arg1[%get3A_822] : memref<64xi32, #tpu.memory_space<smem>>
      %dma_wait3A_824 = arith.constant 51 : i32
      %dma_wait3A_825 = arith.constant 0 : i32
      %dma_wait3A_826 = tpu.memref_slice %arg6[%dma_wait3A_824, %dma_wait3A_825] : memref<64x4096xf32, #tpu.memory_space<vmem>> -> memref<1x4096xf32, #tpu.memory_space<vmem>>
      %dma_wait3A_827 = arith.constant 0 : i32
      %dma_wait3A_828 = tpu.memref_slice %arg2[%get3A_823, %dma_wait3A_827] : memref<32000x4096xf32, #tpu.memory_space<hbm>> -> memref<1x4096xf32, #tpu.memory_space<hbm>>
      tpu.wait_dma2 semaphore(%arg7 : memref<!tpu.dma_semaphore, #tpu.memory_space<semaphore_mem>>) src(%dma_wait3A_828 : memref<1x4096xf32, #tpu.memory_space<hbm>>) dst(%dma_wait3A_826 : memref<1x4096xf32, #tpu.memory_space<vmem>>)
      %get3A_829 = arith.constant 52 : index
      %get3A_830 = memref.load %arg1[%get3A_829] : memref<64xi32, #tpu.memory_space<smem>>
      %dma_wait3A_831 = arith.constant 52 : i32
      %dma_wait3A_832 = arith.constant 0 : i32
      %dma_wait3A_833 = tpu.memref_slice %arg6[%dma_wait3A_831, %dma_wait3A_832] : memref<64x4096xf32, #tpu.memory_space<vmem>> -> memref<1x4096xf32, #tpu.memory_space<vmem>>
      %dma_wait3A_834 = arith.constant 0 : i32
      %dma_wait3A_835 = tpu.memref_slice %arg2[%get3A_830, %dma_wait3A_834] : memref<32000x4096xf32, #tpu.memory_space<hbm>> -> memref<1x4096xf32, #tpu.memory_space<hbm>>
      tpu.wait_dma2 semaphore(%arg7 : memref<!tpu.dma_semaphore, #tpu.memory_space<semaphore_mem>>) src(%dma_wait3A_835 : memref<1x4096xf32, #tpu.memory_space<hbm>>) dst(%dma_wait3A_833 : memref<1x4096xf32, #tpu.memory_space<vmem>>)
      %get3A_836 = arith.constant 53 : index
      %get3A_837 = memref.load %arg1[%get3A_836] : memref<64xi32, #tpu.memory_space<smem>>
      %dma_wait3A_838 = arith.constant 53 : i32
      %dma_wait3A_839 = arith.constant 0 : i32
      %dma_wait3A_840 = tpu.memref_slice %arg6[%dma_wait3A_838, %dma_wait3A_839] : memref<64x4096xf32, #tpu.memory_space<vmem>> -> memref<1x4096xf32, #tpu.memory_space<vmem>>
      %dma_wait3A_841 = arith.constant 0 : i32
      %dma_wait3A_842 = tpu.memref_slice %arg2[%get3A_837, %dma_wait3A_841] : memref<32000x4096xf32, #tpu.memory_space<hbm>> -> memref<1x4096xf32, #tpu.memory_space<hbm>>
      tpu.wait_dma2 semaphore(%arg7 : memref<!tpu.dma_semaphore, #tpu.memory_space<semaphore_mem>>) src(%dma_wait3A_842 : memref<1x4096xf32, #tpu.memory_space<hbm>>) dst(%dma_wait3A_840 : memref<1x4096xf32, #tpu.memory_space<vmem>>)
      %get3A_843 = arith.constant 54 : index
      %get3A_844 = memref.load %arg1[%get3A_843] : memref<64xi32, #tpu.memory_space<smem>>
      %dma_wait3A_845 = arith.constant 54 : i32
      %dma_wait3A_846 = arith.constant 0 : i32
      %dma_wait3A_847 = tpu.memref_slice %arg6[%dma_wait3A_845, %dma_wait3A_846] : memref<64x4096xf32, #tpu.memory_space<vmem>> -> memref<1x4096xf32, #tpu.memory_space<vmem>>
      %dma_wait3A_848 = arith.constant 0 : i32
      %dma_wait3A_849 = tpu.memref_slice %arg2[%get3A_844, %dma_wait3A_848] : memref<32000x4096xf32, #tpu.memory_space<hbm>> -> memref<1x4096xf32, #tpu.memory_space<hbm>>
      tpu.wait_dma2 semaphore(%arg7 : memref<!tpu.dma_semaphore, #tpu.memory_space<semaphore_mem>>) src(%dma_wait3A_849 : memref<1x4096xf32, #tpu.memory_space<hbm>>) dst(%dma_wait3A_847 : memref<1x4096xf32, #tpu.memory_space<vmem>>)
      %get3A_850 = arith.constant 55 : index
      %get3A_851 = memref.load %arg1[%get3A_850] : memref<64xi32, #tpu.memory_space<smem>>
      %dma_wait3A_852 = arith.constant 55 : i32
      %dma_wait3A_853 = arith.constant 0 : i32
      %dma_wait3A_854 = tpu.memref_slice %arg6[%dma_wait3A_852, %dma_wait3A_853] : memref<64x4096xf32, #tpu.memory_space<vmem>> -> memref<1x4096xf32, #tpu.memory_space<vmem>>
      %dma_wait3A_855 = arith.constant 0 : i32
      %dma_wait3A_856 = tpu.memref_slice %arg2[%get3A_851, %dma_wait3A_855] : memref<32000x4096xf32, #tpu.memory_space<hbm>> -> memref<1x4096xf32, #tpu.memory_space<hbm>>
      tpu.wait_dma2 semaphore(%arg7 : memref<!tpu.dma_semaphore, #tpu.memory_space<semaphore_mem>>) src(%dma_wait3A_856 : memref<1x4096xf32, #tpu.memory_space<hbm>>) dst(%dma_wait3A_854 : memref<1x4096xf32, #tpu.memory_space<vmem>>)
      %get3A_857 = arith.constant 56 : index
      %get3A_858 = memref.load %arg1[%get3A_857] : memref<64xi32, #tpu.memory_space<smem>>
      %dma_wait3A_859 = arith.constant 56 : i32
      %dma_wait3A_860 = arith.constant 0 : i32
      %dma_wait3A_861 = tpu.memref_slice %arg6[%dma_wait3A_859, %dma_wait3A_860] : memref<64x4096xf32, #tpu.memory_space<vmem>> -> memref<1x4096xf32, #tpu.memory_space<vmem>>
      %dma_wait3A_862 = arith.constant 0 : i32
      %dma_wait3A_863 = tpu.memref_slice %arg2[%get3A_858, %dma_wait3A_862] : memref<32000x4096xf32, #tpu.memory_space<hbm>> -> memref<1x4096xf32, #tpu.memory_space<hbm>>
      tpu.wait_dma2 semaphore(%arg7 : memref<!tpu.dma_semaphore, #tpu.memory_space<semaphore_mem>>) src(%dma_wait3A_863 : memref<1x4096xf32, #tpu.memory_space<hbm>>) dst(%dma_wait3A_861 : memref<1x4096xf32, #tpu.memory_space<vmem>>)
      %get3A_864 = arith.constant 57 : index
      %get3A_865 = memref.load %arg1[%get3A_864] : memref<64xi32, #tpu.memory_space<smem>>
      %dma_wait3A_866 = arith.constant 57 : i32
      %dma_wait3A_867 = arith.constant 0 : i32
      %dma_wait3A_868 = tpu.memref_slice %arg6[%dma_wait3A_866, %dma_wait3A_867] : memref<64x4096xf32, #tpu.memory_space<vmem>> -> memref<1x4096xf32, #tpu.memory_space<vmem>>
      %dma_wait3A_869 = arith.constant 0 : i32
      %dma_wait3A_870 = tpu.memref_slice %arg2[%get3A_865, %dma_wait3A_869] : memref<32000x4096xf32, #tpu.memory_space<hbm>> -> memref<1x4096xf32, #tpu.memory_space<hbm>>
      tpu.wait_dma2 semaphore(%arg7 : memref<!tpu.dma_semaphore, #tpu.memory_space<semaphore_mem>>) src(%dma_wait3A_870 : memref<1x4096xf32, #tpu.memory_space<hbm>>) dst(%dma_wait3A_868 : memref<1x4096xf32, #tpu.memory_space<vmem>>)
      %get3A_871 = arith.constant 58 : index
      %get3A_872 = memref.load %arg1[%get3A_871] : memref<64xi32, #tpu.memory_space<smem>>
      %dma_wait3A_873 = arith.constant 58 : i32
      %dma_wait3A_874 = arith.constant 0 : i32
      %dma_wait3A_875 = tpu.memref_slice %arg6[%dma_wait3A_873, %dma_wait3A_874] : memref<64x4096xf32, #tpu.memory_space<vmem>> -> memref<1x4096xf32, #tpu.memory_space<vmem>>
      %dma_wait3A_876 = arith.constant 0 : i32
      %dma_wait3A_877 = tpu.memref_slice %arg2[%get3A_872, %dma_wait3A_876] : memref<32000x4096xf32, #tpu.memory_space<hbm>> -> memref<1x4096xf32, #tpu.memory_space<hbm>>
      tpu.wait_dma2 semaphore(%arg7 : memref<!tpu.dma_semaphore, #tpu.memory_space<semaphore_mem>>) src(%dma_wait3A_877 : memref<1x4096xf32, #tpu.memory_space<hbm>>) dst(%dma_wait3A_875 : memref<1x4096xf32, #tpu.memory_space<vmem>>)
      %get3A_878 = arith.constant 59 : index
      %get3A_879 = memref.load %arg1[%get3A_878] : memref<64xi32, #tpu.memory_space<smem>>
      %dma_wait3A_880 = arith.constant 59 : i32
      %dma_wait3A_881 = arith.constant 0 : i32
      %dma_wait3A_882 = tpu.memref_slice %arg6[%dma_wait3A_880, %dma_wait3A_881] : memref<64x4096xf32, #tpu.memory_space<vmem>> -> memref<1x4096xf32, #tpu.memory_space<vmem>>
      %dma_wait3A_883 = arith.constant 0 : i32
      %dma_wait3A_884 = tpu.memref_slice %arg2[%get3A_879, %dma_wait3A_883] : memref<32000x4096xf32, #tpu.memory_space<hbm>> -> memref<1x4096xf32, #tpu.memory_space<hbm>>
      tpu.wait_dma2 semaphore(%arg7 : memref<!tpu.dma_semaphore, #tpu.memory_space<semaphore_mem>>) src(%dma_wait3A_884 : memref<1x4096xf32, #tpu.memory_space<hbm>>) dst(%dma_wait3A_882 : memref<1x4096xf32, #tpu.memory_space<vmem>>)
      %get3A_885 = arith.constant 60 : index
      %get3A_886 = memref.load %arg1[%get3A_885] : memref<64xi32, #tpu.memory_space<smem>>
      %dma_wait3A_887 = arith.constant 60 : i32
      %dma_wait3A_888 = arith.constant 0 : i32
      %dma_wait3A_889 = tpu.memref_slice %arg6[%dma_wait3A_887, %dma_wait3A_888] : memref<64x4096xf32, #tpu.memory_space<vmem>> -> memref<1x4096xf32, #tpu.memory_space<vmem>>
      %dma_wait3A_890 = arith.constant 0 : i32
      %dma_wait3A_891 = tpu.memref_slice %arg2[%get3A_886, %dma_wait3A_890] : memref<32000x4096xf32, #tpu.memory_space<hbm>> -> memref<1x4096xf32, #tpu.memory_space<hbm>>
      tpu.wait_dma2 semaphore(%arg7 : memref<!tpu.dma_semaphore, #tpu.memory_space<semaphore_mem>>) src(%dma_wait3A_891 : memref<1x4096xf32, #tpu.memory_space<hbm>>) dst(%dma_wait3A_889 : memref<1x4096xf32, #tpu.memory_space<vmem>>)
      %get3A_892 = arith.constant 61 : index
      %get3A_893 = memref.load %arg1[%get3A_892] : memref<64xi32, #tpu.memory_space<smem>>
      %dma_wait3A_894 = arith.constant 61 : i32
      %dma_wait3A_895 = arith.constant 0 : i32
      %dma_wait3A_896 = tpu.memref_slice %arg6[%dma_wait3A_894, %dma_wait3A_895] : memref<64x4096xf32, #tpu.memory_space<vmem>> -> memref<1x4096xf32, #tpu.memory_space<vmem>>
      %dma_wait3A_897 = arith.constant 0 : i32
      %dma_wait3A_898 = tpu.memref_slice %arg2[%get3A_893, %dma_wait3A_897] : memref<32000x4096xf32, #tpu.memory_space<hbm>> -> memref<1x4096xf32, #tpu.memory_space<hbm>>
      tpu.wait_dma2 semaphore(%arg7 : memref<!tpu.dma_semaphore, #tpu.memory_space<semaphore_mem>>) src(%dma_wait3A_898 : memref<1x4096xf32, #tpu.memory_space<hbm>>) dst(%dma_wait3A_896 : memref<1x4096xf32, #tpu.memory_space<vmem>>)
      %get3A_899 = arith.constant 62 : index
      %get3A_900 = memref.load %arg1[%get3A_899] : memref<64xi32, #tpu.memory_space<smem>>
      %dma_wait3A_901 = arith.constant 62 : i32
      %dma_wait3A_902 = arith.constant 0 : i32
      %dma_wait3A_903 = tpu.memref_slice %arg6[%dma_wait3A_901, %dma_wait3A_902] : memref<64x4096xf32, #tpu.memory_space<vmem>> -> memref<1x4096xf32, #tpu.memory_space<vmem>>
      %dma_wait3A_904 = arith.constant 0 : i32
      %dma_wait3A_905 = tpu.memref_slice %arg2[%get3A_900, %dma_wait3A_904] : memref<32000x4096xf32, #tpu.memory_space<hbm>> -> memref<1x4096xf32, #tpu.memory_space<hbm>>
      tpu.wait_dma2 semaphore(%arg7 : memref<!tpu.dma_semaphore, #tpu.memory_space<semaphore_mem>>) src(%dma_wait3A_905 : memref<1x4096xf32, #tpu.memory_space<hbm>>) dst(%dma_wait3A_903 : memref<1x4096xf32, #tpu.memory_space<vmem>>)
      %get3A_906 = arith.constant 63 : index
      %get3A_907 = memref.load %arg1[%get3A_906] : memref<64xi32, #tpu.memory_space<smem>>
      %dma_wait3A_908 = arith.constant 63 : i32
      %dma_wait3A_909 = arith.constant 0 : i32
      %dma_wait3A_910 = tpu.memref_slice %arg6[%dma_wait3A_908, %dma_wait3A_909] : memref<64x4096xf32, #tpu.memory_space<vmem>> -> memref<1x4096xf32, #tpu.memory_space<vmem>>
      %dma_wait3A_911 = arith.constant 0 : i32
      %dma_wait3A_912 = tpu.memref_slice %arg2[%get3A_907, %dma_wait3A_911] : memref<32000x4096xf32, #tpu.memory_space<hbm>> -> memref<1x4096xf32, #tpu.memory_space<hbm>>
      tpu.wait_dma2 semaphore(%arg7 : memref<!tpu.dma_semaphore, #tpu.memory_space<semaphore_mem>>) src(%dma_wait3A_912 : memref<1x4096xf32, #tpu.memory_space<hbm>>) dst(%dma_wait3A_910 : memref<1x4096xf32, #tpu.memory_space<vmem>>)
    } else {
    }
    %get3A = arith.constant 0 : index
    %get3A_2 = arith.constant 0 : index
    %get3A_3 = vector.load %arg6[%get3A, %get3A_2] : memref<64x4096xf32, #tpu.memory_space<vmem>>, vector<64x4096xf32>
    %convert_element_type3A_4 = arith.truncf %get3A_3 : vector<64x4096xf32> to vector<64x4096xbf16>
    %get3A_5 = arith.constant 0 : index
    %get3A_6 = arith.constant 0 : index
    %get3A_7 = vector.load %arg3[%get3A_5, %get3A_6] : memref<640x4096xf32, #tpu.memory_space<vmem>>, vector<640x4096xf32>
    %convert_element_type3A_8 = arith.truncf %get3A_7 : vector<640x4096xf32> to vector<640x4096xbf16>
    %dot_general3A = arith.constant dense<0.000000e+00> : vector<64x640xf32>
    %dot_general3A_9 = tpu.matmul %convert_element_type3A_4, %convert_element_type3A_8, %dot_general3A {dimension_numbers = #tpu.dot_dimension_numbers<[1], [1], [0], [0], [0, 0, 1, 0], [], []>, transpose_lhs_hint = false} : vector<64x4096xbf16>, vector<640x4096xbf16>, vector<64x640xf32> -> vector<64x640xf32>
    %get3A_10 = arith.constant 0 : index
    %get3A_11 = arith.constant 0 : index
    %get3A_12 = vector.load %arg4[%get3A_10, %get3A_11] : memref<1x640xf32, #tpu.memory_space<vmem>>, vector<1x640xf32>
    %add3A = vector.broadcast %get3A_12 : vector<1x640xf32> to vector<64x640xf32>
    %add3A_13 = arith.addf %dot_general3A_9, %add3A : vector<64x640xf32>
    %swap3A = arith.constant 0 : index
    %swap3A_14 = arith.constant 0 : index
    %swap3A_15 = arith.constant 0 : index
    %swap3A_16 = vector.load %arg5[%swap3A, %swap3A_14, %swap3A_15] : memref<64x1x640xf32, #tpu.memory_space<vmem>>, vector<64x1x640xf32>
    %swap3A_17 = vector.shape_cast %swap3A_16 : vector<64x1x640xf32> to vector<64x640xf32>
    %swap3A_18 = vector.shape_cast %add3A_13 : vector<64x640xf32> to vector<64x1x640xf32>
    tpu.vector_store %arg5[%swap3A, %swap3A_14, %swap3A_15], %swap3A_18 {strides = array<i32>} : memref<64x1x640xf32, #tpu.memory_space<vmem>>, vector<64x1x640xf32>,
    return
  }
  func.func @transform_0(%arg0: i32) -> i32 {
    %c0_i32 = arith.constant 0 : i32
    %c0_i32_0 = arith.constant 0 : i32
    return %c0_i32 : i32
  }
  func.func @transform_2(%arg0: i32) -> (i32, i32) {
    %c0_i32 = arith.constant 0 : i32
    %c0_i32_0 = arith.constant 0 : i32
    return %arg0, %c0_i32 : i32, i32
  }
  func.func @transform_3(%arg0: i32) -> (i32, i32) {
    %c0_i32 = arith.constant 0 : i32
    %c0_i32_0 = arith.constant 0 : i32
    return %c0_i32, %arg0 : i32, i32
  }
  func.func @transform_4(%arg0: i32) -> (i32, i32, i32) {
    %c0_i32 = arith.constant 0 : i32
    %c0_i32_0 = arith.constant 0 : i32
    %c0_i32_1 = arith.constant 0 : i32
    return %c0_i32, %c0_i32_0, %arg0 : i32, i32, i32
  }
}

</mosaic_0001>

<sc_bundles>
// kernel: kernel.4.cloned.1.call-start
scs
__scs_entry_jumppad:
0x0: {  	(pc) =	sbr.rel $0x88, $3  }
0x1: {  	(tag) =	ssettag $0x0;
	lr =	simm.s32 $0x1  }
0x2: {  	[smem:$0x3F9D] =	sst lr;
	_ =	strace $0xD0000000  }
0x3: {  	_ = 	snop  }
0x4: {  	_ = 	snop  }
0x5: {  	_ = 	snop  }
0x6: {  	_ = 	snop  }
0x7: {  	_ = 	snop  }
__scs_overlays_trampoline_lowered:
0x8: {  	[smem:$0x3FAC] =	sst s0  }
0x9: {  	[smem:$0x3FAD] =	sst s1  }
0xa: {  	[smem:$0x3FAE] =	sst s2  }
0xb: {  	[smem:$0x3FAF] =	sst s3  }
0xc: {  	[smem:$0x3FB0] =	sst s4  }
0xd: {  	[smem:$0x3FB1] =	sst s5  }
0xe: {  	[smem:$0x3FB2] =	sst s6  }
0xf: {  	[smem:$0x3FB3] =	sst s7  }
0x10: {  	[smem:$0x3FB4] =	sst s8  }
0x11: {  	[smem:$0x3FB5] =	sst s9;
	s0 =	simm.s32 @!p0 $0x0  }
0x12: {  	s1 =	sld [smem:$0x3F9B];
	s0 =	simm.s32 @p0 $0x1  }
0x13: {  	[smem:$0x3FB6] =	sst s0;
	s0 =	simm.s32 @!p1 $0x0  }
0x14: {  	s2 =	sld [smem:$0x3F9A];
	s0 =	simm.s32 @p1 $0x1  }
0x15: {  	[smem:$0x3FB7] =	sst s0;
	s0 =	simm.s32 @!p2 $0x0  }
0x16: {  	s3 =	sld [smem:$0x3FDB];
	s0 =	simm.s32 @p2 $0x1  }
0x17: {  	s4 =	simm.s32 $0x1BF5;
	[smem:$0x3FB9] =	sst s0  }
0x18: {  	s0 =	sld [smem:$0x3F9C];
	_ =	swait.ge [sflag:s4], $0x0  }
0x19: {  	s7 =	sld [smem:$0x3F9D]  }
0x1a: {  	s8 =	sadd.s32 $0xFFFFE003, lr  }
0x1b: {  	s9 =	sadd.s32 $0xFFFFFEF7, lr;
	s5 =	simm.s32 $0xFFFFFFFF;
	p2 =	slt.u32 s8, $0xFFFFF086  }
0x1c: {  	p1 =	slt.u32 s9, $0xF7A;
	s5 =	simm.s32 @!p2 $0x0  }
0x1d: {  	s5 =	simm.s32 @p1 $0x1;
	p0 =	seq.s32 s7, s2  }
0x1e: {  	s7 =	smul.u32 @!p0 $0xF7A, s2;
	p2 =	seq.s32 @!p0 s5, $0x0  }
0x1f: {  	s9 =	smul.u32 $0xF7A, s1;
	s8 =	simm.s32 @!p0 $0x1BF5;
	p2 =	por !p2, p0  }
0x20: {  	[sflag:s8] =	ssyncset.s32 @!p0 $0xFFFFF086;
	s6 =	sadd.s32 @!p0 s3, s7;
	s7 =	simm.s32 @!p0 $0x108  }
0x21: {  	s3 =	sadd.s32 s3, s9;
	s6 =	sadd.s32 @!p0 $0x88, s6;
	s7 =	simm.s32 @p2 $0x1082  }
0x22: {  	[simem:s7], [sflag:s8] =	dma.local @!p0 [hbm:s6], $0xF7A  }
0x23: {  	s9 =	sor.u32 $0xD0000000, s2;
	s6 =	simm.s32 $0x108;
	_ =	swait.ge @!p0 [sflag:s8], $0x0  }
0x24: {  	s3 =	sadd.s32 $0x88, s3;
	s6 =	simm.s32 @!p1 $0x1082;
	[sflag:s4] =	ssyncset.s32 $0xFFFFF086  }
0x25: {  	[simem:s6], [sflag:s4] =	dma.local [hbm:s3], $0xF7A  }
0x26: {  	[smem:$0x3F9D] =	sst s1;
	(tag) =	ssettag s2;
	_ =	strace s9  }
0x27: {  	s1 =	sld [smem:$0x3FAD]  }
0x28: {  	s2 =	sld [smem:$0x3FAE]  }
0x29: {  	s4 =	sld [smem:$0x3FB0]  }
0x2a: {  	p0 =	seq.s32 s5, $0x0;
	s5 =	sld [smem:$0x3FB1]  }
0x2b: {  	s6 =	sld [smem:$0x3FB2]  }
0x2c: {  	s7 =	sld [smem:$0x3FB3]  }
0x2d: {  	s3 =	simm.s32 $0x108;
	s8 =	sld [smem:$0x3FB4]  }
0x2e: {  	s3 =	simm.s32 @!p0 $0x1082;
	s9 =	sld [smem:$0x3FB5]  }
0x2f: {  	lr =	sadd.s32 s0, s3;
	s0 =	sld [smem:$0x3FAC]  }
0x30: {  	s3 =	sld [smem:$0x3FAF]  }
0x31: {  	[smem:$0x3FB8] =	sst s10  }
0x32: {  	s10 =	sld [smem:$0x3FB6];
	_ =	sdelay $0x3  }
0x33: {  	p0 =	seq.s32 s10, $0x1;
	s10 =	sld [smem:$0x3FB8];
	_ =	sdelay $0x3  }
0x34: {  	[smem:$0x3FB8] =	sst s10  }
0x35: {  	s10 =	sld [smem:$0x3FB7];
	_ =	sdelay $0x3  }
0x36: {  	p1 =	seq.s32 s10, $0x1;
	s10 =	sld [smem:$0x3FB8];
	_ =	sdelay $0x3  }
0x37: {  	[smem:$0x3FB8] =	sst s10  }
0x38: {  	s10 =	sld [smem:$0x3FB9]  }
0x39: {  	_ = 	snop;
	(pc) =	sbr.ind lr, $3  }
0x3a: {  	_ = 	snop  }
0x3b: {  	_ = 	snop  }
0x3c: {  	p2 =	seq.s32 s10, $0x1;
	s10 =	sld [smem:$0x3FB8]  }
0x3d: {  	_ =	shalt  }
0x3e: {  	_ =	shalt  }
0x3f: {  	_ =	shalt  }
0x40: {  	_ =	shalt  }
0x41: {  	_ =	shalt  }
0x42: {  	_ =	shalt  }
0x43: {  	_ =	shalt  }
0x44: {  	_ =	shalt  }
0x45: {  	_ =	shalt  }
0x46: {  	_ =	shalt  }
0x47: {  	_ =	shalt  }
0x48: {  	_ =	shalt  }
0x49: {  	_ =	shalt  }
0x4a: {  	_ =	shalt  }
0x4b: {  	_ =	shalt  }
0x4c: {  	_ =	shalt  }
0x4d: {  	_ =	shalt  }
0x4e: {  	_ =	shalt  }
0x4f: {  	_ =	shalt  }
0x50: {  	_ =	shalt  }
0x51: {  	_ =	shalt  }
0x52: {  	_ =	shalt  }
0x53: {  	_ =	shalt  }
0x54: {  	_ =	shalt  }
0x55: {  	_ =	shalt  }
0x56: {  	_ =	shalt  }
0x57: {  	_ =	shalt  }
0x58: {  	_ =	shalt  }
0x59: {  	_ =	shalt  }
0x5a: {  	_ =	shalt  }
0x5b: {  	_ =	shalt  }
0x5c: {  	_ =	shalt  }
0x5d: {  	_ =	shalt  }
0x5e: {  	_ =	shalt  }
0x5f: {  	_ =	shalt  }
0x60: {  	_ =	shalt  }
0x61: {  	_ =	shalt  }
0x62: {  	_ =	shalt  }
0x63: {  	_ =	shalt  }
0x64: {  	_ =	shalt  }
0x65: {  	_ =	shalt  }
0x66: {  	_ =	shalt  }
0x67: {  	_ =	shalt  }
0x68: {  	_ =	shalt  }
0x69: {  	_ =	shalt  }
0x6a: {  	_ =	shalt  }
0x6b: {  	_ =	shalt  }
0x6c: {  	_ =	shalt  }
0x6d: {  	_ =	shalt  }
0x6e: {  	_ =	shalt  }
0x6f: {  	_ =	shalt  }
0x70: {  	_ =	shalt  }
0x71: {  	_ =	shalt  }
0x72: {  	_ =	shalt  }
0x73: {  	_ =	shalt  }
0x74: {  	_ =	shalt  }
0x75: {  	_ =	shalt  }
0x76: {  	_ =	shalt  }
0x77: {  	_ =	shalt  }
0x78: {  	_ =	shalt  }
0x79: {  	_ =	shalt  }
0x7a: {  	_ =	shalt  }
0x7b: {  	_ =	shalt  }
0x7c: {  	_ =	shalt  }
0x7d: {  	_ =	shalt  }
0x7e: {  	_ =	shalt  }
0x7f: {  	_ =	shalt  }
0x80: {  	_ =	shalt  }
0x81: {  	_ =	shalt  }
0x82: {  	_ =	shalt  }
0x83: {  	_ =	shalt  }
0x84: {  	_ =	shalt  }
0x85: {  	_ =	shalt  }
0x86: {  	_ =	shalt  }
0x87: {  	_ =	shalt  }
.Lfunc_end0:
.L_simem_size_0:
called_computation_lowered:
.L_overlay_start_0:
0x88: {  	s0 =	sld [smem:$0x3FD9]  }
0x89: {  	s1 =	sld [smem:$0x3FFE];
	_ =	sdelay $0x3  }
0x8a: {  	s0 =	sadd.s32 s1, s0  }
0x8b: {  	s2 =	simm.s32 $0x0;
	[smem:$0x3FC4] =	sst s0  }
0x8c: {  	[smem:$0xF] =	sst s2  }
0x8d: {  	s0 =	sld [smem:$0x3FC9]  }
0x8e: {  	s1 =	sld [smem:$0x3FC8];
	(tm) =	ssettm $0x1  }
0x8f: {  	s17 =	sld [smem:$0x3FFB];
	_ =	sdelay $0x3  }
0x90: {  	_ =	strace s17  }
0x91: {  	s2 =	sld [smem:$0x3FFC];
	_ =	sdelay $0x3  }
0x92: {  	_ =	strace s2  }
0x93: {  	s2 =	sld [smem:$0x3FFD];
	_ =	sdelay $0x3  }
0x94: {  	_ =	strace s2  }
0x95: {  	s18 =	simm.s32 $0x1B8B;
	_ =	strace $0x8FFFFFFF  }
0x96: {  	_ =	swait.ge [sflag:s18], $0x1  }
0x97: {  	[sflag:s18] =	ssyncset.done $0x0  }
0x98: {  	s3 =	simm.s32 $0x1B8E;
	[sflag:s18] =	ssyncadd.s32 $0xFFFFFFFF  }
0x99: {  	s19 =	simm.s32 $0xA;
	[smem:$0x3FD2] =	sst s3  }
0x9a: {  	s4 =	simm.s32 $0x10;
	s2 =	sld [smem:$0x3FFE];
	_ =	strace $0x80000046  }
0x9b: {  	[smem:s4], [sflag:s19] =	dma.local [hbm:s0], $0x10  }
0x9c: {  	_ =	swait.ge [sflag:s19], $0x10  }
0x9d: {  	[sflag:s19] =	ssyncset.done $0x0  }
0x9e: {  	[sflag:s19] =	ssyncadd.s32 $0xFFFFFFF0  }
0x9f: {  	s20 =	sld [smem:$0x10];
	_ =	sdelay $0x3  }
0xa0: {  	s21 =	sshll.u32 s20, $0xC;
	s0 =	sshll.u32 s20, $0x7  }
0xa1: {  	s3 =	sand.u32 $0xFFFF8000, s21;
	s0 =	sand.u32 $0x380, s0  }
0xa2: {  	s0 =	sor.u32 s0, s3  }
0xa3: {  	s5 =	sadd.s32 $0x800, s2;
	s4 =	simm.s32 $0x80;
	s0 =	sshrl.u32 s0, $0x3  }
0xa4: {  	s3 =	simm.s32 $0x1;
	s6 =	sadd.s32 s1, s0;
	s0 =	simm.s32 $0x9  }
0xa5: {  	[hbm:s5@s4], [sflag:s0] =	dma.strided [hbm:s6@s4], $0x200, s3, $0x10   }
0xa6: {  	s5 =	sld [smem:$0x11];
	_ =	sdelay $0x3  }
0xa7: {  	s22 =	sshll.u32 s5, $0xC;
	s5 =	sshll.u32 s5, $0x7  }
0xa8: {  	s6 =	sand.u32 $0xFFFF8000, s22;
	s5 =	sand.u32 $0x380, s5  }
0xa9: {  	s5 =	sor.u32 s5, s6  }
0xaa: {  	s5 =	sshrl.u32 s5, $0x3  }
0xab: {  	s23 =	sadd.s32 $0x810, s2;
	s5 =	sadd.s32 s1, s5  }
0xac: {  	[hbm:s23@s4], [sflag:s0] =	dma.strided [hbm:s5@s4], $0x200, s3, $0x10   }
0xad: {  	s5 =	sld [smem:$0x12];
	_ =	sdelay $0x3  }
0xae: {  	s24 =	sshll.u32 s5, $0xC;
	s5 =	sshll.u32 s5, $0x7  }
0xaf: {  	s6 =	sand.u32 $0xFFFF8000, s24;
	s5 =	sand.u32 $0x380, s5  }
0xb0: {  	s5 =	sor.u32 s5, s6  }
0xb1: {  	s5 =	sshrl.u32 s5, $0x3  }
0xb2: {  	s25 =	sadd.s32 $0x820, s2;
	s5 =	sadd.s32 s1, s5  }
0xb3: {  	[hbm:s25@s4], [sflag:s0] =	dma.strided [hbm:s5@s4], $0x200, s3, $0x10   }
0xb4: {  	s5 =	sld [smem:$0x13];
	_ =	sdelay $0x3  }
0xb5: {  	s26 =	sshll.u32 s5, $0xC;
	s5 =	sshll.u32 s5, $0x7  }
0xb6: {  	s6 =	sand.u32 $0xFFFF8000, s26;
	s5 =	sand.u32 $0x380, s5  }
0xb7: {  	s5 =	sor.u32 s5, s6  }
0xb8: {  	s5 =	sshrl.u32 s5, $0x3  }
0xb9: {  	s28 =	sadd.s32 $0x830, s2;
	s5 =	sadd.s32 s1, s5  }
0xba: {  	[hbm:s28@s4], [sflag:s0] =	dma.strided [hbm:s5@s4], $0x200, s3, $0x10   }
0xbb: {  	s5 =	sld [smem:$0x14];
	_ =	sdelay $0x3  }
0xbc: {  	s29 =	sshll.u32 s5, $0xC;
	s5 =	sshll.u32 s5, $0x7  }
0xbd: {  	s6 =	sand.u32 $0xFFFF8000, s29;
	s5 =	sand.u32 $0x380, s5  }
0xbe: {  	s5 =	sor.u32 s5, s6  }
0xbf: {  	s5 =	sshrl.u32 s5, $0x3  }
0xc0: {  	s30 =	sadd.s32 $0x840, s2;
	s5 =	sadd.s32 s1, s5  }
0xc1: {  	[hbm:s30@s4], [sflag:s0] =	dma.strided [hbm:s5@s4], $0x200, s3, $0x10   }
0xc2: {  	s5 =	sld [smem:$0x15];
	_ =	sdelay $0x3  }
0xc3: {  	s31 =	sshll.u32 s5, $0xC;
	s5 =	sshll.u32 s5, $0x7  }
0xc4: {  	s6 =	sand.u32 $0xFFFF8000, s31;
	s5 =	sand.u32 $0x380, s5  }
0xc5: {  	s5 =	sor.u32 s5, s6  }
0xc6: {  	s5 =	sshrl.u32 s5, $0x3  }
0xc7: {  	s7 =	sadd.s32 $0x850, s2;
	s5 =	sadd.s32 s1, s5  }
0xc8: {  	[hbm:s7@s4], [sflag:s0] =	dma.strided [hbm:s5@s4], $0x200, s3, $0x10   }
0xc9: {  	s5 =	sld [smem:$0x16];
	_ =	sdelay $0x3  }
0xca: {  	s8 =	sshll.u32 s5, $0xC;
	s5 =	sshll.u32 s5, $0x7  }
0xcb: {  	s6 =	sand.u32 $0xFFFF8000, s8;
	s5 =	sand.u32 $0x380, s5  }
0xcc: {  	s5 =	sor.u32 s5, s6  }
0xcd: {  	s5 =	sshrl.u32 s5, $0x3  }
0xce: {  	s9 =	sadd.s32 $0x860, s2;
	s5 =	sadd.s32 s1, s5  }
0xcf: {  	[hbm:s9@s4], [sflag:s0] =	dma.strided [hbm:s5@s4], $0x200, s3, $0x10   }
0xd0: {  	s5 =	sld [smem:$0x17];
	_ =	sdelay $0x3  }
0xd1: {  	s10 =	sshll.u32 s5, $0xC;
	s5 =	sshll.u32 s5, $0x7  }
0xd2: {  	s6 =	sand.u32 $0xFFFF8000, s10;
	s5 =	sand.u32 $0x380, s5  }
0xd3: {  	s5 =	sor.u32 s5, s6  }
0xd4: {  	s5 =	sshrl.u32 s5, $0x3  }
0xd5: {  	s11 =	sadd.s32 $0x870, s2;
	s5 =	sadd.s32 s1, s5  }
0xd6: {  	[hbm:s11@s4], [sflag:s0] =	dma.strided [hbm:s5@s4], $0x200, s3, $0x10   }
0xd7: {  	s5 =	sld [smem:$0x18];
	_ =	sdelay $0x3  }
0xd8: {  	s12 =	sshll.u32 s5, $0xC;
	s5 =	sshll.u32 s5, $0x7  }
0xd9: {  	s6 =	sand.u32 $0xFFFF8000, s12;
	s5 =	sand.u32 $0x380, s5  }
0xda: {  	s5 =	sor.u32 s5, s6  }
0xdb: {  	s5 =	sshrl.u32 s5, $0x3  }
0xdc: {  	s13 =	sadd.s32 $0x1800, s2;
	s5 =	sadd.s32 s1, s5  }
0xdd: {  	[hbm:s13@s4], [sflag:s0] =	dma.strided [hbm:s5@s4], $0x200, s3, $0x10   }
0xde: {  	s5 =	sld [smem:$0x19];
	_ =	sdelay $0x3  }
0xdf: {  	s14 =	sshll.u32 s5, $0xC;
	s5 =	sshll.u32 s5, $0x7  }
0xe0: {  	s6 =	sand.u32 $0xFFFF8000, s14;
	s5 =	sand.u32 $0x380, s5  }
0xe1: {  	s5 =	sor.u32 s5, s6  }
0xe2: {  	s5 =	sshrl.u32 s5, $0x3  }
0xe3: {  	s15 =	sadd.s32 $0x1810, s2;
	s5 =	sadd.s32 s1, s5  }
0xe4: {  	[hbm:s15@s4], [sflag:s0] =	dma.strided [hbm:s5@s4], $0x200, s3, $0x10   }
0xe5: {  	s5 =	sld [smem:$0x1A];
	_ =	sdelay $0x3  }
0xe6: {  	s16 =	sshll.u32 s5, $0xC;
	s5 =	sshll.u32 s5, $0x7  }
0xe7: {  	s6 =	sand.u32 $0xFFFF8000, s16;
	s5 =	sand.u32 $0x380, s5  }
0xe8: {  	s5 =	sor.u32 s5, s6  }
0xe9: {  	s5 =	sshrl.u32 s5, $0x3  }
0xea: {  	s17 =	sadd.s32 $0x1820, s2;
	s5 =	sadd.s32 s1, s5  }
0xeb: {  	[hbm:s17@s4], [sflag:s0] =	dma.strided [hbm:s5@s4], $0x200, s3, $0x10   }
0xec: {  	s5 =	sld [smem:$0x1B];
	_ =	sdelay $0x3  }
0xed: {  	s18 =	sshll.u32 s5, $0xC;
	s5 =	sshll.u32 s5, $0x7  }
0xee: {  	s6 =	sand.u32 $0xFFFF8000, s18;
	s5 =	sand.u32 $0x380, s5  }
0xef: {  	s5 =	sor.u32 s5, s6  }
0xf0: {  	s5 =	sshrl.u32 s5, $0x3  }
0xf1: {  	s19 =	sadd.s32 $0x1830, s2;
	s5 =	sadd.s32 s1, s5  }
0xf2: {  	[hbm:s19@s4], [sflag:s0] =	dma.strided [hbm:s5@s4], $0x200, s3, $0x10   }
0xf3: {  	s5 =	sld [smem:$0x1C];
	_ =	sdelay $0x3  }
0xf4: {  	s20 =	sshll.u32 s5, $0xC;
	s5 =	sshll.u32 s5, $0x7  }
0xf5: {  	s6 =	sand.u32 $0xFFFF8000, s20;
	s5 =	sand.u32 $0x380, s5  }
0xf6: {  	s5 =	sor.u32 s5, s6  }
0xf7: {  	s5 =	sshrl.u32 s5, $0x3  }
0xf8: {  	s21 =	sadd.s32 $0x1840, s2;
	s5 =	sadd.s32 s1, s5  }
0xf9: {  	[hbm:s21@s4], [sflag:s0] =	dma.strided [hbm:s5@s4], $0x200, s3, $0x10   }
0xfa: {  	s5 =	sld [smem:$0x1D];
	_ =	sdelay $0x3  }
0xfb: {  	s22 =	sshll.u32 s5, $0xC;
	s5 =	sshll.u32 s5, $0x7  }
0xfc: {  	s6 =	sand.u32 $0xFFFF8000, s22;
	s5 =	sand.u32 $0x380, s5  }
0xfd: {  	s5 =	sor.u32 s5, s6  }
0xfe: {  	s5 =	sshrl.u32 s5, $0x3  }
0xff: {  	s23 =	sadd.s32 $0x1850, s2;
	s5 =	sadd.s32 s1, s5  }
0x100: {  	[hbm:s23@s4], [sflag:s0] =	dma.strided [hbm:s5@s4], $0x200, s3, $0x10   }
0x101: {  	s5 =	sld [smem:$0x1E];
	_ =	sdelay $0x3  }
0x102: {  	s24 =	sshll.u32 s5, $0xC;
	s5 =	sshll.u32 s5, $0x7  }
0x103: {  	s6 =	sand.u32 $0xFFFF8000, s24;
	s5 =	sand.u32 $0x380, s5  }
0x104: {  	s5 =	sor.u32 s5, s6  }
0x105: {  	s5 =	sshrl.u32 s5, $0x3  }
0x106: {  	s25 =	sadd.s32 $0x1860, s2;
	s5 =	sadd.s32 s1, s5  }
0x107: {  	[hbm:s25@s4], [sflag:s0] =	dma.strided [hbm:s5@s4], $0x200, s3, $0x10   }
0x108: {  	s5 =	sld [smem:$0x1F];
	_ =	sdelay $0x3  }
0x109: {  	s26 =	sshll.u32 s5, $0xC;
	s5 =	sshll.u32 s5, $0x7  }
0x10a: {  	s6 =	sand.u32 $0xFFFF8000, s26;
	s5 =	sand.u32 $0x380, s5  }
0x10b: {  	s5 =	sor.u32 s5, s6  }
0x10c: {  	s5 =	sshrl.u32 s5, $0x3  }
0x10d: {  	s28 =	sadd.s32 $0x1870, s2;
	s5 =	sadd.s32 s1, s5  }
0x10e: {  	[hbm:s28@s4], [sflag:s0] =	dma.strided [hbm:s5@s4], $0x200, s3, $0x10   }
0x10f: {  	s5 =	sld [smem:$0x20];
	_ =	sdelay $0x3  }
0x110: {  	s29 =	sshll.u32 s5, $0xC;
	s5 =	sshll.u32 s5, $0x7  }
0x111: {  	s6 =	sand.u32 $0xFFFF8000, s29;
	s5 =	sand.u32 $0x380, s5  }
0x112: {  	s5 =	sor.u32 s5, s6  }
0x113: {  	s5 =	sshrl.u32 s5, $0x3  }
0x114: {  	s30 =	sadd.s32 $0x2800, s2;
	s5 =	sadd.s32 s1, s5  }
0x115: {  	[hbm:s30@s4], [sflag:s0] =	dma.strided [hbm:s5@s4], $0x200, s3, $0x10   }
0x116: {  	s5 =	sld [smem:$0x21];
	_ =	sdelay $0x3  }
0x117: {  	s31 =	sshll.u32 s5, $0xC;
	s5 =	sshll.u32 s5, $0x7  }
0x118: {  	s6 =	sand.u32 $0xFFFF8000, s31;
	s5 =	sand.u32 $0x380, s5  }
0x119: {  	s5 =	sor.u32 s5, s6  }
0x11a: {  	s5 =	sshrl.u32 s5, $0x3  }
0x11b: {  	s7 =	sadd.s32 $0x2810, s2;
	s5 =	sadd.s32 s1, s5  }
0x11c: {  	[hbm:s7@s4], [sflag:s0] =	dma.strided [hbm:s5@s4], $0x200, s3, $0x10   }
0x11d: {  	s5 =	sld [smem:$0x22];
	_ =	sdelay $0x3  }
0x11e: {  	s8 =	sshll.u32 s5, $0xC;
	s5 =	sshll.u32 s5, $0x7  }
0x11f: {  	s6 =	sand.u32 $0xFFFF8000, s8;
	s5 =	sand.u32 $0x380, s5  }
0x120: {  	s5 =	sor.u32 s5, s6  }
0x121: {  	s5 =	sshrl.u32 s5, $0x3  }
0x122: {  	s9 =	sadd.s32 $0x2820, s2;
	s5 =	sadd.s32 s1, s5  }
0x123: {  	[hbm:s9@s4], [sflag:s0] =	dma.strided [hbm:s5@s4], $0x200, s3, $0x10   }
0x124: {  	s5 =	sld [smem:$0x23];
	_ =	sdelay $0x3  }
0x125: {  	s10 =	sshll.u32 s5, $0xC;
	s5 =	sshll.u32 s5, $0x7  }
0x126: {  	s6 =	sand.u32 $0xFFFF8000, s10;
	s5 =	sand.u32 $0x380, s5  }
0x127: {  	s5 =	sor.u32 s5, s6  }
0x128: {  	s5 =	sshrl.u32 s5, $0x3  }
0x129: {  	s11 =	sadd.s32 $0x2830, s2;
	s5 =	sadd.s32 s1, s5  }
0x12a: {  	[hbm:s11@s4], [sflag:s0] =	dma.strided [hbm:s5@s4], $0x200, s3, $0x10   }
0x12b: {  	s5 =	sld [smem:$0x24];
	_ =	sdelay $0x3  }
0x12c: {  	s12 =	sshll.u32 s5, $0xC;
	s5 =	sshll.u32 s5, $0x7  }
0x12d: {  	s6 =	sand.u32 $0xFFFF8000, s12;
	s5 =	sand.u32 $0x380, s5  }
0x12e: {  	s5 =	sor.u32 s5, s6  }
0x12f: {  	s5 =	sshrl.u32 s5, $0x3  }
0x130: {  	s13 =	sadd.s32 $0x2840, s2;
	s5 =	sadd.s32 s1, s5  }
0x131: {  	[hbm:s13@s4], [sflag:s0] =	dma.strided [hbm:s5@s4], $0x200, s3, $0x10   }
0x132: {  	s5 =	sld [smem:$0x25];
	_ =	sdelay $0x3  }
0x133: {  	s14 =	sshll.u32 s5, $0xC;
	s5 =	sshll.u32 s5, $0x7  }
0x134: {  	s6 =	sand.u32 $0xFFFF8000, s14;
	s5 =	sand.u32 $0x380, s5  }
0x135: {  	s5 =	sor.u32 s5, s6  }
0x136: {  	s5 =	sshrl.u32 s5, $0x3  }
0x137: {  	s15 =	sadd.s32 $0x2850, s2;
	s5 =	sadd.s32 s1, s5  }
0x138: {  	[hbm:s15@s4], [sflag:s0] =	dma.strided [hbm:s5@s4], $0x200, s3, $0x10   }
0x139: {  	s5 =	sld [smem:$0x26];
	_ =	sdelay $0x3  }
0x13a: {  	s16 =	sshll.u32 s5, $0xC;
	s5 =	sshll.u32 s5, $0x7  }
0x13b: {  	s6 =	sand.u32 $0xFFFF8000, s16;
	s5 =	sand.u32 $0x380, s5  }
0x13c: {  	s5 =	sor.u32 s5, s6  }
0x13d: {  	s5 =	sshrl.u32 s5, $0x3  }
0x13e: {  	s17 =	sadd.s32 $0x2860, s2;
	s5 =	sadd.s32 s1, s5  }
0x13f: {  	[hbm:s17@s4], [sflag:s0] =	dma.strided [hbm:s5@s4], $0x200, s3, $0x10   }
0x140: {  	s5 =	sld [smem:$0x27];
	_ =	sdelay $0x3  }
0x141: {  	s18 =	sshll.u32 s5, $0xC;
	s5 =	sshll.u32 s5, $0x7  }
0x142: {  	s6 =	sand.u32 $0xFFFF8000, s18;
	s5 =	sand.u32 $0x380, s5  }
0x143: {  	s5 =	sor.u32 s5, s6  }
0x144: {  	s5 =	sshrl.u32 s5, $0x3  }
0x145: {  	s19 =	sadd.s32 $0x2870, s2;
	s5 =	sadd.s32 s1, s5  }
0x146: {  	[hbm:s19@s4], [sflag:s0] =	dma.strided [hbm:s5@s4], $0x200, s3, $0x10   }
0x147: {  	s5 =	sld [smem:$0x28];
	_ =	sdelay $0x3  }
0x148: {  	s20 =	sshll.u32 s5, $0xC;
	s5 =	sshll.u32 s5, $0x7  }
0x149: {  	s6 =	sand.u32 $0xFFFF8000, s20;
	s5 =	sand.u32 $0x380, s5  }
0x14a: {  	s5 =	sor.u32 s5, s6  }
0x14b: {  	s5 =	sshrl.u32 s5, $0x3  }
0x14c: {  	s21 =	sadd.s32 $0x3800, s2;
	s5 =	sadd.s32 s1, s5  }
0x14d: {  	[hbm:s21@s4], [sflag:s0] =	dma.strided [hbm:s5@s4], $0x200, s3, $0x10   }
0x14e: {  	s5 =	sld [smem:$0x29];
	_ =	sdelay $0x3  }
0x14f: {  	s22 =	sshll.u32 s5, $0xC;
	s5 =	sshll.u32 s5, $0x7  }
0x150: {  	s6 =	sand.u32 $0xFFFF8000, s22;
	s5 =	sand.u32 $0x380, s5  }
0x151: {  	s5 =	sor.u32 s5, s6  }
0x152: {  	s5 =	sshrl.u32 s5, $0x3  }
0x153: {  	s23 =	sadd.s32 $0x3810, s2;
	s5 =	sadd.s32 s1, s5  }
0x154: {  	[hbm:s23@s4], [sflag:s0] =	dma.strided [hbm:s5@s4], $0x200, s3, $0x10   }
0x155: {  	s5 =	sld [smem:$0x2A];
	_ =	sdelay $0x3  }
0x156: {  	s24 =	sshll.u32 s5, $0xC;
	s5 =	sshll.u32 s5, $0x7  }
0x157: {  	s6 =	sand.u32 $0xFFFF8000, s24;
	s5 =	sand.u32 $0x380, s5  }
0x158: {  	s5 =	sor.u32 s5, s6  }
0x159: {  	s5 =	sshrl.u32 s5, $0x3  }
0x15a: {  	s25 =	sadd.s32 $0x3820, s2;
	s5 =	sadd.s32 s1, s5  }
0x15b: {  	[hbm:s25@s4], [sflag:s0] =	dma.strided [hbm:s5@s4], $0x200, s3, $0x10   }
0x15c: {  	s5 =	sld [smem:$0x2B];
	_ =	sdelay $0x3  }
0x15d: {  	s26 =	sshll.u32 s5, $0xC;
	s5 =	sshll.u32 s5, $0x7  }
0x15e: {  	s6 =	sand.u32 $0xFFFF8000, s26;
	s5 =	sand.u32 $0x380, s5  }
0x15f: {  	s5 =	sor.u32 s5, s6  }
0x160: {  	s5 =	sshrl.u32 s5, $0x3  }
0x161: {  	s28 =	sadd.s32 $0x3830, s2;
	s5 =	sadd.s32 s1, s5  }
0x162: {  	[hbm:s28@s4], [sflag:s0] =	dma.strided [hbm:s5@s4], $0x200, s3, $0x10   }
0x163: {  	s5 =	sld [smem:$0x2C];
	_ =	sdelay $0x3  }
0x164: {  	s29 =	sshll.u32 s5, $0xC;
	s5 =	sshll.u32 s5, $0x7  }
0x165: {  	s6 =	sand.u32 $0xFFFF8000, s29;
	s5 =	sand.u32 $0x380, s5  }
0x166: {  	s5 =	sor.u32 s5, s6  }
0x167: {  	s5 =	sshrl.u32 s5, $0x3  }
0x168: {  	s30 =	sadd.s32 $0x3840, s2;
	s5 =	sadd.s32 s1, s5  }
0x169: {  	[hbm:s30@s4], [sflag:s0] =	dma.strided [hbm:s5@s4], $0x200, s3, $0x10   }
0x16a: {  	s5 =	sld [smem:$0x2D];
	_ =	sdelay $0x3  }
0x16b: {  	s31 =	sshll.u32 s5, $0xC;
	s5 =	sshll.u32 s5, $0x7  }
0x16c: {  	s6 =	sand.u32 $0xFFFF8000, s31;
	s5 =	sand.u32 $0x380, s5  }
0x16d: {  	s5 =	sor.u32 s5, s6  }
0x16e: {  	s5 =	sshrl.u32 s5, $0x3  }
0x16f: {  	s7 =	sadd.s32 $0x3850, s2;
	s5 =	sadd.s32 s1, s5  }
0x170: {  	[hbm:s7@s4], [sflag:s0] =	dma.strided [hbm:s5@s4], $0x200, s3, $0x10   }
0x171: {  	s5 =	sld [smem:$0x2E];
	_ =	sdelay $0x3  }
0x172: {  	s8 =	sshll.u32 s5, $0xC;
	s5 =	sshll.u32 s5, $0x7  }
0x173: {  	s6 =	sand.u32 $0xFFFF8000, s8;
	s5 =	sand.u32 $0x380, s5  }
0x174: {  	s5 =	sor.u32 s5, s6  }
0x175: {  	s5 =	sshrl.u32 s5, $0x3  }
0x176: {  	s9 =	sadd.s32 $0x3860, s2;
	s5 =	sadd.s32 s1, s5  }
0x177: {  	[hbm:s9@s4], [sflag:s0] =	dma.strided [hbm:s5@s4], $0x200, s3, $0x10   }
0x178: {  	s5 =	sld [smem:$0x2F];
	_ =	sdelay $0x3  }
0x179: {  	s10 =	sshll.u32 s5, $0xC;
	s5 =	sshll.u32 s5, $0x7  }
0x17a: {  	s6 =	sand.u32 $0xFFFF8000, s10;
	s5 =	sand.u32 $0x380, s5  }
0x17b: {  	s5 =	sor.u32 s5, s6  }
0x17c: {  	s5 =	sshrl.u32 s5, $0x3  }
0x17d: {  	s11 =	sadd.s32 $0x3870, s2;
	s5 =	sadd.s32 s1, s5  }
0x17e: {  	[hbm:s11@s4], [sflag:s0] =	dma.strided [hbm:s5@s4], $0x200, s3, $0x10   }
0x17f: {  	s5 =	sld [smem:$0x30];
	_ =	sdelay $0x3  }
0x180: {  	s12 =	sshll.u32 s5, $0xC;
	s5 =	sshll.u32 s5, $0x7  }
0x181: {  	s6 =	sand.u32 $0xFFFF8000, s12;
	s5 =	sand.u32 $0x380, s5  }
0x182: {  	s5 =	sor.u32 s5, s6  }
0x183: {  	s5 =	sshrl.u32 s5, $0x3  }
0x184: {  	s13 =	sadd.s32 $0x4800, s2;
	s5 =	sadd.s32 s1, s5  }
0x185: {  	[hbm:s13@s4], [sflag:s0] =	dma.strided [hbm:s5@s4], $0x200, s3, $0x10   }
0x186: {  	s5 =	sld [smem:$0x31];
	_ =	sdelay $0x3  }
0x187: {  	s14 =	sshll.u32 s5, $0xC;
	s5 =	sshll.u32 s5, $0x7  }
0x188: {  	s6 =	sand.u32 $0xFFFF8000, s14;
	s5 =	sand.u32 $0x380, s5  }
0x189: {  	s5 =	sor.u32 s5, s6  }
0x18a: {  	s5 =	sshrl.u32 s5, $0x3  }
0x18b: {  	s15 =	sadd.s32 $0x4810, s2;
	s5 =	sadd.s32 s1, s5  }
0x18c: {  	[hbm:s15@s4], [sflag:s0] =	dma.strided [hbm:s5@s4], $0x200, s3, $0x10   }
0x18d: {  	s5 =	sld [smem:$0x32];
	_ =	sdelay $0x3  }
0x18e: {  	s16 =	sshll.u32 s5, $0xC;
	s5 =	sshll.u32 s5, $0x7  }
0x18f: {  	s6 =	sand.u32 $0xFFFF8000, s16;
	s5 =	sand.u32 $0x380, s5  }
0x190: {  	s5 =	sor.u32 s5, s6  }
0x191: {  	s5 =	sshrl.u32 s5, $0x3  }
0x192: {  	s17 =	sadd.s32 $0x4820, s2;
	s5 =	sadd.s32 s1, s5  }
0x193: {  	[hbm:s17@s4], [sflag:s0] =	dma.strided [hbm:s5@s4], $0x200, s3, $0x10   }
0x194: {  	s5 =	sld [smem:$0x33];
	_ =	sdelay $0x3  }
0x195: {  	s18 =	sshll.u32 s5, $0xC;
	s5 =	sshll.u32 s5, $0x7  }
0x196: {  	s6 =	sand.u32 $0xFFFF8000, s18;
	s5 =	sand.u32 $0x380, s5  }
0x197: {  	s5 =	sor.u32 s5, s6  }
0x198: {  	s5 =	sshrl.u32 s5, $0x3  }
0x199: {  	s19 =	sadd.s32 $0x4830, s2;
	s5 =	sadd.s32 s1, s5  }
0x19a: {  	[hbm:s19@s4], [sflag:s0] =	dma.strided [hbm:s5@s4], $0x200, s3, $0x10   }
0x19b: {  	s5 =	sld [smem:$0x34];
	_ =	sdelay $0x3  }
0x19c: {  	s20 =	sshll.u32 s5, $0xC;
	s5 =	sshll.u32 s5, $0x7  }
0x19d: {  	s6 =	sand.u32 $0xFFFF8000, s20;
	s5 =	sand.u32 $0x380, s5  }
0x19e: {  	s5 =	sor.u32 s5, s6  }
0x19f: {  	s5 =	sshrl.u32 s5, $0x3  }
0x1a0: {  	s21 =	sadd.s32 $0x4840, s2;
	s5 =	sadd.s32 s1, s5  }
0x1a1: {  	[hbm:s21@s4], [sflag:s0] =	dma.strided [hbm:s5@s4], $0x200, s3, $0x10   }
0x1a2: {  	s5 =	sld [smem:$0x35];
	_ =	sdelay $0x3  }
0x1a3: {  	s22 =	sshll.u32 s5, $0xC;
	s5 =	sshll.u32 s5, $0x7  }
0x1a4: {  	s6 =	sand.u32 $0xFFFF8000, s22;
	s5 =	sand.u32 $0x380, s5  }
0x1a5: {  	s5 =	sor.u32 s5, s6  }
0x1a6: {  	s5 =	sshrl.u32 s5, $0x3  }
0x1a7: {  	s23 =	sadd.s32 $0x4850, s2;
	s5 =	sadd.s32 s1, s5  }
0x1a8: {  	[hbm:s23@s4], [sflag:s0] =	dma.strided [hbm:s5@s4], $0x200, s3, $0x10   }
0x1a9: {  	s5 =	sld [smem:$0x36];
	_ =	sdelay $0x3  }
0x1aa: {  	s24 =	sshll.u32 s5, $0xC;
	s5 =	sshll.u32 s5, $0x7  }
0x1ab: {  	s6 =	sand.u32 $0xFFFF8000, s24;
	s5 =	sand.u32 $0x380, s5  }
0x1ac: {  	s5 =	sor.u32 s5, s6  }
0x1ad: {  	s5 =	sshrl.u32 s5, $0x3  }
0x1ae: {  	s25 =	sadd.s32 $0x4860, s2;
	s5 =	sadd.s32 s1, s5  }
0x1af: {  	[hbm:s25@s4], [sflag:s0] =	dma.strided [hbm:s5@s4], $0x200, s3, $0x10   }
0x1b0: {  	s5 =	sld [smem:$0x37];
	_ =	sdelay $0x3  }
0x1b1: {  	s26 =	sshll.u32 s5, $0xC;
	s5 =	sshll.u32 s5, $0x7  }
0x1b2: {  	s6 =	sand.u32 $0xFFFF8000, s26;
	s5 =	sand.u32 $0x380, s5  }
0x1b3: {  	s5 =	sor.u32 s5, s6  }
0x1b4: {  	s5 =	sshrl.u32 s5, $0x3  }
0x1b5: {  	s28 =	sadd.s32 $0x4870, s2;
	s5 =	sadd.s32 s1, s5  }
0x1b6: {  	[hbm:s28@s4], [sflag:s0] =	dma.strided [hbm:s5@s4], $0x200, s3, $0x10   }
0x1b7: {  	s5 =	sld [smem:$0x38];
	_ =	sdelay $0x3  }
0x1b8: {  	s29 =	sshll.u32 s5, $0xC;
	s5 =	sshll.u32 s5, $0x7  }
0x1b9: {  	s6 =	sand.u32 $0xFFFF8000, s29;
	s5 =	sand.u32 $0x380, s5  }
0x1ba: {  	s5 =	sor.u32 s5, s6  }
0x1bb: {  	s5 =	sshrl.u32 s5, $0x3  }
0x1bc: {  	s30 =	sadd.s32 $0x5800, s2;
	s5 =	sadd.s32 s1, s5  }
0x1bd: {  	[hbm:s30@s4], [sflag:s0] =	dma.strided [hbm:s5@s4], $0x200, s3, $0x10   }
0x1be: {  	s5 =	sld [smem:$0x39];
	_ =	sdelay $0x3  }
0x1bf: {  	s31 =	sshll.u32 s5, $0xC;
	s5 =	sshll.u32 s5, $0x7  }
0x1c0: {  	s6 =	sand.u32 $0xFFFF8000, s31;
	s5 =	sand.u32 $0x380, s5  }
0x1c1: {  	s5 =	sor.u32 s5, s6  }
0x1c2: {  	s5 =	sshrl.u32 s5, $0x3  }
0x1c3: {  	s7 =	sadd.s32 $0x5810, s2;
	s5 =	sadd.s32 s1, s5  }
0x1c4: {  	[hbm:s7@s4], [sflag:s0] =	dma.strided [hbm:s5@s4], $0x200, s3, $0x10   }
0x1c5: {  	s5 =	sld [smem:$0x3A];
	_ =	sdelay $0x3  }
0x1c6: {  	s8 =	sshll.u32 s5, $0xC;
	s5 =	sshll.u32 s5, $0x7  }
0x1c7: {  	s6 =	sand.u32 $0xFFFF8000, s8;
	s5 =	sand.u32 $0x380, s5  }
0x1c8: {  	s5 =	sor.u32 s5, s6  }
0x1c9: {  	s5 =	sshrl.u32 s5, $0x3  }
0x1ca: {  	s9 =	sadd.s32 $0x5820, s2;
	s5 =	sadd.s32 s1, s5  }
0x1cb: {  	[hbm:s9@s4], [sflag:s0] =	dma.strided [hbm:s5@s4], $0x200, s3, $0x10   }
0x1cc: {  	s5 =	sld [smem:$0x3B];
	_ =	sdelay $0x3  }
0x1cd: {  	s10 =	sshll.u32 s5, $0xC;
	s5 =	sshll.u32 s5, $0x7  }
0x1ce: {  	s6 =	sand.u32 $0xFFFF8000, s10;
	s5 =	sand.u32 $0x380, s5  }
0x1cf: {  	s5 =	sor.u32 s5, s6  }
0x1d0: {  	s5 =	sshrl.u32 s5, $0x3  }
0x1d1: {  	s11 =	sadd.s32 $0x5830, s2;
	s5 =	sadd.s32 s1, s5  }
0x1d2: {  	[hbm:s11@s4], [sflag:s0] =	dma.strided [hbm:s5@s4], $0x200, s3, $0x10   }
0x1d3: {  	s5 =	sld [smem:$0x3C];
	_ =	sdelay $0x3  }
0x1d4: {  	s12 =	sshll.u32 s5, $0xC;
	s5 =	sshll.u32 s5, $0x7  }
0x1d5: {  	s6 =	sand.u32 $0xFFFF8000, s12;
	s5 =	sand.u32 $0x380, s5  }
0x1d6: {  	s5 =	sor.u32 s5, s6  }
0x1d7: {  	s5 =	sshrl.u32 s5, $0x3  }
0x1d8: {  	s13 =	sadd.s32 $0x5840, s2;
	s5 =	sadd.s32 s1, s5  }
0x1d9: {  	[hbm:s13@s4], [sflag:s0] =	dma.strided [hbm:s5@s4], $0x200, s3, $0x10   }
0x1da: {  	s5 =	sld [smem:$0x3D];
	_ =	sdelay $0x3  }
0x1db: {  	s14 =	sshll.u32 s5, $0xC;
	s5 =	sshll.u32 s5, $0x7  }
0x1dc: {  	s6 =	sand.u32 $0xFFFF8000, s14;
	s5 =	sand.u32 $0x380, s5  }
0x1dd: {  	s5 =	sor.u32 s5, s6  }
0x1de: {  	s5 =	sshrl.u32 s5, $0x3  }
0x1df: {  	s15 =	sadd.s32 $0x5850, s2;
	s5 =	sadd.s32 s1, s5  }
0x1e0: {  	[hbm:s15@s4], [sflag:s0] =	dma.strided [hbm:s5@s4], $0x200, s3, $0x10   }
0x1e1: {  	s5 =	sld [smem:$0x3E];
	_ =	sdelay $0x3  }
0x1e2: {  	s16 =	sshll.u32 s5, $0xC;
	s5 =	sshll.u32 s5, $0x7  }
0x1e3: {  	s6 =	sand.u32 $0xFFFF8000, s16;
	s5 =	sand.u32 $0x380, s5  }
0x1e4: {  	s5 =	sor.u32 s5, s6  }
0x1e5: {  	s5 =	sshrl.u32 s5, $0x3  }
0x1e6: {  	s17 =	sadd.s32 $0x5860, s2;
	s5 =	sadd.s32 s1, s5  }
0x1e7: {  	[hbm:s17@s4], [sflag:s0] =	dma.strided [hbm:s5@s4], $0x200, s3, $0x10   }
0x1e8: {  	s5 =	sld [smem:$0x3F];
	_ =	sdelay $0x3  }
0x1e9: {  	s18 =	sshll.u32 s5, $0xC;
	s5 =	sshll.u32 s5, $0x7  }
0x1ea: {  	s6 =	sand.u32 $0xFFFF8000, s18;
	s5 =	sand.u32 $0x380, s5  }
0x1eb: {  	s5 =	sor.u32 s5, s6  }
0x1ec: {  	s5 =	sshrl.u32 s5, $0x3  }
0x1ed: {  	s19 =	sadd.s32 $0x5870, s2;
	s5 =	sadd.s32 s1, s5  }
0x1ee: {  	[hbm:s19@s4], [sflag:s0] =	dma.strided [hbm:s5@s4], $0x200, s3, $0x10   }
0x1ef: {  	s5 =	sld [smem:$0x40];
	_ =	sdelay $0x3  }
0x1f0: {  	s20 =	sshll.u32 s5, $0xC;
	s5 =	sshll.u32 s5, $0x7  }
0x1f1: {  	s6 =	sand.u32 $0xFFFF8000, s20;
	s5 =	sand.u32 $0x380, s5  }
0x1f2: {  	s5 =	sor.u32 s5, s6  }
0x1f3: {  	s5 =	sshrl.u32 s5, $0x3  }
0x1f4: {  	s21 =	sadd.s32 $0x6800, s2;
	s5 =	sadd.s32 s1, s5  }
0x1f5: {  	[hbm:s21@s4], [sflag:s0] =	dma.strided [hbm:s5@s4], $0x200, s3, $0x10   }
0x1f6: {  	s5 =	sld [smem:$0x41];
	_ =	sdelay $0x3  }
0x1f7: {  	s22 =	sshll.u32 s5, $0xC;
	s5 =	sshll.u32 s5, $0x7  }
0x1f8: {  	s6 =	sand.u32 $0xFFFF8000, s22;
	s5 =	sand.u32 $0x380, s5  }
0x1f9: {  	s5 =	sor.u32 s5, s6  }
0x1fa: {  	s5 =	sshrl.u32 s5, $0x3  }
0x1fb: {  	s23 =	sadd.s32 $0x6810, s2;
	s5 =	sadd.s32 s1, s5  }
0x1fc: {  	[hbm:s23@s4], [sflag:s0] =	dma.strided [hbm:s5@s4], $0x200, s3, $0x10   }
0x1fd: {  	s5 =	sld [smem:$0x42];
	_ =	sdelay $0x3  }
0x1fe: {  	s24 =	sshll.u32 s5, $0xC;
	s5 =	sshll.u32 s5, $0x7  }
0x1ff: {  	s6 =	sand.u32 $0xFFFF8000, s24;
	s5 =	sand.u32 $0x380, s5  }
0x200: {  	s5 =	sor.u32 s5, s6  }
0x201: {  	s5 =	sshrl.u32 s5, $0x3  }
0x202: {  	s25 =	sadd.s32 $0x6820, s2;
	s5 =	sadd.s32 s1, s5  }
0x203: {  	[hbm:s25@s4], [sflag:s0] =	dma.strided [hbm:s5@s4], $0x200, s3, $0x10   }
0x204: {  	s5 =	sld [smem:$0x43];
	_ =	sdelay $0x3  }
0x205: {  	s26 =	sshll.u32 s5, $0xC;
	s5 =	sshll.u32 s5, $0x7  }
0x206: {  	s6 =	sand.u32 $0xFFFF8000, s26;
	s5 =	sand.u32 $0x380, s5  }
0x207: {  	s5 =	sor.u32 s5, s6  }
0x208: {  	s5 =	sshrl.u32 s5, $0x3  }
0x209: {  	s28 =	sadd.s32 $0x6830, s2;
	s5 =	sadd.s32 s1, s5  }
0x20a: {  	[hbm:s28@s4], [sflag:s0] =	dma.strided [hbm:s5@s4], $0x200, s3, $0x10   }
0x20b: {  	s5 =	sld [smem:$0x44];
	_ =	sdelay $0x3  }
0x20c: {  	s29 =	sshll.u32 s5, $0xC;
	s5 =	sshll.u32 s5, $0x7  }
0x20d: {  	s6 =	sand.u32 $0xFFFF8000, s29;
	s5 =	sand.u32 $0x380, s5  }
0x20e: {  	s5 =	sor.u32 s5, s6  }
0x20f: {  	s5 =	sshrl.u32 s5, $0x3  }
0x210: {  	s30 =	sadd.s32 $0x6840, s2;
	s5 =	sadd.s32 s1, s5  }
0x211: {  	[hbm:s30@s4], [sflag:s0] =	dma.strided [hbm:s5@s4], $0x200, s3, $0x10   }
0x212: {  	s5 =	sld [smem:$0x45];
	_ =	sdelay $0x3  }
0x213: {  	s31 =	sshll.u32 s5, $0xC;
	s5 =	sshll.u32 s5, $0x7  }
0x214: {  	s6 =	sand.u32 $0xFFFF8000, s31;
	s5 =	sand.u32 $0x380, s5  }
0x215: {  	s5 =	sor.u32 s5, s6  }
0x216: {  	s5 =	sshrl.u32 s5, $0x3  }
0x217: {  	s7 =	sadd.s32 $0x6850, s2;
	s5 =	sadd.s32 s1, s5  }
0x218: {  	[hbm:s7@s4], [sflag:s0] =	dma.strided [hbm:s5@s4], $0x200, s3, $0x10   }
0x219: {  	s5 =	sld [smem:$0x46];
	_ =	sdelay $0x3  }
0x21a: {  	s8 =	sshll.u32 s5, $0xC;
	s5 =	sshll.u32 s5, $0x7  }
0x21b: {  	s6 =	sand.u32 $0xFFFF8000, s8;
	s5 =	sand.u32 $0x380, s5  }
0x21c: {  	s5 =	sor.u32 s5, s6  }
0x21d: {  	s5 =	sshrl.u32 s5, $0x3  }
0x21e: {  	s9 =	sadd.s32 $0x6860, s2;
	s5 =	sadd.s32 s1, s5  }
0x21f: {  	[hbm:s9@s4], [sflag:s0] =	dma.strided [hbm:s5@s4], $0x200, s3, $0x10   }
0x220: {  	s5 =	sld [smem:$0x47];
	_ =	sdelay $0x3  }
0x221: {  	s10 =	sshll.u32 s5, $0xC;
	s5 =	sshll.u32 s5, $0x7  }
0x222: {  	s6 =	sand.u32 $0xFFFF8000, s10;
	s5 =	sand.u32 $0x380, s5  }
0x223: {  	s5 =	sor.u32 s5, s6  }
0x224: {  	s5 =	sshrl.u32 s5, $0x3  }
0x225: {  	s11 =	sadd.s32 $0x6870, s2;
	s5 =	sadd.s32 s1, s5  }
0x226: {  	[hbm:s11@s4], [sflag:s0] =	dma.strided [hbm:s5@s4], $0x200, s3, $0x10   }
0x227: {  	s5 =	sld [smem:$0x48];
	_ =	sdelay $0x3  }
0x228: {  	s12 =	sshll.u32 s5, $0xC;
	s5 =	sshll.u32 s5, $0x7  }
0x229: {  	s6 =	sand.u32 $0xFFFF8000, s12;
	s5 =	sand.u32 $0x380, s5  }
0x22a: {  	s5 =	sor.u32 s5, s6  }
0x22b: {  	s5 =	sshrl.u32 s5, $0x3  }
0x22c: {  	s13 =	sadd.s32 $0x7800, s2;
	s5 =	sadd.s32 s1, s5  }
0x22d: {  	[hbm:s13@s4], [sflag:s0] =	dma.strided [hbm:s5@s4], $0x200, s3, $0x10   }
0x22e: {  	s5 =	sld [smem:$0x49];
	_ =	sdelay $0x3  }
0x22f: {  	s14 =	sshll.u32 s5, $0xC;
	s5 =	sshll.u32 s5, $0x7  }
0x230: {  	s6 =	sand.u32 $0xFFFF8000, s14;
	s5 =	sand.u32 $0x380, s5  }
0x231: {  	s5 =	sor.u32 s5, s6  }
0x232: {  	s5 =	sshrl.u32 s5, $0x3  }
0x233: {  	s15 =	sadd.s32 $0x7810, s2;
	s5 =	sadd.s32 s1, s5  }
0x234: {  	[hbm:s15@s4], [sflag:s0] =	dma.strided [hbm:s5@s4], $0x200, s3, $0x10   }
0x235: {  	s5 =	sld [smem:$0x4A];
	_ =	sdelay $0x3  }
0x236: {  	s16 =	sshll.u32 s5, $0xC;
	s5 =	sshll.u32 s5, $0x7  }
0x237: {  	s6 =	sand.u32 $0xFFFF8000, s16;
	s5 =	sand.u32 $0x380, s5  }
0x238: {  	s5 =	sor.u32 s5, s6  }
0x239: {  	s5 =	sshrl.u32 s5, $0x3  }
0x23a: {  	s17 =	sadd.s32 $0x7820, s2;
	s5 =	sadd.s32 s1, s5  }
0x23b: {  	[hbm:s17@s4], [sflag:s0] =	dma.strided [hbm:s5@s4], $0x200, s3, $0x10   }
0x23c: {  	s5 =	sld [smem:$0x4B];
	_ =	sdelay $0x3  }
0x23d: {  	s18 =	sshll.u32 s5, $0xC;
	s5 =	sshll.u32 s5, $0x7  }
0x23e: {  	s6 =	sand.u32 $0xFFFF8000, s18;
	s5 =	sand.u32 $0x380, s5  }
0x23f: {  	s5 =	sor.u32 s5, s6  }
0x240: {  	s5 =	sshrl.u32 s5, $0x3  }
0x241: {  	s19 =	sadd.s32 $0x7830, s2;
	s5 =	sadd.s32 s1, s5  }
0x242: {  	[hbm:s19@s4], [sflag:s0] =	dma.strided [hbm:s5@s4], $0x200, s3, $0x10   }
0x243: {  	s5 =	sld [smem:$0x4C];
	_ =	sdelay $0x3  }
0x244: {  	s20 =	sshll.u32 s5, $0xC;
	s5 =	sshll.u32 s5, $0x7  }
0x245: {  	s6 =	sand.u32 $0xFFFF8000, s20;
	s5 =	sand.u32 $0x380, s5  }
0x246: {  	s5 =	sor.u32 s5, s6  }
0x247: {  	s5 =	sshrl.u32 s5, $0x3  }
0x248: {  	s21 =	sadd.s32 $0x7840, s2;
	s5 =	sadd.s32 s1, s5  }
0x249: {  	[hbm:s21@s4], [sflag:s0] =	dma.strided [hbm:s5@s4], $0x200, s3, $0x10   }
0x24a: {  	s5 =	sld [smem:$0x4D];
	_ =	sdelay $0x3  }
0x24b: {  	s22 =	sshll.u32 s5, $0xC;
	s5 =	sshll.u32 s5, $0x7  }
0x24c: {  	s6 =	sand.u32 $0xFFFF8000, s22;
	s5 =	sand.u32 $0x380, s5  }
0x24d: {  	s5 =	sor.u32 s5, s6  }
0x24e: {  	s5 =	sshrl.u32 s5, $0x3  }
0x24f: {  	s23 =	sadd.s32 $0x7850, s2;
	s5 =	sadd.s32 s1, s5  }
0x250: {  	[hbm:s23@s4], [sflag:s0] =	dma.strided [hbm:s5@s4], $0x200, s3, $0x10   }
0x251: {  	s5 =	sld [smem:$0x4E];
	_ =	sdelay $0x3  }
0x252: {  	s24 =	sshll.u32 s5, $0xC;
	s5 =	sshll.u32 s5, $0x7  }
0x253: {  	s6 =	sand.u32 $0xFFFF8000, s24;
	s5 =	sand.u32 $0x380, s5  }
0x254: {  	s5 =	sor.u32 s5, s6  }
0x255: {  	s5 =	sshrl.u32 s5, $0x3  }
0x256: {  	s25 =	sadd.s32 $0x7860, s2;
	s5 =	sadd.s32 s1, s5  }
0x257: {  	[hbm:s25@s4], [sflag:s0] =	dma.strided [hbm:s5@s4], $0x200, s3, $0x10   }
0x258: {  	s5 =	sld [smem:$0x4F];
	_ =	sdelay $0x3  }
0x259: {  	s26 =	sshll.u32 s5, $0xC;
	s5 =	sshll.u32 s5, $0x7  }
0x25a: {  	s6 =	sand.u32 $0xFFFF8000, s26;
	s5 =	sand.u32 $0x380, s5  }
0x25b: {  	s5 =	sor.u32 s5, s6  }
0x25c: {  	s5 =	sshrl.u32 s5, $0x3  }
0x25d: {  	s2 =	sadd.s32 $0x7870, s2;
	s1 =	sadd.s32 s1, s5  }
0x25e: {  	[hbm:s2@s4], [sflag:s0] =	dma.strided [hbm:s1@s4], $0x200, s3, $0x10   }
0x25f: {  	_ =	swait.ge [sflag:s0], $0x200  }
0x260: {  	[sflag:s0] =	ssyncset.done $0x0  }
0x261: {  	[sflag:s0] =	ssyncadd.s32 $0xFFFFFE00;
	_ =	sdelay $0x2  }
0x262: {  	_ =	swait.ge [sflag:s0], $0x200  }
0x263: {  	[sflag:s0] =	ssyncset.done $0x0  }
0x264: {  	[sflag:s0] =	ssyncadd.s32 $0xFFFFFE00;
	_ =	sdelay $0x2  }
0x265: {  	_ =	swait.ge [sflag:s0], $0x200  }
0x266: {  	[sflag:s0] =	ssyncset.done $0x0  }
0x267: {  	[sflag:s0] =	ssyncadd.s32 $0xFFFFFE00;
	_ =	sdelay $0x2  }
0x268: {  	_ =	swait.ge [sflag:s0], $0x200  }
0x269: {  	[sflag:s0] =	ssyncset.done $0x0  }
0x26a: {  	[sflag:s0] =	ssyncadd.s32 $0xFFFFFE00;
	_ =	sdelay $0x2  }
0x26b: {  	_ =	swait.ge [sflag:s0], $0x200  }
0x26c: {  	[sflag:s0] =	ssyncset.done $0x0  }
0x26d: {  	[sflag:s0] =	ssyncadd.s32 $0xFFFFFE00;
	_ =	sdelay $0x2  }
0x26e: {  	_ =	swait.ge [sflag:s0], $0x200  }
0x26f: {  	[sflag:s0] =	ssyncset.done $0x0  }
0x270: {  	[sflag:s0] =	ssyncadd.s32 $0xFFFFFE00;
	_ =	sdelay $0x2  }
0x271: {  	_ =	swait.ge [sflag:s0], $0x200  }
0x272: {  	[sflag:s0] =	ssyncset.done $0x0  }
0x273: {  	[sflag:s0] =	ssyncadd.s32 $0xFFFFFE00;
	_ =	sdelay $0x2  }
0x274: {  	_ =	swait.ge [sflag:s0], $0x200  }
0x275: {  	[sflag:s0] =	ssyncset.done $0x0  }
0x276: {  	[sflag:s0] =	ssyncadd.s32 $0xFFFFFE00;
	_ =	sdelay $0x2  }
0x277: {  	_ =	swait.ge [sflag:s0], $0x200  }
0x278: {  	[sflag:s0] =	ssyncset.done $0x0  }
0x279: {  	[sflag:s0] =	ssyncadd.s32 $0xFFFFFE00;
	_ =	sdelay $0x2  }
0x27a: {  	_ =	swait.ge [sflag:s0], $0x200  }
0x27b: {  	[sflag:s0] =	ssyncset.done $0x0  }
0x27c: {  	[sflag:s0] =	ssyncadd.s32 $0xFFFFFE00;
	_ =	sdelay $0x2  }
0x27d: {  	_ =	swait.ge [sflag:s0], $0x200  }
0x27e: {  	[sflag:s0] =	ssyncset.done $0x0  }
0x27f: {  	[sflag:s0] =	ssyncadd.s32 $0xFFFFFE00;
	_ =	sdelay $0x2  }
0x280: {  	_ =	swait.ge [sflag:s0], $0x200  }
0x281: {  	[sflag:s0] =	ssyncset.done $0x0  }
0x282: {  	[sflag:s0] =	ssyncadd.s32 $0xFFFFFE00;
	_ =	sdelay $0x2  }
0x283: {  	_ =	swait.ge [sflag:s0], $0x200  }
0x284: {  	[sflag:s0] =	ssyncset.done $0x0  }
0x285: {  	[sflag:s0] =	ssyncadd.s32 $0xFFFFFE00;
	_ =	sdelay $0x2  }
0x286: {  	_ =	swait.ge [sflag:s0], $0x200  }
0x287: {  	[sflag:s0] =	ssyncset.done $0x0  }
0x288: {  	[sflag:s0] =	ssyncadd.s32 $0xFFFFFE00;
	_ =	sdelay $0x2  }
0x289: {  	_ =	swait.ge [sflag:s0], $0x200  }
0x28a: {  	[sflag:s0] =	ssyncset.done $0x0  }
0x28b: {  	[sflag:s0] =	ssyncadd.s32 $0xFFFFFE00;
	_ =	sdelay $0x2  }
0x28c: {  	_ =	swait.ge [sflag:s0], $0x200  }
0x28d: {  	[sflag:s0] =	ssyncset.done $0x0  }
0x28e: {  	[sflag:s0] =	ssyncadd.s32 $0xFFFFFE00;
	_ =	sdelay $0x2  }
0x28f: {  	_ =	swait.ge [sflag:s0], $0x200  }
0x290: {  	[sflag:s0] =	ssyncset.done $0x0  }
0x291: {  	[sflag:s0] =	ssyncadd.s32 $0xFFFFFE00;
	_ =	sdelay $0x2  }
0x292: {  	_ =	swait.ge [sflag:s0], $0x200  }
0x293: {  	[sflag:s0] =	ssyncset.done $0x0  }
0x294: {  	[sflag:s0] =	ssyncadd.s32 $0xFFFFFE00;
	_ =	sdelay $0x2  }
0x295: {  	_ =	swait.ge [sflag:s0], $0x200  }
0x296: {  	[sflag:s0] =	ssyncset.done $0x0  }
0x297: {  	[sflag:s0] =	ssyncadd.s32 $0xFFFFFE00;
	_ =	sdelay $0x2  }
0x298: {  	_ =	swait.ge [sflag:s0], $0x200  }
0x299: {  	[sflag:s0] =	ssyncset.done $0x0  }
0x29a: {  	[sflag:s0] =	ssyncadd.s32 $0xFFFFFE00;
	_ =	sdelay $0x2  }
0x29b: {  	_ =	swait.ge [sflag:s0], $0x200  }
0x29c: {  	[sflag:s0] =	ssyncset.done $0x0  }
0x29d: {  	[sflag:s0] =	ssyncadd.s32 $0xFFFFFE00;
	_ =	sdelay $0x2  }
0x29e: {  	_ =	swait.ge [sflag:s0], $0x200  }
0x29f: {  	[sflag:s0] =	ssyncset.done $0x0  }
0x2a0: {  	[sflag:s0] =	ssyncadd.s32 $0xFFFFFE00;
	_ =	sdelay $0x2  }
0x2a1: {  	_ =	swait.ge [sflag:s0], $0x200  }
0x2a2: {  	[sflag:s0] =	ssyncset.done $0x0  }
0x2a3: {  	[sflag:s0] =	ssyncadd.s32 $0xFFFFFE00;
	_ =	sdelay $0x2  }
0x2a4: {  	_ =	swait.ge [sflag:s0], $0x200  }
0x2a5: {  	[sflag:s0] =	ssyncset.done $0x0  }
0x2a6: {  	[sflag:s0] =	ssyncadd.s32 $0xFFFFFE00;
	_ =	sdelay $0x2  }
0x2a7: {  	_ =	swait.ge [sflag:s0], $0x200  }
0x2a8: {  	[sflag:s0] =	ssyncset.done $0x0  }
0x2a9: {  	[sflag:s0] =	ssyncadd.s32 $0xFFFFFE00;
	_ =	sdelay $0x2  }
0x2aa: {  	_ =	swait.ge [sflag:s0], $0x200  }
0x2ab: {  	[sflag:s0] =	ssyncset.done $0x0  }
0x2ac: {  	[sflag:s0] =	ssyncadd.s32 $0xFFFFFE00;
	_ =	sdelay $0x2  }
0x2ad: {  	_ =	swait.ge [sflag:s0], $0x200  }
0x2ae: {  	[sflag:s0] =	ssyncset.done $0x0  }
0x2af: {  	[sflag:s0] =	ssyncadd.s32 $0xFFFFFE00;
	_ =	sdelay $0x2  }
0x2b0: {  	_ =	swait.ge [sflag:s0], $0x200  }
0x2b1: {  	[sflag:s0] =	ssyncset.done $0x0  }
0x2b2: {  	[sflag:s0] =	ssyncadd.s32 $0xFFFFFE00;
	_ =	sdelay $0x2  }
0x2b3: {  	_ =	swait.ge [sflag:s0], $0x200  }
0x2b4: {  	[sflag:s0] =	ssyncset.done $0x0  }
0x2b5: {  	[sflag:s0] =	ssyncadd.s32 $0xFFFFFE00;
	_ =	sdelay $0x2  }
0x2b6: {  	_ =	swait.ge [sflag:s0], $0x200  }
0x2b7: {  	[sflag:s0] =	ssyncset.done $0x0  }
0x2b8: {  	[sflag:s0] =	ssyncadd.s32 $0xFFFFFE00;
	_ =	sdelay $0x2  }
0x2b9: {  	_ =	swait.ge [sflag:s0], $0x200  }
0x2ba: {  	[sflag:s0] =	ssyncset.done $0x0  }
0x2bb: {  	[sflag:s0] =	ssyncadd.s32 $0xFFFFFE00;
	_ =	sdelay $0x2  }
0x2bc: {  	_ =	swait.ge [sflag:s0], $0x200  }
0x2bd: {  	[sflag:s0] =	ssyncset.done $0x0  }
0x2be: {  	[sflag:s0] =	ssyncadd.s32 $0xFFFFFE00;
	_ =	sdelay $0x2  }
0x2bf: {  	_ =	swait.ge [sflag:s0], $0x200  }
0x2c0: {  	[sflag:s0] =	ssyncset.done $0x0  }
0x2c1: {  	[sflag:s0] =	ssyncadd.s32 $0xFFFFFE00;
	_ =	sdelay $0x2  }
0x2c2: {  	_ =	swait.ge [sflag:s0], $0x200  }
0x2c3: {  	[sflag:s0] =	ssyncset.done $0x0  }
0x2c4: {  	[sflag:s0] =	ssyncadd.s32 $0xFFFFFE00;
	_ =	sdelay $0x2  }
0x2c5: {  	_ =	swait.ge [sflag:s0], $0x200  }
0x2c6: {  	[sflag:s0] =	ssyncset.done $0x0  }
0x2c7: {  	[sflag:s0] =	ssyncadd.s32 $0xFFFFFE00;
	_ =	sdelay $0x2  }
0x2c8: {  	_ =	swait.ge [sflag:s0], $0x200  }
0x2c9: {  	[sflag:s0] =	ssyncset.done $0x0  }
0x2ca: {  	[sflag:s0] =	ssyncadd.s32 $0xFFFFFE00;
	_ =	sdelay $0x2  }
0x2cb: {  	_ =	swait.ge [sflag:s0], $0x200  }
0x2cc: {  	[sflag:s0] =	ssyncset.done $0x0  }
0x2cd: {  	[sflag:s0] =	ssyncadd.s32 $0xFFFFFE00;
	_ =	sdelay $0x2  }
0x2ce: {  	_ =	swait.ge [sflag:s0], $0x200  }
0x2cf: {  	[sflag:s0] =	ssyncset.done $0x0  }
0x2d0: {  	[sflag:s0] =	ssyncadd.s32 $0xFFFFFE00;
	_ =	sdelay $0x2  }
0x2d1: {  	_ =	swait.ge [sflag:s0], $0x200  }
0x2d2: {  	[sflag:s0] =	ssyncset.done $0x0  }
0x2d3: {  	[sflag:s0] =	ssyncadd.s32 $0xFFFFFE00;
	_ =	sdelay $0x2  }
0x2d4: {  	_ =	swait.ge [sflag:s0], $0x200  }
0x2d5: {  	[sflag:s0] =	ssyncset.done $0x0  }
0x2d6: {  	[sflag:s0] =	ssyncadd.s32 $0xFFFFFE00;
	_ =	sdelay $0x2  }
0x2d7: {  	_ =	swait.ge [sflag:s0], $0x200  }
0x2d8: {  	[sflag:s0] =	ssyncset.done $0x0  }
0x2d9: {  	[sflag:s0] =	ssyncadd.s32 $0xFFFFFE00;
	_ =	sdelay $0x2  }
0x2da: {  	_ =	swait.ge [sflag:s0], $0x200  }
0x2db: {  	[sflag:s0] =	ssyncset.done $0x0  }
0x2dc: {  	[sflag:s0] =	ssyncadd.s32 $0xFFFFFE00;
	_ =	sdelay $0x2  }
0x2dd: {  	_ =	swait.ge [sflag:s0], $0x200  }
0x2de: {  	[sflag:s0] =	ssyncset.done $0x0  }
0x2df: {  	[sflag:s0] =	ssyncadd.s32 $0xFFFFFE00;
	_ =	sdelay $0x2  }
0x2e0: {  	_ =	swait.ge [sflag:s0], $0x200  }
0x2e1: {  	[sflag:s0] =	ssyncset.done $0x0  }
0x2e2: {  	[sflag:s0] =	ssyncadd.s32 $0xFFFFFE00;
	_ =	sdelay $0x2  }
0x2e3: {  	_ =	swait.ge [sflag:s0], $0x200  }
0x2e4: {  	[sflag:s0] =	ssyncset.done $0x0  }
0x2e5: {  	[sflag:s0] =	ssyncadd.s32 $0xFFFFFE00;
	_ =	sdelay $0x2  }
0x2e6: {  	_ =	swait.ge [sflag:s0], $0x200  }
0x2e7: {  	[sflag:s0] =	ssyncset.done $0x0  }
0x2e8: {  	[sflag:s0] =	ssyncadd.s32 $0xFFFFFE00;
	_ =	sdelay $0x2  }
0x2e9: {  	_ =	swait.ge [sflag:s0], $0x200  }
0x2ea: {  	[sflag:s0] =	ssyncset.done $0x0  }
0x2eb: {  	[sflag:s0] =	ssyncadd.s32 $0xFFFFFE00;
	_ =	sdelay $0x2  }
0x2ec: {  	_ =	swait.ge [sflag:s0], $0x200  }
0x2ed: {  	[sflag:s0] =	ssyncset.done $0x0  }
0x2ee: {  	[sflag:s0] =	ssyncadd.s32 $0xFFFFFE00;
	_ =	sdelay $0x2  }
0x2ef: {  	_ =	swait.ge [sflag:s0], $0x200  }
0x2f0: {  	[sflag:s0] =	ssyncset.done $0x0  }
0x2f1: {  	[sflag:s0] =	ssyncadd.s32 $0xFFFFFE00;
	_ =	sdelay $0x2  }
0x2f2: {  	_ =	swait.ge [sflag:s0], $0x200  }
0x2f3: {  	[sflag:s0] =	ssyncset.done $0x0  }
0x2f4: {  	[sflag:s0] =	ssyncadd.s32 $0xFFFFFE00;
	_ =	sdelay $0x2  }
0x2f5: {  	_ =	swait.ge [sflag:s0], $0x200  }
0x2f6: {  	[sflag:s0] =	ssyncset.done $0x0  }
0x2f7: {  	[sflag:s0] =	ssyncadd.s32 $0xFFFFFE00;
	_ =	sdelay $0x2  }
0x2f8: {  	_ =	swait.ge [sflag:s0], $0x200  }
0x2f9: {  	[sflag:s0] =	ssyncset.done $0x0  }
0x2fa: {  	[sflag:s0] =	ssyncadd.s32 $0xFFFFFE00;
	_ =	sdelay $0x2  }
0x2fb: {  	_ =	swait.ge [sflag:s0], $0x200  }
0x2fc: {  	[sflag:s0] =	ssyncset.done $0x0  }
0x2fd: {  	[sflag:s0] =	ssyncadd.s32 $0xFFFFFE00;
	_ =	sdelay $0x2  }
0x2fe: {  	_ =	swait.ge [sflag:s0], $0x200  }
0x2ff: {  	[sflag:s0] =	ssyncset.done $0x0  }
0x300: {  	[sflag:s0] =	ssyncadd.s32 $0xFFFFFE00;
	_ =	sdelay $0x2  }
0x301: {  	_ =	swait.ge [sflag:s0], $0x200  }
0x302: {  	[sflag:s0] =	ssyncset.done $0x0  }
0x303: {  	[sflag:s0] =	ssyncadd.s32 $0xFFFFFE00;
	_ =	sdelay $0x2  }
0x304: {  	_ =	swait.ge [sflag:s0], $0x200  }
0x305: {  	[sflag:s0] =	ssyncset.done $0x0  }
0x306: {  	[sflag:s0] =	ssyncadd.s32 $0xFFFFFE00;
	_ =	sdelay $0x2  }
0x307: {  	_ =	swait.ge [sflag:s0], $0x200  }
0x308: {  	[sflag:s0] =	ssyncset.done $0x0  }
0x309: {  	[sflag:s0] =	ssyncadd.s32 $0xFFFFFE00;
	_ =	sdelay $0x2  }
0x30a: {  	_ =	swait.ge [sflag:s0], $0x200  }
0x30b: {  	[sflag:s0] =	ssyncset.done $0x0  }
0x30c: {  	[sflag:s0] =	ssyncadd.s32 $0xFFFFFE00;
	_ =	sdelay $0x2  }
0x30d: {  	_ =	swait.ge [sflag:s0], $0x200  }
0x30e: {  	[sflag:s0] =	ssyncset.done $0x0  }
0x30f: {  	[sflag:s0] =	ssyncadd.s32 $0xFFFFFE00;
	_ =	sdelay $0x2  }
0x310: {  	_ =	swait.ge [sflag:s0], $0x200  }
0x311: {  	[sflag:s0] =	ssyncset.done $0x0  }
0x312: {  	[sflag:s0] =	ssyncadd.s32 $0xFFFFFE00;
	_ =	sdelay $0x2  }
0x313: {  	_ =	swait.ge [sflag:s0], $0x200  }
0x314: {  	[sflag:s0] =	ssyncset.done $0x0  }
0x315: {  	[sflag:s0] =	ssyncadd.s32 $0xFFFFFE00;
	_ =	sdelay $0x2  }
0x316: {  	_ =	swait.ge [sflag:s0], $0x200  }
0x317: {  	[sflag:s0] =	ssyncset.done $0x0  }
0x318: {  	[sflag:s0] =	ssyncadd.s32 $0xFFFFFE00;
	_ =	sdelay $0x2  }
0x319: {  	_ =	swait.ge [sflag:s0], $0x200  }
0x31a: {  	[sflag:s0] =	ssyncset.done $0x0  }
0x31b: {  	[sflag:s0] =	ssyncadd.s32 $0xFFFFFE00;
	_ =	sdelay $0x2  }
0x31c: {  	_ =	swait.ge [sflag:s0], $0x200  }
0x31d: {  	[sflag:s0] =	ssyncset.done $0x0  }
0x31e: {  	[sflag:s0] =	ssyncadd.s32 $0xFFFFFE00  }
0x31f: {  	_ =	strace $0x90000046  }
0x320: {  	_ =	sfence  }
0x321: {  	s28 =	sld [smem:$0x0];
	_ =	sdelay $0x1  }
0x322: {  	s29 =	srdreg.scid  }
0x323: {  	s30 =	sshll.u32 s29, $0xD;
	s31 =	sshrl.u32 s29, $0x2  }
0x324: {  	s1 =	sand.u32 $0x1, s29;
	s2 =	sand.u32 $0x4000, s30;
	s0 =	sadd.s32 s31, s28  }
0x325: {  	s1 =	sor.u32 s2, s1;
	s0 =	sshll.u32 s0, $0x11  }
0x326: {  	s0 =	sor.u32 s0, s1  }
0x327: {  	s0 =	sadd.s32 $0x8F2B, s0;
	(pc) =	sbr.abs _section_cstart, $3  }
0x328: {  	[sflag:s0] =	ssyncadd.remote.s32 $0x1  }
0x329: {  	_ =	strace $0x9FFFFFFF  }
0x32a: {  	(tm) =	ssettm $0x7FFFFFFF  }
0x32b: {  	_ =	shalt  }

</sc_bundles>
